<compile_context>
chip_gen: v7x
topology: tpu7x:2x2x1
jax: 0.10.2.dev20260603
libtpu: 0.0.44.dev20260713+nightly
codegen_flags: <defaults>
</compile_context>

<pallas_src>
import jax
import jax.numpy as jnp
from jax import lax
from jax.experimental import pallas as pl
from jax.experimental.pallas import tpu as pltpu
from jax.experimental.pallas import tpu_sc as plsc

N = 10000
D = 128
E = 320000

_NC = 2
_NS = 16
_NW = _NC * _NS

_CH = 128
_CPT = 80
_NCHUNK = 2500
_NCHUNK_PAD = _CPT * _NW
_NACC = 10112
_NPT = _NACC // _NS
_TRASH = 10016

_mesh = plsc.VectorSubcoreMesh(core_axis_name="c", subcore_axis_name="s",
                               num_cores=_NC, num_subcores=_NS)



def _idx_ops(src_hbm, dst_hbm, base, sidx, didx, semi):

    def start(jj, q):
        off = (base + jj) * _CH
        pltpu.async_copy(src_hbm.at[pl.ds(off, _CH)], sidx[q], semi[q])
        pltpu.async_copy(dst_hbm.at[pl.ds(off, _CH)], didx[q], semi[q])

    def wait(q):
        pltpu.make_async_copy(src_hbm.at[pl.ds(0, _CH)], sidx[q], semi[q]).wait()
        pltpu.make_async_copy(dst_hbm.at[pl.ds(0, _CH)], didx[q], semi[q]).wait()

    return start, wait


def _agg_body(src_hbm, dst_hbm, h_hbm, zeros_hbm, out_hbm, *refs):
    sidx, didx = list(refs[0:4]), list(refs[4:8])
    rows = list(refs[8:10])
    acc = refs[10]
    semi = list(refs[11:15])
    semg = list(refs[15:17])
    sems = list(refs[17:19])
    c = lax.axis_index("c")
    s = lax.axis_index("s")
    wid = c * _NS + s
    nb = jnp.minimum(_CPT, jnp.maximum(0, _NCHUNK - wid * _CPT))
    base = wid * _CPT
    idx_start, idx_wait = _idx_ops(src_hbm, dst_hbm, base, sidx, didx, semi)

    def gather_start(q, r):
        pltpu.async_copy(h_hbm.at[sidx[q]], rows[r], semg[r])

    def gather_wait(q, r):
        pltpu.make_async_copy(h_hbm.at[sidx[q]], rows[r], semg[r]).wait()

    def scat_start(q, r):
        pltpu.async_copy(rows[r], acc.at[didx[q]], sems[r], add=True)

    def scat_wait(q, r):
        pltpu.make_async_copy(rows[r], acc.at[didx[q]], sems[r]).wait()

    idx_start(0, 0)
    idx_start(1, 1)
    pltpu.sync_copy(zeros_hbm.at[pl.ds(s * _NPT, _NPT)],
                    acc.at[pl.ds(s * _NPT, _NPT)])
    plsc.subcore_barrier()

    def group(g, carry):
        for b in range(4):
            j = 4 * g + b
            q, r = b, b % 2
            q1, r1 = (b - 1) % 4, (b - 1) % 2
            idx_wait(q)
            if b >= 2:
                scat_wait(q, r)
            else:
                @pl.when(g > 0)
                def _():
                    scat_wait(q, r)
            gather_start(q, r)

            @pl.when(j + 2 < nb)
            def _():
                idx_start(j + 2, (b + 2) % 4)

            if b >= 1:
                gather_wait(q1, r1)
                scat_start(q1, r1)
            else:
                @pl.when(g > 0)
                def _():
                    gather_wait(q1, r1)
                    scat_start(q1, r1)
        return carry

    lax.fori_loop(0, nb // 4, group, 0)

    gather_wait(3, 1)
    scat_start(3, 1)
    scat_wait(2, 0)
    scat_wait(3, 1)

    plsc.subcore_barrier()
    pltpu.sync_copy(acc.at[pl.ds(s * _NPT, _NPT)],
                    out_hbm.at[c].at[pl.ds(s * _NPT, _NPT)])


_agg_call = pl.kernel(
    _agg_body,
    out_type=jax.ShapeDtypeStruct((_NC, _NACC, D), jnp.float32),
    mesh=_mesh,
    scratch_types=(
        [pltpu.VMEM((_CH,), jnp.int32)] * 8
        + [pltpu.VMEM((_CH, D), jnp.float32)] * 2
        + [pltpu.VMEM_SHARED((_NACC, D), jnp.float32)]
        + [pltpu.SemaphoreType.DMA] * 8
    ),
)


def _deg_body(dst_hbm, ones_hbm, zeros_hbm, out_hbm, *refs):
    didx = list(refs[0:4])
    ones_v = refs[4]
    acc = refs[5]
    semi = list(refs[6:10])
    sems = list(refs[10:12])
    c = lax.axis_index("c")
    s = lax.axis_index("s")
    wid = c * _NS + s
    nb = jnp.minimum(_CPT, jnp.maximum(0, _NCHUNK - wid * _CPT))
    base = wid * _CPT

    def idx_start(jj, q):
        off = (base + jj) * _CH
        pltpu.async_copy(dst_hbm.at[pl.ds(off, _CH)], didx[q], semi[q])

    def idx_wait(q):
        pltpu.make_async_copy(dst_hbm.at[pl.ds(0, _CH)], didx[q], semi[q]).wait()

    def scat_start(q, r):
        pltpu.async_copy(ones_v, acc.at[didx[q]], sems[r], add=True)

    def scat_wait(q, r):
        pltpu.make_async_copy(ones_v, acc.at[didx[q]], sems[r]).wait()

    idx_start(0, 0)
    idx_start(1, 1)
    pltpu.sync_copy(ones_hbm, ones_v)
    pltpu.sync_copy(zeros_hbm.at[pl.ds(s * _NPT, _NPT)],
                    acc.at[pl.ds(s * _NPT, _NPT)])
    plsc.subcore_barrier()

    def group(g, carry):
        for b in range(4):
            j = 4 * g + b
            q, r = b, b % 2
            idx_wait(q)
            if b >= 2:
                scat_wait(q, r)
            else:
                @pl.when(g > 0)
                def _():
                    scat_wait(q, r)
            scat_start(q, r)

            @pl.when(j + 2 < nb)
            def _():
                idx_start(j + 2, (b + 2) % 4)
        return carry

    lax.fori_loop(0, nb // 4, group, 0)
    scat_wait(2, 0)
    scat_wait(3, 1)

    plsc.subcore_barrier()
    pltpu.sync_copy(acc.at[pl.ds(s * _NPT, _NPT)],
                    out_hbm.at[c].at[pl.ds(s * _NPT, _NPT)])


_deg_call = pl.kernel(
    _deg_body,
    out_type=jax.ShapeDtypeStruct((_NC, _NACC, D), jnp.float32),
    mesh=_mesh,
    scratch_types=(
        [pltpu.VMEM((_CH,), jnp.int32)] * 4
        + [pltpu.VMEM((_CH, D), jnp.float32)]
        + [pltpu.VMEM_SHARED((_NACC, D), jnp.float32)]
        + [pltpu.SemaphoreType.DMA] * 6
    ),
)



_BLK = 2000


def _dinv_of(dega_ref, degb_ref):
    deg = 1.0 + dega_ref[:, 0:1] + degb_ref[:, 0:1]
    return jnp.where(deg > 0, lax.rsqrt(jnp.maximum(deg, 1e-12)), 0.0)


def _b1_body(x_ref, w_ref, dega_ref, degb_ref, h_ref):
    dinv = _dinv_of(dega_ref, degb_ref)
    h = jnp.dot(x_ref[...], w_ref[...], preferred_element_type=jnp.float32)
    h_ref[...] = h * dinv


def _b2_body(agg_ref, h1s_ref, dega_ref, degb_ref, b1_ref, gamma_ref,
             beta_ref, mean_ref, var_ref, w2_ref, h2s_ref):
    dinv = _dinv_of(dega_ref, degb_ref)
    z = dinv * (agg_ref[0] + agg_ref[1] + h1s_ref[...]) + b1_ref[...]
    y = gamma_ref[...] * (z - mean_ref[...]) * lax.rsqrt(var_ref[...] + 1e-5)
    y = jnp.maximum(y + beta_ref[...], 0.0)
    h2s_ref[...] = jnp.dot(y, w2_ref[...],
                           preferred_element_type=jnp.float32) * dinv


def _b3_body(agg_ref, h2s_ref, dega_ref, degb_ref, b2_ref, out_ref):
    dinv = _dinv_of(dega_ref, degb_ref)
    out_ref[...] = dinv * (agg_ref[0] + agg_ref[1] + h2s_ref[...]) + b2_ref[...]


_row_spec = pl.BlockSpec((_BLK, D), lambda i: (i, 0))
_deg_spec = pl.BlockSpec((_BLK, D), lambda i: (i, 0))
_mat_spec = pl.BlockSpec((D, D), lambda i: (0, 0))
_vec_spec = pl.BlockSpec((1, D), lambda i: (0, 0))
_agg_spec = pl.BlockSpec((_NC, _BLK, D), lambda i: (0, i, 0))

_b1_call = pl.pallas_call(
    _b1_body,
    grid=(N // _BLK,),
    in_specs=[_row_spec, _mat_spec, _deg_spec, _deg_spec],
    out_specs=_row_spec,
    out_shape=jax.ShapeDtypeStruct((N, D), jnp.float32),
)

_b2_call = pl.pallas_call(
    _b2_body,
    grid=(N // _BLK,),
    in_specs=[_agg_spec, _row_spec, _deg_spec, _deg_spec, _vec_spec,
              _vec_spec, _vec_spec, _vec_spec, _vec_spec, _mat_spec],
    out_specs=_row_spec,
    out_shape=jax.ShapeDtypeStruct((N, D), jnp.float32),
)

_b3_call = pl.pallas_call(
    _b3_body,
    grid=(N // _BLK,),
    in_specs=[_agg_spec, _row_spec, _deg_spec, _deg_spec, _vec_spec],
    out_specs=_row_spec,
    out_shape=jax.ShapeDtypeStruct((N, D), jnp.float32),
)


def _pad_chunks(idx, fill):
    pad = _NCHUNK * _CH - E
    return jnp.concatenate(
        [idx.astype(jnp.int32), jnp.full((pad,), fill, jnp.int32)])


def kernel(x, edge_index, W1, b1, gamma, beta, running_mean, running_var,
           W2, b2):
    src = _pad_chunks(edge_index[0], 0)
    dst = _pad_chunks(edge_index[1], _TRASH)
    zeros_d = jnp.zeros((_NACC, D), jnp.float32)
    ones_r = jnp.ones((_CH, D), jnp.float32)

    degp = _deg_call(dst, ones_r, zeros_d)
    dega, degb = degp[0], degp[1]

    h1s = _b1_call(x, W1, dega, degb)
    agg1 = _agg_call(src, dst, h1s, zeros_d)
    h2s = _b2_call(agg1, h1s, dega, degb,
                   b1.reshape(1, D), gamma.reshape(1, D), beta.reshape(1, D),
                   running_mean.reshape(1, D), running_var.reshape(1, D), W2)
    agg2 = _agg_call(src, dst, h2s, zeros_d)
    return _b3_call(agg2, h2s, dega, degb, b2.reshape(1, D))

# --- scband reference (transcript-rebuilt; emitter-appended) ---
"""Pipeline reference for scband-knowledge-graph-encoder-67044439491163 (READ-ONLY COPY).

The authoritative reference and input builder live on the scoring server;
editing this copy changes nothing except your own understanding.
"""

import jax, jax.numpy as jnp
import numpy as np

N_NODES = 10000
N_EDGES = 320000
D = 128


def setup_inputs(seed: int = 0) -> dict:
    key = jax.random.key(seed)
    ks = [jax.random.fold_in(key, i) for i in range(10)]
    x = jax.random.normal(ks[0], (N_NODES, D), dtype=jnp.float32)
    edge_index = jax.random.randint(ks[1], (2, N_EDGES), 0, N_NODES, dtype=jnp.int64)
    # layer 1 GCNConv params (in=128 -> hidden=128)
    W1 = jax.random.normal(ks[2], (D, D), dtype=jnp.float32) * (1.0 / np.sqrt(D))
    b1 = jnp.zeros((D,), dtype=jnp.float32)
    # BatchNorm1d(hidden) params, eval mode (running stats)
    gamma = jnp.ones((D,), dtype=jnp.float32)
    beta = jnp.zeros((D,), dtype=jnp.float32)
    running_mean = jnp.zeros((D,), dtype=jnp.float32)
    running_var = jnp.ones((D,), dtype=jnp.float32)
    # layer 2 GCNConv params (hidden=128 -> out=128)
    W2 = jax.random.normal(ks[3], (D, D), dtype=jnp.float32) * (1.0 / np.sqrt(D))
    b2 = jnp.zeros((D,), dtype=jnp.float32)
    return {
        "x": x,
        "edge_index": edge_index,
        "W1": W1,
        "b1": b1,
        "gamma": gamma,
        "beta": beta,
        "running_mean": running_mean,
        "running_var": running_var,
        "W2": W2,
        "b2": b2,
    }


def _gcn_conv(x, edge_index, W, b, num_nodes):
    # PyG-style GCNConv: add self-loops, symmetric normalization, sum aggregation
    src = edge_index[0]
    dst = edge_index[1]
    loop = jnp.arange(num_nodes, dtype=edge_index.dtype)
    src = jnp.concatenate([src, loop])
    dst = jnp.concatenate([dst, loop])
    ones = jnp.ones(src.shape[0], dtype=x.dtype)
    deg = jax.ops.segment_sum(ones, dst, num_segments=num_nodes)
    deg_inv_sqrt = jnp.where(deg > 0, jax.lax.rsqrt(jnp.maximum(deg, 1e-12)), 0.0)
    norm = deg_inv_sqrt[src] * deg_inv_sqrt[dst]
    h = x @ W
    msg = h[src] * norm[:, None]
    out = jax.ops.segment_sum(msg, dst, num_segments=num_nodes)
    return out + b


def reference(x, edge_index, W1, b1, gamma, beta, running_mean, running_var, W2, b2):
    num_nodes = x.shape[0]
    # layer 1
    h = _gcn_conv(x, edge_index, W1, b1, num_nodes)
    # BatchNorm1d in eval mode (running statistics); dropout is identity in eval
    h = gamma * (h - running_mean) / jnp.sqrt(running_var + 1e-5) + beta
    h = jax.nn.relu(h)
    # layer 2 (final conv, no BN/relu)
    out = _gcn_conv(h, edge_index, W2, b2, num_nodes)
    return out

if __name__ == "__main__":
    import jax
    _d = setup_inputs()
    print(jax.jit(kernel)(*tuple(_d.values())))

</pallas_src>

<mosaic_0001>
#map = affine_map<(d0, d1) -> (0)>
#map1 = affine_map<(d0, d1) -> (0, 0)>
#map2 = affine_map<(d0, d1) -> (0, 0, 0)>
module attributes {stable_mosaic.version = 14 : i64} {
  func.func @_agg_body(%arg0: i32, %arg1: i32, %arg2: memref<320000xi32, #tpu.memory_space<hbm>>, %arg3: memref<320000xi32, #tpu.memory_space<hbm>>, %arg4: memref<10000x128xf32, #tpu.memory_space<hbm>>, %arg5: memref<10112x128xf32, #tpu.memory_space<hbm>>, %arg6: memref<2x10112x128xf32, #tpu.memory_space<hbm>>, %arg7: memref<128xi32, #tpu.memory_space<vmem>>, %arg8: memref<128xi32, #tpu.memory_space<vmem>>, %arg9: memref<128xi32, #tpu.memory_space<vmem>>, %arg10: memref<128xi32, #tpu.memory_space<vmem>>, %arg11: memref<128xi32, #tpu.memory_space<vmem>>, %arg12: memref<128xi32, #tpu.memory_space<vmem>>, %arg13: memref<128xi32, #tpu.memory_space<vmem>>, %arg14: memref<128xi32, #tpu.memory_space<vmem>>, %arg15: memref<128x128xf32, #tpu.memory_space<vmem>>, %arg16: memref<128x128xf32, #tpu.memory_space<vmem>>, %arg17: memref<10112x128xf32, #tpu.memory_space<vmem_shared>>, %arg18: memref<!tpu.dma_semaphore, #tpu.memory_space<semaphore_mem>>, %arg19: memref<!tpu.dma_semaphore, #tpu.memory_space<semaphore_mem>>, %arg20: memref<!tpu.dma_semaphore, #tpu.memory_space<semaphore_mem>>, %arg21: memref<!tpu.dma_semaphore, #tpu.memory_space<semaphore_mem>>, %arg22: memref<!tpu.dma_semaphore, #tpu.memory_space<semaphore_mem>>, %arg23: memref<!tpu.dma_semaphore, #tpu.memory_space<semaphore_mem>>, %arg24: memref<!tpu.dma_semaphore, #tpu.memory_space<semaphore_mem>>, %arg25: memref<!tpu.dma_semaphore, #tpu.memory_space<semaphore_mem>>) attributes {dimension_semantics = [#tpu.dimension_semantics<core_parallel>, #tpu.dimension_semantics<subcore_parallel>], iteration_bounds = array<i64: 2, 16>, scalar_prefetch = 0 : i64, scratch_operands = 19 : i64, tpu.core_type = #tpu.core_type<sc_vector_subcore>, window_params = [{transform_indices = #map}, {transform_indices = #map}, {transform_indices = #map1}, {transform_indices = #map1}, {transform_indices = #map2}]} {
    %mul3A = arith.constant 16 : i32
    %mul3A_0 = arith.muli %arg0, %mul3A : i32
    %add3A = arith.addi %mul3A_0, %arg1 : i32
    %mul3A_1 = arith.constant 80 : i32
    %mul3A_2 = arith.muli %add3A, %mul3A_1 : i32
    %sub3A = arith.constant 2500 : i32
    %sub3A_3 = arith.subi %sub3A, %mul3A_2 : i32
    %max3A = arith.constant 0 : i32
    %max3A_4 = arith.maxsi %max3A, %sub3A_3 : i32
    %min3A = arith.constant 80 : i32
    %min3A_5 = arith.minsi %min3A, %max3A_4 : i32
    %mul3A_6 = arith.constant 80 : i32
    %mul3A_7 = arith.muli %add3A, %mul3A_6 : i32
    %add3A_8 = arith.constant 0 : i32
    %add3A_9 = arith.addi %mul3A_7, %add3A_8 : i32
    %mul3A_10 = arith.constant 128 : i32
    %mul3A_11 = arith.muli %add3A_9, %mul3A_10 : i32
    %dma_start3A = tpu.memref_slice %arg2[%mul3A_11] : memref<320000xi32, #tpu.memory_space<hbm>> -> memref<128xi32, #tpu.memory_space<hbm>>
    %dma_start3A_12 = tpu.memref_slice %arg2[%mul3A_11] : memref<320000xi32, #tpu.memory_space<hbm>> -> memref<128xi32, #tpu.memory_space<hbm>>
    tpu.enqueue_dma source(%dma_start3A_12 : memref<128xi32, #tpu.memory_space<hbm>>) target(%arg7 : memref<128xi32, #tpu.memory_space<vmem>>) target_semaphore(%arg18 : memref<!tpu.dma_semaphore, #tpu.memory_space<semaphore_mem>>)
    %dma_start3A_13 = tpu.memref_slice %arg3[%mul3A_11] : memref<320000xi32, #tpu.memory_space<hbm>> -> memref<128xi32, #tpu.memory_space<hbm>>
    %dma_start3A_14 = tpu.memref_slice %arg3[%mul3A_11] : memref<320000xi32, #tpu.memory_space<hbm>> -> memref<128xi32, #tpu.memory_space<hbm>>
    tpu.enqueue_dma source(%dma_start3A_14 : memref<128xi32, #tpu.memory_space<hbm>>) target(%arg11 : memref<128xi32, #tpu.memory_space<vmem>>) target_semaphore(%arg18 : memref<!tpu.dma_semaphore, #tpu.memory_space<semaphore_mem>>)
    %add3A_15 = arith.constant 1 : i32
    %add3A_16 = arith.addi %mul3A_7, %add3A_15 : i32
    %mul3A_17 = arith.constant 128 : i32
    %mul3A_18 = arith.muli %add3A_16, %mul3A_17 : i32
    %dma_start3A_19 = tpu.memref_slice %arg2[%mul3A_18] : memref<320000xi32, #tpu.memory_space<hbm>> -> memref<128xi32, #tpu.memory_space<hbm>>
    %dma_start3A_20 = tpu.memref_slice %arg2[%mul3A_18] : memref<320000xi32, #tpu.memory_space<hbm>> -> memref<128xi32, #tpu.memory_space<hbm>>
    tpu.enqueue_dma source(%dma_start3A_20 : memref<128xi32, #tpu.memory_space<hbm>>) target(%arg8 : memref<128xi32, #tpu.memory_space<vmem>>) target_semaphore(%arg19 : memref<!tpu.dma_semaphore, #tpu.memory_space<semaphore_mem>>)
    %dma_start3A_21 = tpu.memref_slice %arg3[%mul3A_18] : memref<320000xi32, #tpu.memory_space<hbm>> -> memref<128xi32, #tpu.memory_space<hbm>>
    %dma_start3A_22 = tpu.memref_slice %arg3[%mul3A_18] : memref<320000xi32, #tpu.memory_space<hbm>> -> memref<128xi32, #tpu.memory_space<hbm>>
    tpu.enqueue_dma source(%dma_start3A_22 : memref<128xi32, #tpu.memory_space<hbm>>) target(%arg12 : memref<128xi32, #tpu.memory_space<vmem>>) target_semaphore(%arg19 : memref<!tpu.dma_semaphore, #tpu.memory_space<semaphore_mem>>)
    %mul3A_23 = arith.constant 632 : i32
    %mul3A_24 = arith.muli %arg1, %mul3A_23 : i32
    %mul3A_25 = arith.constant 632 : i32
    %mul3A_26 = arith.muli %arg1, %mul3A_25 : i32
    "tpu.region"() ({
      %run_scoped3A = tpu.sem_alloc : memref<!tpu.dma_semaphore, #tpu.memory_space<semaphore_mem>>
      %dma_start3A_69 = arith.constant 0 : i32
      %dma_start3A_70 = tpu.memref_slice %arg17[%mul3A_26, %dma_start3A_69] : memref<10112x128xf32, #tpu.memory_space<vmem_shared>> -> memref<632x128xf32, #tpu.memory_space<vmem_shared>>
      %dma_start3A_71 = arith.constant 0 : i32
      %dma_start3A_72 = tpu.memref_slice %arg5[%mul3A_24, %dma_start3A_71] : memref<10112x128xf32, #tpu.memory_space<hbm>> -> memref<632x128xf32, #tpu.memory_space<hbm>>
      tpu.enqueue_dma source(%dma_start3A_72 : memref<632x128xf32, #tpu.memory_space<hbm>>) target(%dma_start3A_70 : memref<632x128xf32, #tpu.memory_space<vmem_shared>>) target_semaphore(%run_scoped3A : memref<!tpu.dma_semaphore, #tpu.memory_space<semaphore_mem>>)
      %dma_wait3A_73 = arith.constant 0 : i32
      %dma_wait3A_74 = tpu.memref_slice %arg17[%mul3A_26, %dma_wait3A_73] : memref<10112x128xf32, #tpu.memory_space<vmem_shared>> -> memref<632x128xf32, #tpu.memory_space<vmem_shared>>
      %dma_wait3A_75 = arith.constant 0 : i32
      %dma_wait3A_76 = tpu.memref_slice %arg5[%mul3A_24, %dma_wait3A_75] : memref<10112x128xf32, #tpu.memory_space<hbm>> -> memref<632x128xf32, #tpu.memory_space<hbm>>
      tpu.wait_dma2 semaphore(%run_scoped3A : memref<!tpu.dma_semaphore, #tpu.memory_space<semaphore_mem>>) src(%dma_wait3A_76 : memref<632x128xf32, #tpu.memory_space<hbm>>) dst(%dma_wait3A_74 : memref<632x128xf32, #tpu.memory_space<vmem_shared>>)
      tpu.yield
    }) : () -> ()
    %barrier3A = arith.constant 0 : index
    tpu.barrier barrier_id(%barrier3A)
    %jit3A = arith.constant 4 : i32
    %div3A = arith.divsi %min3A_5, %jit3A : i32
    %sign3A = arith.constant 0 : i32
    %sign3A_27 = arith.cmpi sgt, %min3A_5, %sign3A : i32
    %sign3A_28 = arith.extui %sign3A_27 : i1 to i32
    %sign3A_29 = arith.constant 0 : i32
    %sign3A_30 = arith.cmpi slt, %min3A_5, %sign3A_29 : i32
    %sign3A_31 = arith.extui %sign3A_30 : i1 to i32
    %sign3A_32 = arith.subi %sign3A_28, %sign3A_31 : i32
    %sign3A_33 = arith.constant 0 : i32
    %sign3A_34 = arith.cmpi sgt, %jit3A, %sign3A_33 : i32
    %sign3A_35 = arith.extui %sign3A_34 : i1 to i32
    %sign3A_36 = arith.constant 0 : i32
    %sign3A_37 = arith.cmpi slt, %jit3A, %sign3A_36 : i32
    %sign3A_38 = arith.extui %sign3A_37 : i1 to i32
    %sign3A_39 = arith.subi %sign3A_35, %sign3A_38 : i32
    %ne3A = arith.cmpi ne, %sign3A_32, %sign3A_39 : i32
    %rem3A = arith.remsi %min3A_5, %jit3A : i32
    %ne3A_40 = arith.constant 0 : i32
    %ne3A_41 = arith.cmpi ne, %rem3A, %ne3A_40 : i32
    %and3A = arith.andi %ne3A, %ne3A_41 : i1
    %sub3A_42 = arith.constant 1 : i32
    %sub3A_43 = arith.subi %div3A, %sub3A_42 : i32
    %select_n3A = arith.select %and3A, %sub3A_43, %div3A : i32
    %while3A = arith.constant 0 : i32
    %while3A_44 = arith.constant 0 : i32
    %while3A_45 = arith.subi %select_n3A, %while3A_44 : i32
    %while3A_46 = arith.addi %while3A_44, %while3A_45 : i32
    %while3A_47 = arith.constant 1 : i32
    %while3A_48 = arith.divsi %while3A_45, %while3A_47 : i32
    %while3A_49 = arith.muli %while3A_48, %while3A_47 : i32
    %while3A_50 = arith.addi %while3A_44, %while3A_49 : i32
    %while3A_51 = arith.constant 1 : i32
    scf.for %while3A_69 = %while3A_44 to %while3A_50 step %while3A_51  : i32 {
      %mul3A_70 = arith.constant 4 : i32
      %mul3A_71 = arith.muli %mul3A_70, %while3A_69 : i32
      %add3A_72 = arith.constant 0 : i32
      %add3A_73 = arith.addi %mul3A_71, %add3A_72 : i32
      %dma_wait3A_74 = arith.constant 0 : i32
      %dma_wait3A_75 = tpu.memref_slice %arg2[%dma_wait3A_74] : memref<320000xi32, #tpu.memory_space<hbm>> -> memref<128xi32, #tpu.memory_space<hbm>>
      %dma_wait3A_76 = arith.constant 0 : i32
      %dma_wait3A_77 = tpu.memref_slice %arg2[%dma_wait3A_76] : memref<320000xi32, #tpu.memory_space<hbm>> -> memref<128xi32, #tpu.memory_space<hbm>>
      tpu.wait_dma2 semaphore(%arg18 : memref<!tpu.dma_semaphore, #tpu.memory_space<semaphore_mem>>) src(%dma_wait3A_77 : memref<128xi32, #tpu.memory_space<hbm>>) dst(%arg7 : memref<128xi32, #tpu.memory_space<vmem>>)
      %dma_wait3A_78 = arith.constant 0 : i32
      %dma_wait3A_79 = tpu.memref_slice %arg3[%dma_wait3A_78] : memref<320000xi32, #tpu.memory_space<hbm>> -> memref<128xi32, #tpu.memory_space<hbm>>
      %dma_wait3A_80 = arith.constant 0 : i32
      %dma_wait3A_81 = tpu.memref_slice %arg3[%dma_wait3A_80] : memref<320000xi32, #tpu.memory_space<hbm>> -> memref<128xi32, #tpu.memory_space<hbm>>
      tpu.wait_dma2 semaphore(%arg18 : memref<!tpu.dma_semaphore, #tpu.memory_space<semaphore_mem>>) src(%dma_wait3A_81 : memref<128xi32, #tpu.memory_space<hbm>>) dst(%arg11 : memref<128xi32, #tpu.memory_space<vmem>>)
      %gt3A = arith.constant 0 : i32
      %gt3A_82 = arith.cmpi sgt, %while3A_69, %gt3A : i32
      %convert_element_type3A = arith.extui %gt3A_82 : i1 to i32
      %cond3A = arith.constant 0 : i32
      %cond3A_83 = arith.cmpi ne, %convert_element_type3A, %cond3A : i32
      scf.if %cond3A_83 {
        %dma_wait3A_189 = arith.constant 0 : i32
        %dma_wait3A_190 = arith.constant 0 : i32
        %dma_wait3A_191 = tpu.memref_slice %arg17[%dma_wait3A_189, %dma_wait3A_190] : memref<10112x128xf32, #tpu.memory_space<vmem_shared>> -> memref<10112x128xf32, #tpu.memory_space<vmem_shared>>
        tpu.wait_indirect_dma semaphore(%arg24 : memref<!tpu.dma_semaphore, #tpu.memory_space<semaphore_mem>>) src(%arg15 : memref<128x128xf32, #tpu.memory_space<vmem>>) dst(%dma_wait3A_191 : memref<10112x128xf32, #tpu.memory_space<vmem_shared>>)
      } else {
      }
      %dma_start3A_84 = arith.constant 0 : i32
      %dma_start3A_85 = arith.constant 0 : i32
      %dma_start3A_86 = tpu.memref_slice %arg4[%dma_start3A_84, %dma_start3A_85] : memref<10000x128xf32, #tpu.memory_space<hbm>> -> memref<10000x128xf32, #tpu.memory_space<hbm>>
      tpu.enqueue_indirect_dma source(%dma_start3A_86 : memref<10000x128xf32, #tpu.memory_space<hbm>>) target(%arg15 : memref<128x128xf32, #tpu.memory_space<vmem>>) offsets(%arg7 : memref<128xi32, #tpu.memory_space<vmem>>) semaphore(%arg22 : memref<!tpu.dma_semaphore, #tpu.memory_space<semaphore_mem>>)
      %add3A_87 = arith.constant 2 : i32
      %add3A_88 = arith.addi %add3A_73, %add3A_87 : i32
      %lt3A = arith.cmpi slt, %add3A_88, %min3A_5 : i32
      %convert_element_type3A_89 = arith.extui %lt3A : i1 to i32
      %cond3A_90 = arith.constant 0 : i32
      %cond3A_91 = arith.cmpi ne, %convert_element_type3A_89, %cond3A_90 : i32
      scf.if %cond3A_91 {
        %add3A_189 = arith.constant 2 : i32
        %add3A_190 = arith.addi %add3A_73, %add3A_189 : i32
        %add3A_191 = arith.addi %mul3A_7, %add3A_190 : i32
        %mul3A_192 = arith.constant 128 : i32
        %mul3A_193 = arith.muli %add3A_191, %mul3A_192 : i32
        %dma_start3A_194 = tpu.memref_slice %arg2[%mul3A_193] : memref<320000xi32, #tpu.memory_space<hbm>> -> memref<128xi32, #tpu.memory_space<hbm>>
        %dma_start3A_195 = tpu.memref_slice %arg2[%mul3A_193] : memref<320000xi32, #tpu.memory_space<hbm>> -> memref<128xi32, #tpu.memory_space<hbm>>
        tpu.enqueue_dma source(%dma_start3A_195 : memref<128xi32, #tpu.memory_space<hbm>>) target(%arg9 : memref<128xi32, #tpu.memory_space<vmem>>) target_semaphore(%arg20 : memref<!tpu.dma_semaphore, #tpu.memory_space<semaphore_mem>>)
        %dma_start3A_196 = tpu.memref_slice %arg3[%mul3A_193] : memref<320000xi32, #tpu.memory_space<hbm>> -> memref<128xi32, #tpu.memory_space<hbm>>
        %dma_start3A_197 = tpu.memref_slice %arg3[%mul3A_193] : memref<320000xi32, #tpu.memory_space<hbm>> -> memref<128xi32, #tpu.memory_space<hbm>>
        tpu.enqueue_dma source(%dma_start3A_197 : memref<128xi32, #tpu.memory_space<hbm>>) target(%arg13 : memref<128xi32, #tpu.memory_space<vmem>>) target_semaphore(%arg20 : memref<!tpu.dma_semaphore, #tpu.memory_space<semaphore_mem>>)
      } else {
      }
      %gt3A_92 = arith.constant 0 : i32
      %gt3A_93 = arith.cmpi sgt, %while3A_69, %gt3A_92 : i32
      %convert_element_type3A_94 = arith.extui %gt3A_93 : i1 to i32
      %cond3A_95 = arith.constant 0 : i32
      %cond3A_96 = arith.cmpi ne, %convert_element_type3A_94, %cond3A_95 : i32
      scf.if %cond3A_96 {
        %dma_wait3A_189 = arith.constant 0 : i32
        %dma_wait3A_190 = arith.constant 0 : i32
        %dma_wait3A_191 = tpu.memref_slice %arg4[%dma_wait3A_189, %dma_wait3A_190] : memref<10000x128xf32, #tpu.memory_space<hbm>> -> memref<10000x128xf32, #tpu.memory_space<hbm>>
        tpu.wait_indirect_dma semaphore(%arg23 : memref<!tpu.dma_semaphore, #tpu.memory_space<semaphore_mem>>) src(%dma_wait3A_191 : memref<10000x128xf32, #tpu.memory_space<hbm>>) dst(%arg16 : memref<128x128xf32, #tpu.memory_space<vmem>>)
        %dma_start3A_192 = arith.constant 0 : i32
        %dma_start3A_193 = arith.constant 0 : i32
        %dma_start3A_194 = tpu.memref_slice %arg17[%dma_start3A_192, %dma_start3A_193] : memref<10112x128xf32, #tpu.memory_space<vmem_shared>> -> memref<10112x128xf32, #tpu.memory_space<vmem_shared>>
        tpu.enqueue_indirect_dma source(%arg16 : memref<128x128xf32, #tpu.memory_space<vmem>>) target(%dma_start3A_194 : memref<10112x128xf32, #tpu.memory_space<vmem_shared>>) offsets(%arg14 : memref<128xi32, #tpu.memory_space<vmem>>) semaphore(%arg25 : memref<!tpu.dma_semaphore, #tpu.memory_space<semaphore_mem>>) {add = true}
      } else {
      }
      %mul3A_97 = arith.constant 4 : i32
      %mul3A_98 = arith.muli %mul3A_97, %while3A_69 : i32
      %add3A_99 = arith.constant 1 : i32
      %add3A_100 = arith.addi %mul3A_98, %add3A_99 : i32
      %dma_wait3A_101 = arith.constant 0 : i32
      %dma_wait3A_102 = tpu.memref_slice %arg2[%dma_wait3A_101] : memref<320000xi32, #tpu.memory_space<hbm>> -> memref<128xi32, #tpu.memory_space<hbm>>
      %dma_wait3A_103 = arith.constant 0 : i32
      %dma_wait3A_104 = tpu.memref_slice %arg2[%dma_wait3A_103] : memref<320000xi32, #tpu.memory_space<hbm>> -> memref<128xi32, #tpu.memory_space<hbm>>
      tpu.wait_dma2 semaphore(%arg19 : memref<!tpu.dma_semaphore, #tpu.memory_space<semaphore_mem>>) src(%dma_wait3A_104 : memref<128xi32, #tpu.memory_space<hbm>>) dst(%arg8 : memref<128xi32, #tpu.memory_space<vmem>>)
      %dma_wait3A_105 = arith.constant 0 : i32
      %dma_wait3A_106 = tpu.memref_slice %arg3[%dma_wait3A_105] : memref<320000xi32, #tpu.memory_space<hbm>> -> memref<128xi32, #tpu.memory_space<hbm>>
      %dma_wait3A_107 = arith.constant 0 : i32
      %dma_wait3A_108 = tpu.memref_slice %arg3[%dma_wait3A_107] : memref<320000xi32, #tpu.memory_space<hbm>> -> memref<128xi32, #tpu.memory_space<hbm>>
      tpu.wait_dma2 semaphore(%arg19 : memref<!tpu.dma_semaphore, #tpu.memory_space<semaphore_mem>>) src(%dma_wait3A_108 : memref<128xi32, #tpu.memory_space<hbm>>) dst(%arg12 : memref<128xi32, #tpu.memory_space<vmem>>)
      %gt3A_109 = arith.constant 0 : i32
      %gt3A_110 = arith.cmpi sgt, %while3A_69, %gt3A_109 : i32
      %convert_element_type3A_111 = arith.extui %gt3A_110 : i1 to i32
      %cond3A_112 = arith.constant 0 : i32
      %cond3A_113 = arith.cmpi ne, %convert_element_type3A_111, %cond3A_112 : i32
      scf.if %cond3A_113 {
        %dma_wait3A_189 = arith.constant 0 : i32
        %dma_wait3A_190 = arith.constant 0 : i32
        %dma_wait3A_191 = tpu.memref_slice %arg17[%dma_wait3A_189, %dma_wait3A_190] : memref<10112x128xf32, #tpu.memory_space<vmem_shared>> -> memref<10112x128xf32, #tpu.memory_space<vmem_shared>>
        tpu.wait_indirect_dma semaphore(%arg25 : memref<!tpu.dma_semaphore, #tpu.memory_space<semaphore_mem>>) src(%arg16 : memref<128x128xf32, #tpu.memory_space<vmem>>) dst(%dma_wait3A_191 : memref<10112x128xf32, #tpu.memory_space<vmem_shared>>)
      } else {
      }
      %dma_start3A_114 = arith.constant 0 : i32
      %dma_start3A_115 = arith.constant 0 : i32
      %dma_start3A_116 = tpu.memref_slice %arg4[%dma_start3A_114, %dma_start3A_115] : memref<10000x128xf32, #tpu.memory_space<hbm>> -> memref<10000x128xf32, #tpu.memory_space<hbm>>
      tpu.enqueue_indirect_dma source(%dma_start3A_116 : memref<10000x128xf32, #tpu.memory_space<hbm>>) target(%arg16 : memref<128x128xf32, #tpu.memory_space<vmem>>) offsets(%arg8 : memref<128xi32, #tpu.memory_space<vmem>>) semaphore(%arg23 : memref<!tpu.dma_semaphore, #tpu.memory_space<semaphore_mem>>)
      %add3A_117 = arith.constant 2 : i32
      %add3A_118 = arith.addi %add3A_100, %add3A_117 : i32
      %lt3A_119 = arith.cmpi slt, %add3A_118, %min3A_5 : i32
      %convert_element_type3A_120 = arith.extui %lt3A_119 : i1 to i32
      %cond3A_121 = arith.constant 0 : i32
      %cond3A_122 = arith.cmpi ne, %convert_element_type3A_120, %cond3A_121 : i32
      scf.if %cond3A_122 {
        %add3A_189 = arith.constant 2 : i32
        %add3A_190 = arith.addi %add3A_100, %add3A_189 : i32
        %add3A_191 = arith.addi %mul3A_7, %add3A_190 : i32
        %mul3A_192 = arith.constant 128 : i32
        %mul3A_193 = arith.muli %add3A_191, %mul3A_192 : i32
        %dma_start3A_194 = tpu.memref_slice %arg2[%mul3A_193] : memref<320000xi32, #tpu.memory_space<hbm>> -> memref<128xi32, #tpu.memory_space<hbm>>
        %dma_start3A_195 = tpu.memref_slice %arg2[%mul3A_193] : memref<320000xi32, #tpu.memory_space<hbm>> -> memref<128xi32, #tpu.memory_space<hbm>>
        tpu.enqueue_dma source(%dma_start3A_195 : memref<128xi32, #tpu.memory_space<hbm>>) target(%arg10 : memref<128xi32, #tpu.memory_space<vmem>>) target_semaphore(%arg21 : memref<!tpu.dma_semaphore, #tpu.memory_space<semaphore_mem>>)
        %dma_start3A_196 = tpu.memref_slice %arg3[%mul3A_193] : memref<320000xi32, #tpu.memory_space<hbm>> -> memref<128xi32, #tpu.memory_space<hbm>>
        %dma_start3A_197 = tpu.memref_slice %arg3[%mul3A_193] : memref<320000xi32, #tpu.memory_space<hbm>> -> memref<128xi32, #tpu.memory_space<hbm>>
        tpu.enqueue_dma source(%dma_start3A_197 : memref<128xi32, #tpu.memory_space<hbm>>) target(%arg14 : memref<128xi32, #tpu.memory_space<vmem>>) target_semaphore(%arg21 : memref<!tpu.dma_semaphore, #tpu.memory_space<semaphore_mem>>)
      } else {
      }
      %dma_wait3A_123 = arith.constant 0 : i32
      %dma_wait3A_124 = arith.constant 0 : i32
      %dma_wait3A_125 = tpu.memref_slice %arg4[%dma_wait3A_123, %dma_wait3A_124] : memref<10000x128xf32, #tpu.memory_space<hbm>> -> memref<10000x128xf32, #tpu.memory_space<hbm>>
      tpu.wait_indirect_dma semaphore(%arg22 : memref<!tpu.dma_semaphore, #tpu.memory_space<semaphore_mem>>) src(%dma_wait3A_125 : memref<10000x128xf32, #tpu.memory_space<hbm>>) dst(%arg15 : memref<128x128xf32, #tpu.memory_space<vmem>>)
      %dma_start3A_126 = arith.constant 0 : i32
      %dma_start3A_127 = arith.constant 0 : i32
      %dma_start3A_128 = tpu.memref_slice %arg17[%dma_start3A_126, %dma_start3A_127] : memref<10112x128xf32, #tpu.memory_space<vmem_shared>> -> memref<10112x128xf32, #tpu.memory_space<vmem_shared>>
      tpu.enqueue_indirect_dma source(%arg15 : memref<128x128xf32, #tpu.memory_space<vmem>>) target(%dma_start3A_128 : memref<10112x128xf32, #tpu.memory_space<vmem_shared>>) offsets(%arg11 : memref<128xi32, #tpu.memory_space<vmem>>) semaphore(%arg24 : memref<!tpu.dma_semaphore, #tpu.memory_space<semaphore_mem>>) {add = true}
      %mul3A_129 = arith.constant 4 : i32
      %mul3A_130 = arith.muli %mul3A_129, %while3A_69 : i32
      %add3A_131 = arith.constant 2 : i32
      %add3A_132 = arith.addi %mul3A_130, %add3A_131 : i32
      %dma_wait3A_133 = arith.constant 0 : i32
      %dma_wait3A_134 = tpu.memref_slice %arg2[%dma_wait3A_133] : memref<320000xi32, #tpu.memory_space<hbm>> -> memref<128xi32, #tpu.memory_space<hbm>>
      %dma_wait3A_135 = arith.constant 0 : i32
      %dma_wait3A_136 = tpu.memref_slice %arg2[%dma_wait3A_135] : memref<320000xi32, #tpu.memory_space<hbm>> -> memref<128xi32, #tpu.memory_space<hbm>>
      tpu.wait_dma2 semaphore(%arg20 : memref<!tpu.dma_semaphore, #tpu.memory_space<semaphore_mem>>) src(%dma_wait3A_136 : memref<128xi32, #tpu.memory_space<hbm>>) dst(%arg9 : memref<128xi32, #tpu.memory_space<vmem>>)
      %dma_wait3A_137 = arith.constant 0 : i32
      %dma_wait3A_138 = tpu.memref_slice %arg3[%dma_wait3A_137] : memref<320000xi32, #tpu.memory_space<hbm>> -> memref<128xi32, #tpu.memory_space<hbm>>
      %dma_wait3A_139 = arith.constant 0 : i32
      %dma_wait3A_140 = tpu.memref_slice %arg3[%dma_wait3A_139] : memref<320000xi32, #tpu.memory_space<hbm>> -> memref<128xi32, #tpu.memory_space<hbm>>
      tpu.wait_dma2 semaphore(%arg20 : memref<!tpu.dma_semaphore, #tpu.memory_space<semaphore_mem>>) src(%dma_wait3A_140 : memref<128xi32, #tpu.memory_space<hbm>>) dst(%arg13 : memref<128xi32, #tpu.memory_space<vmem>>)
      %dma_wait3A_141 = arith.constant 0 : i32
      %dma_wait3A_142 = arith.constant 0 : i32
      %dma_wait3A_143 = tpu.memref_slice %arg17[%dma_wait3A_141, %dma_wait3A_142] : memref<10112x128xf32, #tpu.memory_space<vmem_shared>> -> memref<10112x128xf32, #tpu.memory_space<vmem_shared>>
      tpu.wait_indirect_dma semaphore(%arg24 : memref<!tpu.dma_semaphore, #tpu.memory_space<semaphore_mem>>) src(%arg15 : memref<128x128xf32, #tpu.memory_space<vmem>>) dst(%dma_wait3A_143 : memref<10112x128xf32, #tpu.memory_space<vmem_shared>>)
      %dma_start3A_144 = arith.constant 0 : i32
      %dma_start3A_145 = arith.constant 0 : i32
      %dma_start3A_146 = tpu.memref_slice %arg4[%dma_start3A_144, %dma_start3A_145] : memref<10000x128xf32, #tpu.memory_space<hbm>> -> memref<10000x128xf32, #tpu.memory_space<hbm>>
      tpu.enqueue_indirect_dma source(%dma_start3A_146 : memref<10000x128xf32, #tpu.memory_space<hbm>>) target(%arg15 : memref<128x128xf32, #tpu.memory_space<vmem>>) offsets(%arg9 : memref<128xi32, #tpu.memory_space<vmem>>) semaphore(%arg22 : memref<!tpu.dma_semaphore, #tpu.memory_space<semaphore_mem>>)
      %add3A_147 = arith.constant 2 : i32
      %add3A_148 = arith.addi %add3A_132, %add3A_147 : i32
      %lt3A_149 = arith.cmpi slt, %add3A_148, %min3A_5 : i32
      %convert_element_type3A_150 = arith.extui %lt3A_149 : i1 to i32
      %cond3A_151 = arith.constant 0 : i32
      %cond3A_152 = arith.cmpi ne, %convert_element_type3A_150, %cond3A_151 : i32
      scf.if %cond3A_152 {
        %add3A_189 = arith.constant 2 : i32
        %add3A_190 = arith.addi %add3A_132, %add3A_189 : i32
        %add3A_191 = arith.addi %mul3A_7, %add3A_190 : i32
        %mul3A_192 = arith.constant 128 : i32
        %mul3A_193 = arith.muli %add3A_191, %mul3A_192 : i32
        %dma_start3A_194 = tpu.memref_slice %arg2[%mul3A_193] : memref<320000xi32, #tpu.memory_space<hbm>> -> memref<128xi32, #tpu.memory_space<hbm>>
        %dma_start3A_195 = tpu.memref_slice %arg2[%mul3A_193] : memref<320000xi32, #tpu.memory_space<hbm>> -> memref<128xi32, #tpu.memory_space<hbm>>
        tpu.enqueue_dma source(%dma_start3A_195 : memref<128xi32, #tpu.memory_space<hbm>>) target(%arg7 : memref<128xi32, #tpu.memory_space<vmem>>) target_semaphore(%arg18 : memref<!tpu.dma_semaphore, #tpu.memory_space<semaphore_mem>>)
        %dma_start3A_196 = tpu.memref_slice %arg3[%mul3A_193] : memref<320000xi32, #tpu.memory_space<hbm>> -> memref<128xi32, #tpu.memory_space<hbm>>
        %dma_start3A_197 = tpu.memref_slice %arg3[%mul3A_193] : memref<320000xi32, #tpu.memory_space<hbm>> -> memref<128xi32, #tpu.memory_space<hbm>>
        tpu.enqueue_dma source(%dma_start3A_197 : memref<128xi32, #tpu.memory_space<hbm>>) target(%arg11 : memref<128xi32, #tpu.memory_space<vmem>>) target_semaphore(%arg18 : memref<!tpu.dma_semaphore, #tpu.memory_space<semaphore_mem>>)
      } else {
      }
      %dma_wait3A_153 = arith.constant 0 : i32
      %dma_wait3A_154 = arith.constant 0 : i32
      %dma_wait3A_155 = tpu.memref_slice %arg4[%dma_wait3A_153, %dma_wait3A_154] : memref<10000x128xf32, #tpu.memory_space<hbm>> -> memref<10000x128xf32, #tpu.memory_space<hbm>>
      tpu.wait_indirect_dma semaphore(%arg23 : memref<!tpu.dma_semaphore, #tpu.memory_space<semaphore_mem>>) src(%dma_wait3A_155 : memref<10000x128xf32, #tpu.memory_space<hbm>>) dst(%arg16 : memref<128x128xf32, #tpu.memory_space<vmem>>)
      %dma_start3A_156 = arith.constant 0 : i32
      %dma_start3A_157 = arith.constant 0 : i32
      %dma_start3A_158 = tpu.memref_slice %arg17[%dma_start3A_156, %dma_start3A_157] : memref<10112x128xf32, #tpu.memory_space<vmem_shared>> -> memref<10112x128xf32, #tpu.memory_space<vmem_shared>>
      tpu.enqueue_indirect_dma source(%arg16 : memref<128x128xf32, #tpu.memory_space<vmem>>) target(%dma_start3A_158 : memref<10112x128xf32, #tpu.memory_space<vmem_shared>>) offsets(%arg12 : memref<128xi32, #tpu.memory_space<vmem>>) semaphore(%arg25 : memref<!tpu.dma_semaphore, #tpu.memory_space<semaphore_mem>>) {add = true}
      %mul3A_159 = arith.constant 4 : i32
      %mul3A_160 = arith.muli %mul3A_159, %while3A_69 : i32
      %add3A_161 = arith.constant 3 : i32
      %add3A_162 = arith.addi %mul3A_160, %add3A_161 : i32
      %dma_wait3A_163 = arith.constant 0 : i32
      %dma_wait3A_164 = tpu.memref_slice %arg2[%dma_wait3A_163] : memref<320000xi32, #tpu.memory_space<hbm>> -> memref<128xi32, #tpu.memory_space<hbm>>
      %dma_wait3A_165 = arith.constant 0 : i32
      %dma_wait3A_166 = tpu.memref_slice %arg2[%dma_wait3A_165] : memref<320000xi32, #tpu.memory_space<hbm>> -> memref<128xi32, #tpu.memory_space<hbm>>
      tpu.wait_dma2 semaphore(%arg21 : memref<!tpu.dma_semaphore, #tpu.memory_space<semaphore_mem>>) src(%dma_wait3A_166 : memref<128xi32, #tpu.memory_space<hbm>>) dst(%arg10 : memref<128xi32, #tpu.memory_space<vmem>>)
      %dma_wait3A_167 = arith.constant 0 : i32
      %dma_wait3A_168 = tpu.memref_slice %arg3[%dma_wait3A_167] : memref<320000xi32, #tpu.memory_space<hbm>> -> memref<128xi32, #tpu.memory_space<hbm>>
      %dma_wait3A_169 = arith.constant 0 : i32
      %dma_wait3A_170 = tpu.memref_slice %arg3[%dma_wait3A_169] : memref<320000xi32, #tpu.memory_space<hbm>> -> memref<128xi32, #tpu.memory_space<hbm>>
      tpu.wait_dma2 semaphore(%arg21 : memref<!tpu.dma_semaphore, #tpu.memory_space<semaphore_mem>>) src(%dma_wait3A_170 : memref<128xi32, #tpu.memory_space<hbm>>) dst(%arg14 : memref<128xi32, #tpu.memory_space<vmem>>)
      %dma_wait3A_171 = arith.constant 0 : i32
      %dma_wait3A_172 = arith.constant 0 : i32
      %dma_wait3A_173 = tpu.memref_slice %arg17[%dma_wait3A_171, %dma_wait3A_172] : memref<10112x128xf32, #tpu.memory_space<vmem_shared>> -> memref<10112x128xf32, #tpu.memory_space<vmem_shared>>
      tpu.wait_indirect_dma semaphore(%arg25 : memref<!tpu.dma_semaphore, #tpu.memory_space<semaphore_mem>>) src(%arg16 : memref<128x128xf32, #tpu.memory_space<vmem>>) dst(%dma_wait3A_173 : memref<10112x128xf32, #tpu.memory_space<vmem_shared>>)
      %dma_start3A_174 = arith.constant 0 : i32
      %dma_start3A_175 = arith.constant 0 : i32
      %dma_start3A_176 = tpu.memref_slice %arg4[%dma_start3A_174, %dma_start3A_175] : memref<10000x128xf32, #tpu.memory_space<hbm>> -> memref<10000x128xf32, #tpu.memory_space<hbm>>
      tpu.enqueue_indirect_dma source(%dma_start3A_176 : memref<10000x128xf32, #tpu.memory_space<hbm>>) target(%arg16 : memref<128x128xf32, #tpu.memory_space<vmem>>) offsets(%arg10 : memref<128xi32, #tpu.memory_space<vmem>>) semaphore(%arg23 : memref<!tpu.dma_semaphore, #tpu.memory_space<semaphore_mem>>)
      %add3A_177 = arith.constant 2 : i32
      %add3A_178 = arith.addi %add3A_162, %add3A_177 : i32
      %lt3A_179 = arith.cmpi slt, %add3A_178, %min3A_5 : i32
      %convert_element_type3A_180 = arith.extui %lt3A_179 : i1 to i32
      %cond3A_181 = arith.constant 0 : i32
      %cond3A_182 = arith.cmpi ne, %convert_element_type3A_180, %cond3A_181 : i32
      scf.if %cond3A_182 {
        %add3A_189 = arith.constant 2 : i32
        %add3A_190 = arith.addi %add3A_162, %add3A_189 : i32
        %add3A_191 = arith.addi %mul3A_7, %add3A_190 : i32
        %mul3A_192 = arith.constant 128 : i32
        %mul3A_193 = arith.muli %add3A_191, %mul3A_192 : i32
        %dma_start3A_194 = tpu.memref_slice %arg2[%mul3A_193] : memref<320000xi32, #tpu.memory_space<hbm>> -> memref<128xi32, #tpu.memory_space<hbm>>
        %dma_start3A_195 = tpu.memref_slice %arg2[%mul3A_193] : memref<320000xi32, #tpu.memory_space<hbm>> -> memref<128xi32, #tpu.memory_space<hbm>>
        tpu.enqueue_dma source(%dma_start3A_195 : memref<128xi32, #tpu.memory_space<hbm>>) target(%arg8 : memref<128xi32, #tpu.memory_space<vmem>>) target_semaphore(%arg19 : memref<!tpu.dma_semaphore, #tpu.memory_space<semaphore_mem>>)
        %dma_start3A_196 = tpu.memref_slice %arg3[%mul3A_193] : memref<320000xi32, #tpu.memory_space<hbm>> -> memref<128xi32, #tpu.memory_space<hbm>>
        %dma_start3A_197 = tpu.memref_slice %arg3[%mul3A_193] : memref<320000xi32, #tpu.memory_space<hbm>> -> memref<128xi32, #tpu.memory_space<hbm>>
        tpu.enqueue_dma source(%dma_start3A_197 : memref<128xi32, #tpu.memory_space<hbm>>) target(%arg12 : memref<128xi32, #tpu.memory_space<vmem>>) target_semaphore(%arg19 : memref<!tpu.dma_semaphore, #tpu.memory_space<semaphore_mem>>)
      } else {
      }
      %dma_wait3A_183 = arith.constant 0 : i32
      %dma_wait3A_184 = arith.constant 0 : i32
      %dma_wait3A_185 = tpu.memref_slice %arg4[%dma_wait3A_183, %dma_wait3A_184] : memref<10000x128xf32, #tpu.memory_space<hbm>> -> memref<10000x128xf32, #tpu.memory_space<hbm>>
      tpu.wait_indirect_dma semaphore(%arg22 : memref<!tpu.dma_semaphore, #tpu.memory_space<semaphore_mem>>) src(%dma_wait3A_185 : memref<10000x128xf32, #tpu.memory_space<hbm>>) dst(%arg15 : memref<128x128xf32, #tpu.memory_space<vmem>>)
      %dma_start3A_186 = arith.constant 0 : i32
      %dma_start3A_187 = arith.constant 0 : i32
      %dma_start3A_188 = tpu.memref_slice %arg17[%dma_start3A_186, %dma_start3A_187] : memref<10112x128xf32, #tpu.memory_space<vmem_shared>> -> memref<10112x128xf32, #tpu.memory_space<vmem_shared>>
      tpu.enqueue_indirect_dma source(%arg15 : memref<128x128xf32, #tpu.memory_space<vmem>>) target(%dma_start3A_188 : memref<10112x128xf32, #tpu.memory_space<vmem_shared>>) offsets(%arg13 : memref<128xi32, #tpu.memory_space<vmem>>) semaphore(%arg24 : memref<!tpu.dma_semaphore, #tpu.memory_space<semaphore_mem>>) {add = true}
    }
    %while3A_52 = arith.constant 1 : i32
    scf.for %while3A_69 = %while3A_50 to %while3A_46 step %while3A_52  : i32 {
      %mul3A_70 = arith.constant 4 : i32
      %mul3A_71 = arith.muli %mul3A_70, %while3A_69 : i32
      %add3A_72 = arith.constant 0 : i32
      %add3A_73 = arith.addi %mul3A_71, %add3A_72 : i32
      %dma_wait3A_74 = arith.constant 0 : i32
      %dma_wait3A_75 = tpu.memref_slice %arg2[%dma_wait3A_74] : memref<320000xi32, #tpu.memory_space<hbm>> -> memref<128xi32, #tpu.memory_space<hbm>>
      %dma_wait3A_76 = arith.constant 0 : i32
      %dma_wait3A_77 = tpu.memref_slice %arg2[%dma_wait3A_76] : memref<320000xi32, #tpu.memory_space<hbm>> -> memref<128xi32, #tpu.memory_space<hbm>>
      tpu.wait_dma2 semaphore(%arg18 : memref<!tpu.dma_semaphore, #tpu.memory_space<semaphore_mem>>) src(%dma_wait3A_77 : memref<128xi32, #tpu.memory_space<hbm>>) dst(%arg7 : memref<128xi32, #tpu.memory_space<vmem>>)
      %dma_wait3A_78 = arith.constant 0 : i32
      %dma_wait3A_79 = tpu.memref_slice %arg3[%dma_wait3A_78] : memref<320000xi32, #tpu.memory_space<hbm>> -> memref<128xi32, #tpu.memory_space<hbm>>
      %dma_wait3A_80 = arith.constant 0 : i32
      %dma_wait3A_81 = tpu.memref_slice %arg3[%dma_wait3A_80] : memref<320000xi32, #tpu.memory_space<hbm>> -> memref<128xi32, #tpu.memory_space<hbm>>
      tpu.wait_dma2 semaphore(%arg18 : memref<!tpu.dma_semaphore, #tpu.memory_space<semaphore_mem>>) src(%dma_wait3A_81 : memref<128xi32, #tpu.memory_space<hbm>>) dst(%arg11 : memref<128xi32, #tpu.memory_space<vmem>>)
      %gt3A = arith.constant 0 : i32
      %gt3A_82 = arith.cmpi sgt, %while3A_69, %gt3A : i32
      %convert_element_type3A = arith.extui %gt3A_82 : i1 to i32
      %cond3A = arith.constant 0 : i32
      %cond3A_83 = arith.cmpi ne, %convert_element_type3A, %cond3A : i32
      scf.if %cond3A_83 {
        %dma_wait3A_189 = arith.constant 0 : i32
        %dma_wait3A_190 = arith.constant 0 : i32
        %dma_wait3A_191 = tpu.memref_slice %arg17[%dma_wait3A_189, %dma_wait3A_190] : memref<10112x128xf32, #tpu.memory_space<vmem_shared>> -> memref<10112x128xf32, #tpu.memory_space<vmem_shared>>
        tpu.wait_indirect_dma semaphore(%arg24 : memref<!tpu.dma_semaphore, #tpu.memory_space<semaphore_mem>>) src(%arg15 : memref<128x128xf32, #tpu.memory_space<vmem>>) dst(%dma_wait3A_191 : memref<10112x128xf32, #tpu.memory_space<vmem_shared>>)
      } else {
      }
      %dma_start3A_84 = arith.constant 0 : i32
      %dma_start3A_85 = arith.constant 0 : i32
      %dma_start3A_86 = tpu.memref_slice %arg4[%dma_start3A_84, %dma_start3A_85] : memref<10000x128xf32, #tpu.memory_space<hbm>> -> memref<10000x128xf32, #tpu.memory_space<hbm>>
      tpu.enqueue_indirect_dma source(%dma_start3A_86 : memref<10000x128xf32, #tpu.memory_space<hbm>>) target(%arg15 : memref<128x128xf32, #tpu.memory_space<vmem>>) offsets(%arg7 : memref<128xi32, #tpu.memory_space<vmem>>) semaphore(%arg22 : memref<!tpu.dma_semaphore, #tpu.memory_space<semaphore_mem>>)
      %add3A_87 = arith.constant 2 : i32
      %add3A_88 = arith.addi %add3A_73, %add3A_87 : i32
      %lt3A = arith.cmpi slt, %add3A_88, %min3A_5 : i32
      %convert_element_type3A_89 = arith.extui %lt3A : i1 to i32
      %cond3A_90 = arith.constant 0 : i32
      %cond3A_91 = arith.cmpi ne, %convert_element_type3A_89, %cond3A_90 : i32
      scf.if %cond3A_91 {
        %add3A_189 = arith.constant 2 : i32
        %add3A_190 = arith.addi %add3A_73, %add3A_189 : i32
        %add3A_191 = arith.addi %mul3A_7, %add3A_190 : i32
        %mul3A_192 = arith.constant 128 : i32
        %mul3A_193 = arith.muli %add3A_191, %mul3A_192 : i32
        %dma_start3A_194 = tpu.memref_slice %arg2[%mul3A_193] : memref<320000xi32, #tpu.memory_space<hbm>> -> memref<128xi32, #tpu.memory_space<hbm>>
        %dma_start3A_195 = tpu.memref_slice %arg2[%mul3A_193] : memref<320000xi32, #tpu.memory_space<hbm>> -> memref<128xi32, #tpu.memory_space<hbm>>
        tpu.enqueue_dma source(%dma_start3A_195 : memref<128xi32, #tpu.memory_space<hbm>>) target(%arg9 : memref<128xi32, #tpu.memory_space<vmem>>) target_semaphore(%arg20 : memref<!tpu.dma_semaphore, #tpu.memory_space<semaphore_mem>>)
        %dma_start3A_196 = tpu.memref_slice %arg3[%mul3A_193] : memref<320000xi32, #tpu.memory_space<hbm>> -> memref<128xi32, #tpu.memory_space<hbm>>
        %dma_start3A_197 = tpu.memref_slice %arg3[%mul3A_193] : memref<320000xi32, #tpu.memory_space<hbm>> -> memref<128xi32, #tpu.memory_space<hbm>>
        tpu.enqueue_dma source(%dma_start3A_197 : memref<128xi32, #tpu.memory_space<hbm>>) target(%arg13 : memref<128xi32, #tpu.memory_space<vmem>>) target_semaphore(%arg20 : memref<!tpu.dma_semaphore, #tpu.memory_space<semaphore_mem>>)
      } else {
      }
      %gt3A_92 = arith.constant 0 : i32
      %gt3A_93 = arith.cmpi sgt, %while3A_69, %gt3A_92 : i32
      %convert_element_type3A_94 = arith.extui %gt3A_93 : i1 to i32
      %cond3A_95 = arith.constant 0 : i32
      %cond3A_96 = arith.cmpi ne, %convert_element_type3A_94, %cond3A_95 : i32
      scf.if %cond3A_96 {
        %dma_wait3A_189 = arith.constant 0 : i32
        %dma_wait3A_190 = arith.constant 0 : i32
        %dma_wait3A_191 = tpu.memref_slice %arg4[%dma_wait3A_189, %dma_wait3A_190] : memref<10000x128xf32, #tpu.memory_space<hbm>> -> memref<10000x128xf32, #tpu.memory_space<hbm>>
        tpu.wait_indirect_dma semaphore(%arg23 : memref<!tpu.dma_semaphore, #tpu.memory_space<semaphore_mem>>) src(%dma_wait3A_191 : memref<10000x128xf32, #tpu.memory_space<hbm>>) dst(%arg16 : memref<128x128xf32, #tpu.memory_space<vmem>>)
        %dma_start3A_192 = arith.constant 0 : i32
        %dma_start3A_193 = arith.constant 0 : i32
        %dma_start3A_194 = tpu.memref_slice %arg17[%dma_start3A_192, %dma_start3A_193] : memref<10112x128xf32, #tpu.memory_space<vmem_shared>> -> memref<10112x128xf32, #tpu.memory_space<vmem_shared>>
        tpu.enqueue_indirect_dma source(%arg16 : memref<128x128xf32, #tpu.memory_space<vmem>>) target(%dma_start3A_194 : memref<10112x128xf32, #tpu.memory_space<vmem_shared>>) offsets(%arg14 : memref<128xi32, #tpu.memory_space<vmem>>) semaphore(%arg25 : memref<!tpu.dma_semaphore, #tpu.memory_space<semaphore_mem>>) {add = true}
      } else {
      }
      %mul3A_97 = arith.constant 4 : i32
      %mul3A_98 = arith.muli %mul3A_97, %while3A_69 : i32
      %add3A_99 = arith.constant 1 : i32
      %add3A_100 = arith.addi %mul3A_98, %add3A_99 : i32
      %dma_wait3A_101 = arith.constant 0 : i32
      %dma_wait3A_102 = tpu.memref_slice %arg2[%dma_wait3A_101] : memref<320000xi32, #tpu.memory_space<hbm>> -> memref<128xi32, #tpu.memory_space<hbm>>
      %dma_wait3A_103 = arith.constant 0 : i32
      %dma_wait3A_104 = tpu.memref_slice %arg2[%dma_wait3A_103] : memref<320000xi32, #tpu.memory_space<hbm>> -> memref<128xi32, #tpu.memory_space<hbm>>
      tpu.wait_dma2 semaphore(%arg19 : memref<!tpu.dma_semaphore, #tpu.memory_space<semaphore_mem>>) src(%dma_wait3A_104 : memref<128xi32, #tpu.memory_space<hbm>>) dst(%arg8 : memref<128xi32, #tpu.memory_space<vmem>>)
      %dma_wait3A_105 = arith.constant 0 : i32
      %dma_wait3A_106 = tpu.memref_slice %arg3[%dma_wait3A_105] : memref<320000xi32, #tpu.memory_space<hbm>> -> memref<128xi32, #tpu.memory_space<hbm>>
      %dma_wait3A_107 = arith.constant 0 : i32
      %dma_wait3A_108 = tpu.memref_slice %arg3[%dma_wait3A_107] : memref<320000xi32, #tpu.memory_space<hbm>> -> memref<128xi32, #tpu.memory_space<hbm>>
      tpu.wait_dma2 semaphore(%arg19 : memref<!tpu.dma_semaphore, #tpu.memory_space<semaphore_mem>>) src(%dma_wait3A_108 : memref<128xi32, #tpu.memory_space<hbm>>) dst(%arg12 : memref<128xi32, #tpu.memory_space<vmem>>)
      %gt3A_109 = arith.constant 0 : i32
      %gt3A_110 = arith.cmpi sgt, %while3A_69, %gt3A_109 : i32
      %convert_element_type3A_111 = arith.extui %gt3A_110 : i1 to i32
      %cond3A_112 = arith.constant 0 : i32
      %cond3A_113 = arith.cmpi ne, %convert_element_type3A_111, %cond3A_112 : i32
      scf.if %cond3A_113 {
        %dma_wait3A_189 = arith.constant 0 : i32
        %dma_wait3A_190 = arith.constant 0 : i32
        %dma_wait3A_191 = tpu.memref_slice %arg17[%dma_wait3A_189, %dma_wait3A_190] : memref<10112x128xf32, #tpu.memory_space<vmem_shared>> -> memref<10112x128xf32, #tpu.memory_space<vmem_shared>>
        tpu.wait_indirect_dma semaphore(%arg25 : memref<!tpu.dma_semaphore, #tpu.memory_space<semaphore_mem>>) src(%arg16 : memref<128x128xf32, #tpu.memory_space<vmem>>) dst(%dma_wait3A_191 : memref<10112x128xf32, #tpu.memory_space<vmem_shared>>)
      } else {
      }
      %dma_start3A_114 = arith.constant 0 : i32
      %dma_start3A_115 = arith.constant 0 : i32
      %dma_start3A_116 = tpu.memref_slice %arg4[%dma_start3A_114, %dma_start3A_115] : memref<10000x128xf32, #tpu.memory_space<hbm>> -> memref<10000x128xf32, #tpu.memory_space<hbm>>
      tpu.enqueue_indirect_dma source(%dma_start3A_116 : memref<10000x128xf32, #tpu.memory_space<hbm>>) target(%arg16 : memref<128x128xf32, #tpu.memory_space<vmem>>) offsets(%arg8 : memref<128xi32, #tpu.memory_space<vmem>>) semaphore(%arg23 : memref<!tpu.dma_semaphore, #tpu.memory_space<semaphore_mem>>)
      %add3A_117 = arith.constant 2 : i32
      %add3A_118 = arith.addi %add3A_100, %add3A_117 : i32
      %lt3A_119 = arith.cmpi slt, %add3A_118, %min3A_5 : i32
      %convert_element_type3A_120 = arith.extui %lt3A_119 : i1 to i32
      %cond3A_121 = arith.constant 0 : i32
      %cond3A_122 = arith.cmpi ne, %convert_element_type3A_120, %cond3A_121 : i32
      scf.if %cond3A_122 {
        %add3A_189 = arith.constant 2 : i32
        %add3A_190 = arith.addi %add3A_100, %add3A_189 : i32
        %add3A_191 = arith.addi %mul3A_7, %add3A_190 : i32
        %mul3A_192 = arith.constant 128 : i32
        %mul3A_193 = arith.muli %add3A_191, %mul3A_192 : i32
        %dma_start3A_194 = tpu.memref_slice %arg2[%mul3A_193] : memref<320000xi32, #tpu.memory_space<hbm>> -> memref<128xi32, #tpu.memory_space<hbm>>
        %dma_start3A_195 = tpu.memref_slice %arg2[%mul3A_193] : memref<320000xi32, #tpu.memory_space<hbm>> -> memref<128xi32, #tpu.memory_space<hbm>>
        tpu.enqueue_dma source(%dma_start3A_195 : memref<128xi32, #tpu.memory_space<hbm>>) target(%arg10 : memref<128xi32, #tpu.memory_space<vmem>>) target_semaphore(%arg21 : memref<!tpu.dma_semaphore, #tpu.memory_space<semaphore_mem>>)
        %dma_start3A_196 = tpu.memref_slice %arg3[%mul3A_193] : memref<320000xi32, #tpu.memory_space<hbm>> -> memref<128xi32, #tpu.memory_space<hbm>>
        %dma_start3A_197 = tpu.memref_slice %arg3[%mul3A_193] : memref<320000xi32, #tpu.memory_space<hbm>> -> memref<128xi32, #tpu.memory_space<hbm>>
        tpu.enqueue_dma source(%dma_start3A_197 : memref<128xi32, #tpu.memory_space<hbm>>) target(%arg14 : memref<128xi32, #tpu.memory_space<vmem>>) target_semaphore(%arg21 : memref<!tpu.dma_semaphore, #tpu.memory_space<semaphore_mem>>)
      } else {
      }
      %dma_wait3A_123 = arith.constant 0 : i32
      %dma_wait3A_124 = arith.constant 0 : i32
      %dma_wait3A_125 = tpu.memref_slice %arg4[%dma_wait3A_123, %dma_wait3A_124] : memref<10000x128xf32, #tpu.memory_space<hbm>> -> memref<10000x128xf32, #tpu.memory_space<hbm>>
      tpu.wait_indirect_dma semaphore(%arg22 : memref<!tpu.dma_semaphore, #tpu.memory_space<semaphore_mem>>) src(%dma_wait3A_125 : memref<10000x128xf32, #tpu.memory_space<hbm>>) dst(%arg15 : memref<128x128xf32, #tpu.memory_space<vmem>>)
      %dma_start3A_126 = arith.constant 0 : i32
      %dma_start3A_127 = arith.constant 0 : i32
      %dma_start3A_128 = tpu.memref_slice %arg17[%dma_start3A_126, %dma_start3A_127] : memref<10112x128xf32, #tpu.memory_space<vmem_shared>> -> memref<10112x128xf32, #tpu.memory_space<vmem_shared>>
      tpu.enqueue_indirect_dma source(%arg15 : memref<128x128xf32, #tpu.memory_space<vmem>>) target(%dma_start3A_128 : memref<10112x128xf32, #tpu.memory_space<vmem_shared>>) offsets(%arg11 : memref<128xi32, #tpu.memory_space<vmem>>) semaphore(%arg24 : memref<!tpu.dma_semaphore, #tpu.memory_space<semaphore_mem>>) {add = true}
      %mul3A_129 = arith.constant 4 : i32
      %mul3A_130 = arith.muli %mul3A_129, %while3A_69 : i32
      %add3A_131 = arith.constant 2 : i32
      %add3A_132 = arith.addi %mul3A_130, %add3A_131 : i32
      %dma_wait3A_133 = arith.constant 0 : i32
      %dma_wait3A_134 = tpu.memref_slice %arg2[%dma_wait3A_133] : memref<320000xi32, #tpu.memory_space<hbm>> -> memref<128xi32, #tpu.memory_space<hbm>>
      %dma_wait3A_135 = arith.constant 0 : i32
      %dma_wait3A_136 = tpu.memref_slice %arg2[%dma_wait3A_135] : memref<320000xi32, #tpu.memory_space<hbm>> -> memref<128xi32, #tpu.memory_space<hbm>>
      tpu.wait_dma2 semaphore(%arg20 : memref<!tpu.dma_semaphore, #tpu.memory_space<semaphore_mem>>) src(%dma_wait3A_136 : memref<128xi32, #tpu.memory_space<hbm>>) dst(%arg9 : memref<128xi32, #tpu.memory_space<vmem>>)
      %dma_wait3A_137 = arith.constant 0 : i32
      %dma_wait3A_138 = tpu.memref_slice %arg3[%dma_wait3A_137] : memref<320000xi32, #tpu.memory_space<hbm>> -> memref<128xi32, #tpu.memory_space<hbm>>
      %dma_wait3A_139 = arith.constant 0 : i32
      %dma_wait3A_140 = tpu.memref_slice %arg3[%dma_wait3A_139] : memref<320000xi32, #tpu.memory_space<hbm>> -> memref<128xi32, #tpu.memory_space<hbm>>
      tpu.wait_dma2 semaphore(%arg20 : memref<!tpu.dma_semaphore, #tpu.memory_space<semaphore_mem>>) src(%dma_wait3A_140 : memref<128xi32, #tpu.memory_space<hbm>>) dst(%arg13 : memref<128xi32, #tpu.memory_space<vmem>>)
      %dma_wait3A_141 = arith.constant 0 : i32
      %dma_wait3A_142 = arith.constant 0 : i32
      %dma_wait3A_143 = tpu.memref_slice %arg17[%dma_wait3A_141, %dma_wait3A_142] : memref<10112x128xf32, #tpu.memory_space<vmem_shared>> -> memref<10112x128xf32, #tpu.memory_space<vmem_shared>>
      tpu.wait_indirect_dma semaphore(%arg24 : memref<!tpu.dma_semaphore, #tpu.memory_space<semaphore_mem>>) src(%arg15 : memref<128x128xf32, #tpu.memory_space<vmem>>) dst(%dma_wait3A_143 : memref<10112x128xf32, #tpu.memory_space<vmem_shared>>)
      %dma_start3A_144 = arith.constant 0 : i32
      %dma_start3A_145 = arith.constant 0 : i32
      %dma_start3A_146 = tpu.memref_slice %arg4[%dma_start3A_144, %dma_start3A_145] : memref<10000x128xf32, #tpu.memory_space<hbm>> -> memref<10000x128xf32, #tpu.memory_space<hbm>>
      tpu.enqueue_indirect_dma source(%dma_start3A_146 : memref<10000x128xf32, #tpu.memory_space<hbm>>) target(%arg15 : memref<128x128xf32, #tpu.memory_space<vmem>>) offsets(%arg9 : memref<128xi32, #tpu.memory_space<vmem>>) semaphore(%arg22 : memref<!tpu.dma_semaphore, #tpu.memory_space<semaphore_mem>>)
      %add3A_147 = arith.constant 2 : i32
      %add3A_148 = arith.addi %add3A_132, %add3A_147 : i32
      %lt3A_149 = arith.cmpi slt, %add3A_148, %min3A_5 : i32
      %convert_element_type3A_150 = arith.extui %lt3A_149 : i1 to i32
      %cond3A_151 = arith.constant 0 : i32
      %cond3A_152 = arith.cmpi ne, %convert_element_type3A_150, %cond3A_151 : i32
      scf.if %cond3A_152 {
        %add3A_189 = arith.constant 2 : i32
        %add3A_190 = arith.addi %add3A_132, %add3A_189 : i32
        %add3A_191 = arith.addi %mul3A_7, %add3A_190 : i32
        %mul3A_192 = arith.constant 128 : i32
        %mul3A_193 = arith.muli %add3A_191, %mul3A_192 : i32
        %dma_start3A_194 = tpu.memref_slice %arg2[%mul3A_193] : memref<320000xi32, #tpu.memory_space<hbm>> -> memref<128xi32, #tpu.memory_space<hbm>>
        %dma_start3A_195 = tpu.memref_slice %arg2[%mul3A_193] : memref<320000xi32, #tpu.memory_space<hbm>> -> memref<128xi32, #tpu.memory_space<hbm>>
        tpu.enqueue_dma source(%dma_start3A_195 : memref<128xi32, #tpu.memory_space<hbm>>) target(%arg7 : memref<128xi32, #tpu.memory_space<vmem>>) target_semaphore(%arg18 : memref<!tpu.dma_semaphore, #tpu.memory_space<semaphore_mem>>)
        %dma_start3A_196 = tpu.memref_slice %arg3[%mul3A_193] : memref<320000xi32, #tpu.memory_space<hbm>> -> memref<128xi32, #tpu.memory_space<hbm>>
        %dma_start3A_197 = tpu.memref_slice %arg3[%mul3A_193] : memref<320000xi32, #tpu.memory_space<hbm>> -> memref<128xi32, #tpu.memory_space<hbm>>
        tpu.enqueue_dma source(%dma_start3A_197 : memref<128xi32, #tpu.memory_space<hbm>>) target(%arg11 : memref<128xi32, #tpu.memory_space<vmem>>) target_semaphore(%arg18 : memref<!tpu.dma_semaphore, #tpu.memory_space<semaphore_mem>>)
      } else {
      }
      %dma_wait3A_153 = arith.constant 0 : i32
      %dma_wait3A_154 = arith.constant 0 : i32
      %dma_wait3A_155 = tpu.memref_slice %arg4[%dma_wait3A_153, %dma_wait3A_154] : memref<10000x128xf32, #tpu.memory_space<hbm>> -> memref<10000x128xf32, #tpu.memory_space<hbm>>
      tpu.wait_indirect_dma semaphore(%arg23 : memref<!tpu.dma_semaphore, #tpu.memory_space<semaphore_mem>>) src(%dma_wait3A_155 : memref<10000x128xf32, #tpu.memory_space<hbm>>) dst(%arg16 : memref<128x128xf32, #tpu.memory_space<vmem>>)
      %dma_start3A_156 = arith.constant 0 : i32
      %dma_start3A_157 = arith.constant 0 : i32
      %dma_start3A_158 = tpu.memref_slice %arg17[%dma_start3A_156, %dma_start3A_157] : memref<10112x128xf32, #tpu.memory_space<vmem_shared>> -> memref<10112x128xf32, #tpu.memory_space<vmem_shared>>
      tpu.enqueue_indirect_dma source(%arg16 : memref<128x128xf32, #tpu.memory_space<vmem>>) target(%dma_start3A_158 : memref<10112x128xf32, #tpu.memory_space<vmem_shared>>) offsets(%arg12 : memref<128xi32, #tpu.memory_space<vmem>>) semaphore(%arg25 : memref<!tpu.dma_semaphore, #tpu.memory_space<semaphore_mem>>) {add = true}
      %mul3A_159 = arith.constant 4 : i32
      %mul3A_160 = arith.muli %mul3A_159, %while3A_69 : i32
      %add3A_161 = arith.constant 3 : i32
      %add3A_162 = arith.addi %mul3A_160, %add3A_161 : i32
      %dma_wait3A_163 = arith.constant 0 : i32
      %dma_wait3A_164 = tpu.memref_slice %arg2[%dma_wait3A_163] : memref<320000xi32, #tpu.memory_space<hbm>> -> memref<128xi32, #tpu.memory_space<hbm>>
      %dma_wait3A_165 = arith.constant 0 : i32
      %dma_wait3A_166 = tpu.memref_slice %arg2[%dma_wait3A_165] : memref<320000xi32, #tpu.memory_space<hbm>> -> memref<128xi32, #tpu.memory_space<hbm>>
      tpu.wait_dma2 semaphore(%arg21 : memref<!tpu.dma_semaphore, #tpu.memory_space<semaphore_mem>>) src(%dma_wait3A_166 : memref<128xi32, #tpu.memory_space<hbm>>) dst(%arg10 : memref<128xi32, #tpu.memory_space<vmem>>)
      %dma_wait3A_167 = arith.constant 0 : i32
      %dma_wait3A_168 = tpu.memref_slice %arg3[%dma_wait3A_167] : memref<320000xi32, #tpu.memory_space<hbm>> -> memref<128xi32, #tpu.memory_space<hbm>>
      %dma_wait3A_169 = arith.constant 0 : i32
      %dma_wait3A_170 = tpu.memref_slice %arg3[%dma_wait3A_169] : memref<320000xi32, #tpu.memory_space<hbm>> -> memref<128xi32, #tpu.memory_space<hbm>>
      tpu.wait_dma2 semaphore(%arg21 : memref<!tpu.dma_semaphore, #tpu.memory_space<semaphore_mem>>) src(%dma_wait3A_170 : memref<128xi32, #tpu.memory_space<hbm>>) dst(%arg14 : memref<128xi32, #tpu.memory_space<vmem>>)
      %dma_wait3A_171 = arith.constant 0 : i32
      %dma_wait3A_172 = arith.constant 0 : i32
      %dma_wait3A_173 = tpu.memref_slice %arg17[%dma_wait3A_171, %dma_wait3A_172] : memref<10112x128xf32, #tpu.memory_space<vmem_shared>> -> memref<10112x128xf32, #tpu.memory_space<vmem_shared>>
      tpu.wait_indirect_dma semaphore(%arg25 : memref<!tpu.dma_semaphore, #tpu.memory_space<semaphore_mem>>) src(%arg16 : memref<128x128xf32, #tpu.memory_space<vmem>>) dst(%dma_wait3A_173 : memref<10112x128xf32, #tpu.memory_space<vmem_shared>>)
      %dma_start3A_174 = arith.constant 0 : i32
      %dma_start3A_175 = arith.constant 0 : i32
      %dma_start3A_176 = tpu.memref_slice %arg4[%dma_start3A_174, %dma_start3A_175] : memref<10000x128xf32, #tpu.memory_space<hbm>> -> memref<10000x128xf32, #tpu.memory_space<hbm>>
      tpu.enqueue_indirect_dma source(%dma_start3A_176 : memref<10000x128xf32, #tpu.memory_space<hbm>>) target(%arg16 : memref<128x128xf32, #tpu.memory_space<vmem>>) offsets(%arg10 : memref<128xi32, #tpu.memory_space<vmem>>) semaphore(%arg23 : memref<!tpu.dma_semaphore, #tpu.memory_space<semaphore_mem>>)
      %add3A_177 = arith.constant 2 : i32
      %add3A_178 = arith.addi %add3A_162, %add3A_177 : i32
      %lt3A_179 = arith.cmpi slt, %add3A_178, %min3A_5 : i32
      %convert_element_type3A_180 = arith.extui %lt3A_179 : i1 to i32
      %cond3A_181 = arith.constant 0 : i32
      %cond3A_182 = arith.cmpi ne, %convert_element_type3A_180, %cond3A_181 : i32
      scf.if %cond3A_182 {
        %add3A_189 = arith.constant 2 : i32
        %add3A_190 = arith.addi %add3A_162, %add3A_189 : i32
        %add3A_191 = arith.addi %mul3A_7, %add3A_190 : i32
        %mul3A_192 = arith.constant 128 : i32
        %mul3A_193 = arith.muli %add3A_191, %mul3A_192 : i32
        %dma_start3A_194 = tpu.memref_slice %arg2[%mul3A_193] : memref<320000xi32, #tpu.memory_space<hbm>> -> memref<128xi32, #tpu.memory_space<hbm>>
        %dma_start3A_195 = tpu.memref_slice %arg2[%mul3A_193] : memref<320000xi32, #tpu.memory_space<hbm>> -> memref<128xi32, #tpu.memory_space<hbm>>
        tpu.enqueue_dma source(%dma_start3A_195 : memref<128xi32, #tpu.memory_space<hbm>>) target(%arg8 : memref<128xi32, #tpu.memory_space<vmem>>) target_semaphore(%arg19 : memref<!tpu.dma_semaphore, #tpu.memory_space<semaphore_mem>>)
        %dma_start3A_196 = tpu.memref_slice %arg3[%mul3A_193] : memref<320000xi32, #tpu.memory_space<hbm>> -> memref<128xi32, #tpu.memory_space<hbm>>
        %dma_start3A_197 = tpu.memref_slice %arg3[%mul3A_193] : memref<320000xi32, #tpu.memory_space<hbm>> -> memref<128xi32, #tpu.memory_space<hbm>>
        tpu.enqueue_dma source(%dma_start3A_197 : memref<128xi32, #tpu.memory_space<hbm>>) target(%arg12 : memref<128xi32, #tpu.memory_space<vmem>>) target_semaphore(%arg19 : memref<!tpu.dma_semaphore, #tpu.memory_space<semaphore_mem>>)
      } else {
      }
      %dma_wait3A_183 = arith.constant 0 : i32
      %dma_wait3A_184 = arith.constant 0 : i32
      %dma_wait3A_185 = tpu.memref_slice %arg4[%dma_wait3A_183, %dma_wait3A_184] : memref<10000x128xf32, #tpu.memory_space<hbm>> -> memref<10000x128xf32, #tpu.memory_space<hbm>>
      tpu.wait_indirect_dma semaphore(%arg22 : memref<!tpu.dma_semaphore, #tpu.memory_space<semaphore_mem>>) src(%dma_wait3A_185 : memref<10000x128xf32, #tpu.memory_space<hbm>>) dst(%arg15 : memref<128x128xf32, #tpu.memory_space<vmem>>)
      %dma_start3A_186 = arith.constant 0 : i32
      %dma_start3A_187 = arith.constant 0 : i32
      %dma_start3A_188 = tpu.memref_slice %arg17[%dma_start3A_186, %dma_start3A_187] : memref<10112x128xf32, #tpu.memory_space<vmem_shared>> -> memref<10112x128xf32, #tpu.memory_space<vmem_shared>>
      tpu.enqueue_indirect_dma source(%arg15 : memref<128x128xf32, #tpu.memory_space<vmem>>) target(%dma_start3A_188 : memref<10112x128xf32, #tpu.memory_space<vmem_shared>>) offsets(%arg13 : memref<128xi32, #tpu.memory_space<vmem>>) semaphore(%arg24 : memref<!tpu.dma_semaphore, #tpu.memory_space<semaphore_mem>>) {add = true}
    }
    %dma_wait3A = arith.constant 0 : i32
    %dma_wait3A_53 = arith.constant 0 : i32
    %dma_wait3A_54 = tpu.memref_slice %arg4[%dma_wait3A, %dma_wait3A_53] : memref<10000x128xf32, #tpu.memory_space<hbm>> -> memref<10000x128xf32, #tpu.memory_space<hbm>>
    tpu.wait_indirect_dma semaphore(%arg23 : memref<!tpu.dma_semaphore, #tpu.memory_space<semaphore_mem>>) src(%dma_wait3A_54 : memref<10000x128xf32, #tpu.memory_space<hbm>>) dst(%arg16 : memref<128x128xf32, #tpu.memory_space<vmem>>)
    %dma_start3A_55 = arith.constant 0 : i32
    %dma_start3A_56 = arith.constant 0 : i32
    %dma_start3A_57 = tpu.memref_slice %arg17[%dma_start3A_55, %dma_start3A_56] : memref<10112x128xf32, #tpu.memory_space<vmem_shared>> -> memref<10112x128xf32, #tpu.memory_space<vmem_shared>>
    tpu.enqueue_indirect_dma source(%arg16 : memref<128x128xf32, #tpu.memory_space<vmem>>) target(%dma_start3A_57 : memref<10112x128xf32, #tpu.memory_space<vmem_shared>>) offsets(%arg14 : memref<128xi32, #tpu.memory_space<vmem>>) semaphore(%arg25 : memref<!tpu.dma_semaphore, #tpu.memory_space<semaphore_mem>>) {add = true}
    %dma_wait3A_58 = arith.constant 0 : i32
    %dma_wait3A_59 = arith.constant 0 : i32
    %dma_wait3A_60 = tpu.memref_slice %arg17[%dma_wait3A_58, %dma_wait3A_59] : memref<10112x128xf32, #tpu.memory_space<vmem_shared>> -> memref<10112x128xf32, #tpu.memory_space<vmem_shared>>
    tpu.wait_indirect_dma semaphore(%arg24 : memref<!tpu.dma_semaphore, #tpu.memory_space<semaphore_mem>>) src(%arg15 : memref<128x128xf32, #tpu.memory_space<vmem>>) dst(%dma_wait3A_60 : memref<10112x128xf32, #tpu.memory_space<vmem_shared>>)
    %dma_wait3A_61 = arith.constant 0 : i32
    %dma_wait3A_62 = arith.constant 0 : i32
    %dma_wait3A_63 = tpu.memref_slice %arg17[%dma_wait3A_61, %dma_wait3A_62] : memref<10112x128xf32, #tpu.memory_space<vmem_shared>> -> memref<10112x128xf32, #tpu.memory_space<vmem_shared>>
    tpu.wait_indirect_dma semaphore(%arg25 : memref<!tpu.dma_semaphore, #tpu.memory_space<semaphore_mem>>) src(%arg16 : memref<128x128xf32, #tpu.memory_space<vmem>>) dst(%dma_wait3A_63 : memref<10112x128xf32, #tpu.memory_space<vmem_shared>>)
    %barrier3A_64 = arith.constant 0 : index
    tpu.barrier barrier_id(%barrier3A_64)
    %mul3A_65 = arith.constant 632 : i32
    %mul3A_66 = arith.muli %arg1, %mul3A_65 : i32
    %mul3A_67 = arith.constant 632 : i32
    %mul3A_68 = arith.muli %arg1, %mul3A_67 : i32
    "tpu.region"() ({
      %run_scoped3A = tpu.sem_alloc : memref<!tpu.dma_semaphore, #tpu.memory_space<semaphore_mem>>
      %dma_start3A_69 = arith.constant 0 : i32
      %dma_start3A_70 = arith.constant 0 : i32
      %dma_start3A_71 = tpu.memref_slice %arg6[%arg0, %dma_start3A_69, %dma_start3A_70] : memref<2x10112x128xf32, #tpu.memory_space<hbm>> -> memref<1x10112x128xf32, #tpu.memory_space<hbm>>
      %dma_start3A_72 = tpu.memref_squeeze %dma_start3A_71 : memref<1x10112x128xf32, #tpu.memory_space<hbm>> -> memref<10112x128xf32, #tpu.memory_space<hbm>>
      %dma_start3A_73 = arith.constant 0 : i32
      %dma_start3A_74 = tpu.memref_slice %dma_start3A_72[%mul3A_68, %dma_start3A_73] : memref<10112x128xf32, #tpu.memory_space<hbm>> -> memref<632x128xf32, #tpu.memory_space<hbm>>
      %dma_start3A_75 = arith.constant 0 : i32
      %dma_start3A_76 = tpu.memref_slice %arg17[%mul3A_66, %dma_start3A_75] : memref<10112x128xf32, #tpu.memory_space<vmem_shared>> -> memref<632x128xf32, #tpu.memory_space<vmem_shared>>
      tpu.enqueue_dma source(%dma_start3A_76 : memref<632x128xf32, #tpu.memory_space<vmem_shared>>) target(%dma_start3A_74 : memref<632x128xf32, #tpu.memory_space<hbm>>) target_semaphore(%run_scoped3A : memref<!tpu.dma_semaphore, #tpu.memory_space<semaphore_mem>>)
      %dma_wait3A_77 = arith.constant 0 : i32
      %dma_wait3A_78 = arith.constant 0 : i32
      %dma_wait3A_79 = tpu.memref_slice %arg6[%arg0, %dma_wait3A_77, %dma_wait3A_78] : memref<2x10112x128xf32, #tpu.memory_space<hbm>> -> memref<1x10112x128xf32, #tpu.memory_space<hbm>>
      %dma_wait3A_80 = tpu.memref_squeeze %dma_wait3A_79 : memref<1x10112x128xf32, #tpu.memory_space<hbm>> -> memref<10112x128xf32, #tpu.memory_space<hbm>>
      %dma_wait3A_81 = arith.constant 0 : i32
      %dma_wait3A_82 = tpu.memref_slice %dma_wait3A_80[%mul3A_68, %dma_wait3A_81] : memref<10112x128xf32, #tpu.memory_space<hbm>> -> memref<632x128xf32, #tpu.memory_space<hbm>>
      %dma_wait3A_83 = arith.constant 0 : i32
      %dma_wait3A_84 = tpu.memref_slice %arg17[%mul3A_66, %dma_wait3A_83] : memref<10112x128xf32, #tpu.memory_space<vmem_shared>> -> memref<632x128xf32, #tpu.memory_space<vmem_shared>>
      tpu.wait_dma2 semaphore(%run_scoped3A : memref<!tpu.dma_semaphore, #tpu.memory_space<semaphore_mem>>) src(%dma_wait3A_84 : memref<632x128xf32, #tpu.memory_space<vmem_shared>>) dst(%dma_wait3A_82 : memref<632x128xf32, #tpu.memory_space<hbm>>)
      tpu.yield
    }) : () -> ()
    return
  }
}

#map = affine_map<(d0, d1) -> (0)>
#map1 = affine_map<(d0, d1) -> (0, 0)>
#map2 = affine_map<(d0, d1) -> (0, 0, 0)>
module attributes {stable_mosaic.version = 14 : i64} {
  func.func @_agg_body(%arg0: i32, %arg1: i32, %arg2: memref<320000xi32, #tpu.memory_space<hbm>>, %arg3: memref<320000xi32, #tpu.memory_space<hbm>>, %arg4: memref<10000x128xf32, #tpu.memory_space<hbm>>, %arg5: memref<10112x128xf32, #tpu.memory_space<hbm>>, %arg6: memref<2x10112x128xf32, #tpu.memory_space<hbm>>, %arg7: memref<128xi32, #tpu.memory_space<vmem>>, %arg8: memref<128xi32, #tpu.memory_space<vmem>>, %arg9: memref<128xi32, #tpu.memory_space<vmem>>, %arg10: memref<128xi32, #tpu.memory_space<vmem>>, %arg11: memref<128xi32, #tpu.memory_space<vmem>>, %arg12: memref<128xi32, #tpu.memory_space<vmem>>, %arg13: memref<128xi32, #tpu.memory_space<vmem>>, %arg14: memref<128xi32, #tpu.memory_space<vmem>>, %arg15: memref<128x128xf32, #tpu.memory_space<vmem>>, %arg16: memref<128x128xf32, #tpu.memory_space<vmem>>, %arg17: memref<10112x128xf32, #tpu.memory_space<vmem_shared>>, %arg18: memref<!tpu.dma_semaphore, #tpu.memory_space<semaphore_mem>>, %arg19: memref<!tpu.dma_semaphore, #tpu.memory_space<semaphore_mem>>, %arg20: memref<!tpu.dma_semaphore, #tpu.memory_space<semaphore_mem>>, %arg21: memref<!tpu.dma_semaphore, #tpu.memory_space<semaphore_mem>>, %arg22: memref<!tpu.dma_semaphore, #tpu.memory_space<semaphore_mem>>, %arg23: memref<!tpu.dma_semaphore, #tpu.memory_space<semaphore_mem>>, %arg24: memref<!tpu.dma_semaphore, #tpu.memory_space<semaphore_mem>>, %arg25: memref<!tpu.dma_semaphore, #tpu.memory_space<semaphore_mem>>) attributes {dimension_semantics = [#tpu.dimension_semantics<core_parallel>, #tpu.dimension_semantics<subcore_parallel>], iteration_bounds = array<i64: 2, 16>, scalar_prefetch = 0 : i64, scratch_operands = 19 : i64, tpu.core_type = #tpu.core_type<sc_vector_subcore>, window_params = [{transform_indices = #map}, {transform_indices = #map}, {transform_indices = #map1}, {transform_indices = #map1}, {transform_indices = #map2}]} {
    %mul3A = arith.constant 16 : i32
    %mul3A_0 = arith.muli %arg0, %mul3A : i32
    %add3A = arith.addi %mul3A_0, %arg1 : i32
    %mul3A_1 = arith.constant 80 : i32
    %mul3A_2 = arith.muli %add3A, %mul3A_1 : i32
    %sub3A = arith.constant 2500 : i32
    %sub3A_3 = arith.subi %sub3A, %mul3A_2 : i32
    %max3A = arith.constant 0 : i32
    %max3A_4 = arith.maxsi %max3A, %sub3A_3 : i32
    %min3A = arith.constant 80 : i32
    %min3A_5 = arith.minsi %min3A, %max3A_4 : i32
    %mul3A_6 = arith.constant 80 : i32
    %mul3A_7 = arith.muli %add3A, %mul3A_6 : i32
    %add3A_8 = arith.constant 0 : i32
    %add3A_9 = arith.addi %mul3A_7, %add3A_8 : i32
    %mul3A_10 = arith.constant 128 : i32
    %mul3A_11 = arith.muli %add3A_9, %mul3A_10 : i32
    %dma_start3A = tpu.memref_slice %arg2[%mul3A_11] : memref<320000xi32, #tpu.memory_space<hbm>> -> memref<128xi32, #tpu.memory_space<hbm>>
    %dma_start3A_12 = tpu.memref_slice %arg2[%mul3A_11] : memref<320000xi32, #tpu.memory_space<hbm>> -> memref<128xi32, #tpu.memory_space<hbm>>
    tpu.enqueue_dma source(%dma_start3A_12 : memref<128xi32, #tpu.memory_space<hbm>>) target(%arg7 : memref<128xi32, #tpu.memory_space<vmem>>) target_semaphore(%arg18 : memref<!tpu.dma_semaphore, #tpu.memory_space<semaphore_mem>>)
    %dma_start3A_13 = tpu.memref_slice %arg3[%mul3A_11] : memref<320000xi32, #tpu.memory_space<hbm>> -> memref<128xi32, #tpu.memory_space<hbm>>
    %dma_start3A_14 = tpu.memref_slice %arg3[%mul3A_11] : memref<320000xi32, #tpu.memory_space<hbm>> -> memref<128xi32, #tpu.memory_space<hbm>>
    tpu.enqueue_dma source(%dma_start3A_14 : memref<128xi32, #tpu.memory_space<hbm>>) target(%arg11 : memref<128xi32, #tpu.memory_space<vmem>>) target_semaphore(%arg18 : memref<!tpu.dma_semaphore, #tpu.memory_space<semaphore_mem>>)
    %add3A_15 = arith.constant 1 : i32
    %add3A_16 = arith.addi %mul3A_7, %add3A_15 : i32
    %mul3A_17 = arith.constant 128 : i32
    %mul3A_18 = arith.muli %add3A_16, %mul3A_17 : i32
    %dma_start3A_19 = tpu.memref_slice %arg2[%mul3A_18] : memref<320000xi32, #tpu.memory_space<hbm>> -> memref<128xi32, #tpu.memory_space<hbm>>
    %dma_start3A_20 = tpu.memref_slice %arg2[%mul3A_18] : memref<320000xi32, #tpu.memory_space<hbm>> -> memref<128xi32, #tpu.memory_space<hbm>>
    tpu.enqueue_dma source(%dma_start3A_20 : memref<128xi32, #tpu.memory_space<hbm>>) target(%arg8 : memref<128xi32, #tpu.memory_space<vmem>>) target_semaphore(%arg19 : memref<!tpu.dma_semaphore, #tpu.memory_space<semaphore_mem>>)
    %dma_start3A_21 = tpu.memref_slice %arg3[%mul3A_18] : memref<320000xi32, #tpu.memory_space<hbm>> -> memref<128xi32, #tpu.memory_space<hbm>>
    %dma_start3A_22 = tpu.memref_slice %arg3[%mul3A_18] : memref<320000xi32, #tpu.memory_space<hbm>> -> memref<128xi32, #tpu.memory_space<hbm>>
    tpu.enqueue_dma source(%dma_start3A_22 : memref<128xi32, #tpu.memory_space<hbm>>) target(%arg12 : memref<128xi32, #tpu.memory_space<vmem>>) target_semaphore(%arg19 : memref<!tpu.dma_semaphore, #tpu.memory_space<semaphore_mem>>)
    %mul3A_23 = arith.constant 632 : i32
    %mul3A_24 = arith.muli %arg1, %mul3A_23 : i32
    %mul3A_25 = arith.constant 632 : i32
    %mul3A_26 = arith.muli %arg1, %mul3A_25 : i32
    "tpu.region"() ({
      %run_scoped3A = tpu.sem_alloc : memref<!tpu.dma_semaphore, #tpu.memory_space<semaphore_mem>>
      %dma_start3A_69 = arith.constant 0 : i32
      %dma_start3A_70 = tpu.memref_slice %arg17[%mul3A_26, %dma_start3A_69] : memref<10112x128xf32, #tpu.memory_space<vmem_shared>> -> memref<632x128xf32, #tpu.memory_space<vmem_shared>>
      %dma_start3A_71 = arith.constant 0 : i32
      %dma_start3A_72 = tpu.memref_slice %arg5[%mul3A_24, %dma_start3A_71] : memref<10112x128xf32, #tpu.memory_space<hbm>> -> memref<632x128xf32, #tpu.memory_space<hbm>>
      tpu.enqueue_dma source(%dma_start3A_72 : memref<632x128xf32, #tpu.memory_space<hbm>>) target(%dma_start3A_70 : memref<632x128xf32, #tpu.memory_space<vmem_shared>>) target_semaphore(%run_scoped3A : memref<!tpu.dma_semaphore, #tpu.memory_space<semaphore_mem>>)
      %dma_wait3A_73 = arith.constant 0 : i32
      %dma_wait3A_74 = tpu.memref_slice %arg17[%mul3A_26, %dma_wait3A_73] : memref<10112x128xf32, #tpu.memory_space<vmem_shared>> -> memref<632x128xf32, #tpu.memory_space<vmem_shared>>
      %dma_wait3A_75 = arith.constant 0 : i32
      %dma_wait3A_76 = tpu.memref_slice %arg5[%mul3A_24, %dma_wait3A_75] : memref<10112x128xf32, #tpu.memory_space<hbm>> -> memref<632x128xf32, #tpu.memory_space<hbm>>
      tpu.wait_dma2 semaphore(%run_scoped3A : memref<!tpu.dma_semaphore, #tpu.memory_space<semaphore_mem>>) src(%dma_wait3A_76 : memref<632x128xf32, #tpu.memory_space<hbm>>) dst(%dma_wait3A_74 : memref<632x128xf32, #tpu.memory_space<vmem_shared>>)
      tpu.yield
    }) : () -> ()
    %barrier3A = arith.constant 0 : index
    tpu.barrier barrier_id(%barrier3A)
    %jit3A = arith.constant 4 : i32
    %div3A = arith.divsi %min3A_5, %jit3A : i32
    %sign3A = arith.constant 0 : i32
    %sign3A_27 = arith.cmpi sgt, %min3A_5, %sign3A : i32
    %sign3A_28 = arith.extui %sign3A_27 : i1 to i32
    %sign3A_29 = arith.constant 0 : i32
    %sign3A_30 = arith.cmpi slt, %min3A_5, %sign3A_29 : i32
    %sign3A_31 = arith.extui %sign3A_30 : i1 to i32
    %sign3A_32 = arith.subi %sign3A_28, %sign3A_31 : i32
    %sign3A_33 = arith.constant 0 : i32
    %sign3A_34 = arith.cmpi sgt, %jit3A, %sign3A_33 : i32
    %sign3A_35 = arith.extui %sign3A_34 : i1 to i32
    %sign3A_36 = arith.constant 0 : i32
    %sign3A_37 = arith.cmpi slt, %jit3A, %sign3A_36 : i32
    %sign3A_38 = arith.extui %sign3A_37 : i1 to i32
    %sign3A_39 = arith.subi %sign3A_35, %sign3A_38 : i32
    %ne3A = arith.cmpi ne, %sign3A_32, %sign3A_39 : i32
    %rem3A = arith.remsi %min3A_5, %jit3A : i32
    %ne3A_40 = arith.constant 0 : i32
    %ne3A_41 = arith.cmpi ne, %rem3A, %ne3A_40 : i32
    %and3A = arith.andi %ne3A, %ne3A_41 : i1
    %sub3A_42 = arith.constant 1 : i32
    %sub3A_43 = arith.subi %div3A, %sub3A_42 : i32
    %select_n3A = arith.select %and3A, %sub3A_43, %div3A : i32
    %while3A = arith.constant 0 : i32
    %while3A_44 = arith.constant 0 : i32
    %while3A_45 = arith.subi %select_n3A, %while3A_44 : i32
    %while3A_46 = arith.addi %while3A_44, %while3A_45 : i32
    %while3A_47 = arith.constant 1 : i32
    %while3A_48 = arith.divsi %while3A_45, %while3A_47 : i32
    %while3A_49 = arith.muli %while3A_48, %while3A_47 : i32
    %while3A_50 = arith.addi %while3A_44, %while3A_49 : i32
    %while3A_51 = arith.constant 1 : i32
    scf.for %while3A_69 = %while3A_44 to %while3A_50 step %while3A_51  : i32 {
      %mul3A_70 = arith.constant 4 : i32
      %mul3A_71 = arith.muli %mul3A_70, %while3A_69 : i32
      %add3A_72 = arith.constant 0 : i32
      %add3A_73 = arith.addi %mul3A_71, %add3A_72 : i32
      %dma_wait3A_74 = arith.constant 0 : i32
      %dma_wait3A_75 = tpu.memref_slice %arg2[%dma_wait3A_74] : memref<320000xi32, #tpu.memory_space<hbm>> -> memref<128xi32, #tpu.memory_space<hbm>>
      %dma_wait3A_76 = arith.constant 0 : i32
      %dma_wait3A_77 = tpu.memref_slice %arg2[%dma_wait3A_76] : memref<320000xi32, #tpu.memory_space<hbm>> -> memref<128xi32, #tpu.memory_space<hbm>>
      tpu.wait_dma2 semaphore(%arg18 : memref<!tpu.dma_semaphore, #tpu.memory_space<semaphore_mem>>) src(%dma_wait3A_77 : memref<128xi32, #tpu.memory_space<hbm>>) dst(%arg7 : memref<128xi32, #tpu.memory_space<vmem>>)
      %dma_wait3A_78 = arith.constant 0 : i32
      %dma_wait3A_79 = tpu.memref_slice %arg3[%dma_wait3A_78] : memref<320000xi32, #tpu.memory_space<hbm>> -> memref<128xi32, #tpu.memory_space<hbm>>
      %dma_wait3A_80 = arith.constant 0 : i32
      %dma_wait3A_81 = tpu.memref_slice %arg3[%dma_wait3A_80] : memref<320000xi32, #tpu.memory_space<hbm>> -> memref<128xi32, #tpu.memory_space<hbm>>
      tpu.wait_dma2 semaphore(%arg18 : memref<!tpu.dma_semaphore, #tpu.memory_space<semaphore_mem>>) src(%dma_wait3A_81 : memref<128xi32, #tpu.memory_space<hbm>>) dst(%arg11 : memref<128xi32, #tpu.memory_space<vmem>>)
      %gt3A = arith.constant 0 : i32
      %gt3A_82 = arith.cmpi sgt, %while3A_69, %gt3A : i32
      %convert_element_type3A = arith.extui %gt3A_82 : i1 to i32
      %cond3A = arith.constant 0 : i32
      %cond3A_83 = arith.cmpi ne, %convert_element_type3A, %cond3A : i32
      scf.if %cond3A_83 {
        %dma_wait3A_189 = arith.constant 0 : i32
        %dma_wait3A_190 = arith.constant 0 : i32
        %dma_wait3A_191 = tpu.memref_slice %arg17[%dma_wait3A_189, %dma_wait3A_190] : memref<10112x128xf32, #tpu.memory_space<vmem_shared>> -> memref<10112x128xf32, #tpu.memory_space<vmem_shared>>
        tpu.wait_indirect_dma semaphore(%arg24 : memref<!tpu.dma_semaphore, #tpu.memory_space<semaphore_mem>>) src(%arg15 : memref<128x128xf32, #tpu.memory_space<vmem>>) dst(%dma_wait3A_191 : memref<10112x128xf32, #tpu.memory_space<vmem_shared>>)
      } else {
      }
      %dma_start3A_84 = arith.constant 0 : i32
      %dma_start3A_85 = arith.constant 0 : i32
      %dma_start3A_86 = tpu.memref_slice %arg4[%dma_start3A_84, %dma_start3A_85] : memref<10000x128xf32, #tpu.memory_space<hbm>> -> memref<10000x128xf32, #tpu.memory_space<hbm>>
      tpu.enqueue_indirect_dma source(%dma_start3A_86 : memref<10000x128xf32, #tpu.memory_space<hbm>>) target(%arg15 : memref<128x128xf32, #tpu.memory_space<vmem>>) offsets(%arg7 : memref<128xi32, #tpu.memory_space<vmem>>) semaphore(%arg22 : memref<!tpu.dma_semaphore, #tpu.memory_space<semaphore_mem>>)
      %add3A_87 = arith.constant 2 : i32
      %add3A_88 = arith.addi %add3A_73, %add3A_87 : i32
      %lt3A = arith.cmpi slt, %add3A_88, %min3A_5 : i32
      %convert_element_type3A_89 = arith.extui %lt3A : i1 to i32
      %cond3A_90 = arith.constant 0 : i32
      %cond3A_91 = arith.cmpi ne, %convert_element_type3A_89, %cond3A_90 : i32
      scf.if %cond3A_91 {
        %add3A_189 = arith.constant 2 : i32
        %add3A_190 = arith.addi %add3A_73, %add3A_189 : i32
        %add3A_191 = arith.addi %mul3A_7, %add3A_190 : i32
        %mul3A_192 = arith.constant 128 : i32
        %mul3A_193 = arith.muli %add3A_191, %mul3A_192 : i32
        %dma_start3A_194 = tpu.memref_slice %arg2[%mul3A_193] : memref<320000xi32, #tpu.memory_space<hbm>> -> memref<128xi32, #tpu.memory_space<hbm>>
        %dma_start3A_195 = tpu.memref_slice %arg2[%mul3A_193] : memref<320000xi32, #tpu.memory_space<hbm>> -> memref<128xi32, #tpu.memory_space<hbm>>
        tpu.enqueue_dma source(%dma_start3A_195 : memref<128xi32, #tpu.memory_space<hbm>>) target(%arg9 : memref<128xi32, #tpu.memory_space<vmem>>) target_semaphore(%arg20 : memref<!tpu.dma_semaphore, #tpu.memory_space<semaphore_mem>>)
        %dma_start3A_196 = tpu.memref_slice %arg3[%mul3A_193] : memref<320000xi32, #tpu.memory_space<hbm>> -> memref<128xi32, #tpu.memory_space<hbm>>
        %dma_start3A_197 = tpu.memref_slice %arg3[%mul3A_193] : memref<320000xi32, #tpu.memory_space<hbm>> -> memref<128xi32, #tpu.memory_space<hbm>>
        tpu.enqueue_dma source(%dma_start3A_197 : memref<128xi32, #tpu.memory_space<hbm>>) target(%arg13 : memref<128xi32, #tpu.memory_space<vmem>>) target_semaphore(%arg20 : memref<!tpu.dma_semaphore, #tpu.memory_space<semaphore_mem>>)
      } else {
      }
      %gt3A_92 = arith.constant 0 : i32
      %gt3A_93 = arith.cmpi sgt, %while3A_69, %gt3A_92 : i32
      %convert_element_type3A_94 = arith.extui %gt3A_93 : i1 to i32
      %cond3A_95 = arith.constant 0 : i32
      %cond3A_96 = arith.cmpi ne, %convert_element_type3A_94, %cond3A_95 : i32
      scf.if %cond3A_96 {
        %dma_wait3A_189 = arith.constant 0 : i32
        %dma_wait3A_190 = arith.constant 0 : i32
        %dma_wait3A_191 = tpu.memref_slice %arg4[%dma_wait3A_189, %dma_wait3A_190] : memref<10000x128xf32, #tpu.memory_space<hbm>> -> memref<10000x128xf32, #tpu.memory_space<hbm>>
        tpu.wait_indirect_dma semaphore(%arg23 : memref<!tpu.dma_semaphore, #tpu.memory_space<semaphore_mem>>) src(%dma_wait3A_191 : memref<10000x128xf32, #tpu.memory_space<hbm>>) dst(%arg16 : memref<128x128xf32, #tpu.memory_space<vmem>>)
        %dma_start3A_192 = arith.constant 0 : i32
        %dma_start3A_193 = arith.constant 0 : i32
        %dma_start3A_194 = tpu.memref_slice %arg17[%dma_start3A_192, %dma_start3A_193] : memref<10112x128xf32, #tpu.memory_space<vmem_shared>> -> memref<10112x128xf32, #tpu.memory_space<vmem_shared>>
        tpu.enqueue_indirect_dma source(%arg16 : memref<128x128xf32, #tpu.memory_space<vmem>>) target(%dma_start3A_194 : memref<10112x128xf32, #tpu.memory_space<vmem_shared>>) offsets(%arg14 : memref<128xi32, #tpu.memory_space<vmem>>) semaphore(%arg25 : memref<!tpu.dma_semaphore, #tpu.memory_space<semaphore_mem>>) {add = true}
      } else {
      }
      %mul3A_97 = arith.constant 4 : i32
      %mul3A_98 = arith.muli %mul3A_97, %while3A_69 : i32
      %add3A_99 = arith.constant 1 : i32
      %add3A_100 = arith.addi %mul3A_98, %add3A_99 : i32
      %dma_wait3A_101 = arith.constant 0 : i32
      %dma_wait3A_102 = tpu.memref_slice %arg2[%dma_wait3A_101] : memref<320000xi32, #tpu.memory_space<hbm>> -> memref<128xi32, #tpu.memory_space<hbm>>
      %dma_wait3A_103 = arith.constant 0 : i32
      %dma_wait3A_104 = tpu.memref_slice %arg2[%dma_wait3A_103] : memref<320000xi32, #tpu.memory_space<hbm>> -> memref<128xi32, #tpu.memory_space<hbm>>
      tpu.wait_dma2 semaphore(%arg19 : memref<!tpu.dma_semaphore, #tpu.memory_space<semaphore_mem>>) src(%dma_wait3A_104 : memref<128xi32, #tpu.memory_space<hbm>>) dst(%arg8 : memref<128xi32, #tpu.memory_space<vmem>>)
      %dma_wait3A_105 = arith.constant 0 : i32
      %dma_wait3A_106 = tpu.memref_slice %arg3[%dma_wait3A_105] : memref<320000xi32, #tpu.memory_space<hbm>> -> memref<128xi32, #tpu.memory_space<hbm>>
      %dma_wait3A_107 = arith.constant 0 : i32
      %dma_wait3A_108 = tpu.memref_slice %arg3[%dma_wait3A_107] : memref<320000xi32, #tpu.memory_space<hbm>> -> memref<128xi32, #tpu.memory_space<hbm>>
      tpu.wait_dma2 semaphore(%arg19 : memref<!tpu.dma_semaphore, #tpu.memory_space<semaphore_mem>>) src(%dma_wait3A_108 : memref<128xi32, #tpu.memory_space<hbm>>) dst(%arg12 : memref<128xi32, #tpu.memory_space<vmem>>)
      %gt3A_109 = arith.constant 0 : i32
      %gt3A_110 = arith.cmpi sgt, %while3A_69, %gt3A_109 : i32
      %convert_element_type3A_111 = arith.extui %gt3A_110 : i1 to i32
      %cond3A_112 = arith.constant 0 : i32
      %cond3A_113 = arith.cmpi ne, %convert_element_type3A_111, %cond3A_112 : i32
      scf.if %cond3A_113 {
        %dma_wait3A_189 = arith.constant 0 : i32
        %dma_wait3A_190 = arith.constant 0 : i32
        %dma_wait3A_191 = tpu.memref_slice %arg17[%dma_wait3A_189, %dma_wait3A_190] : memref<10112x128xf32, #tpu.memory_space<vmem_shared>> -> memref<10112x128xf32, #tpu.memory_space<vmem_shared>>
        tpu.wait_indirect_dma semaphore(%arg25 : memref<!tpu.dma_semaphore, #tpu.memory_space<semaphore_mem>>) src(%arg16 : memref<128x128xf32, #tpu.memory_space<vmem>>) dst(%dma_wait3A_191 : memref<10112x128xf32, #tpu.memory_space<vmem_shared>>)
      } else {
      }
      %dma_start3A_114 = arith.constant 0 : i32
      %dma_start3A_115 = arith.constant 0 : i32
      %dma_start3A_116 = tpu.memref_slice %arg4[%dma_start3A_114, %dma_start3A_115] : memref<10000x128xf32, #tpu.memory_space<hbm>> -> memref<10000x128xf32, #tpu.memory_space<hbm>>
      tpu.enqueue_indirect_dma source(%dma_start3A_116 : memref<10000x128xf32, #tpu.memory_space<hbm>>) target(%arg16 : memref<128x128xf32, #tpu.memory_space<vmem>>) offsets(%arg8 : memref<128xi32, #tpu.memory_space<vmem>>) semaphore(%arg23 : memref<!tpu.dma_semaphore, #tpu.memory_space<semaphore_mem>>)
      %add3A_117 = arith.constant 2 : i32
      %add3A_118 = arith.addi %add3A_100, %add3A_117 : i32
      %lt3A_119 = arith.cmpi slt, %add3A_118, %min3A_5 : i32
      %convert_element_type3A_120 = arith.extui %lt3A_119 : i1 to i32
      %cond3A_121 = arith.constant 0 : i32
      %cond3A_122 = arith.cmpi ne, %convert_element_type3A_120, %cond3A_121 : i32
      scf.if %cond3A_122 {
        %add3A_189 = arith.constant 2 : i32
        %add3A_190 = arith.addi %add3A_100, %add3A_189 : i32
        %add3A_191 = arith.addi %mul3A_7, %add3A_190 : i32
        %mul3A_192 = arith.constant 128 : i32
        %mul3A_193 = arith.muli %add3A_191, %mul3A_192 : i32
        %dma_start3A_194 = tpu.memref_slice %arg2[%mul3A_193] : memref<320000xi32, #tpu.memory_space<hbm>> -> memref<128xi32, #tpu.memory_space<hbm>>
        %dma_start3A_195 = tpu.memref_slice %arg2[%mul3A_193] : memref<320000xi32, #tpu.memory_space<hbm>> -> memref<128xi32, #tpu.memory_space<hbm>>
        tpu.enqueue_dma source(%dma_start3A_195 : memref<128xi32, #tpu.memory_space<hbm>>) target(%arg10 : memref<128xi32, #tpu.memory_space<vmem>>) target_semaphore(%arg21 : memref<!tpu.dma_semaphore, #tpu.memory_space<semaphore_mem>>)
        %dma_start3A_196 = tpu.memref_slice %arg3[%mul3A_193] : memref<320000xi32, #tpu.memory_space<hbm>> -> memref<128xi32, #tpu.memory_space<hbm>>
        %dma_start3A_197 = tpu.memref_slice %arg3[%mul3A_193] : memref<320000xi32, #tpu.memory_space<hbm>> -> memref<128xi32, #tpu.memory_space<hbm>>
        tpu.enqueue_dma source(%dma_start3A_197 : memref<128xi32, #tpu.memory_space<hbm>>) target(%arg14 : memref<128xi32, #tpu.memory_space<vmem>>) target_semaphore(%arg21 : memref<!tpu.dma_semaphore, #tpu.memory_space<semaphore_mem>>)
      } else {
      }
      %dma_wait3A_123 = arith.constant 0 : i32
      %dma_wait3A_124 = arith.constant 0 : i32
      %dma_wait3A_125 = tpu.memref_slice %arg4[%dma_wait3A_123, %dma_wait3A_124] : memref<10000x128xf32, #tpu.memory_space<hbm>> -> memref<10000x128xf32, #tpu.memory_space<hbm>>
      tpu.wait_indirect_dma semaphore(%arg22 : memref<!tpu.dma_semaphore, #tpu.memory_space<semaphore_mem>>) src(%dma_wait3A_125 : memref<10000x128xf32, #tpu.memory_space<hbm>>) dst(%arg15 : memref<128x128xf32, #tpu.memory_space<vmem>>)
      %dma_start3A_126 = arith.constant 0 : i32
      %dma_start3A_127 = arith.constant 0 : i32
      %dma_start3A_128 = tpu.memref_slice %arg17[%dma_start3A_126, %dma_start3A_127] : memref<10112x128xf32, #tpu.memory_space<vmem_shared>> -> memref<10112x128xf32, #tpu.memory_space<vmem_shared>>
      tpu.enqueue_indirect_dma source(%arg15 : memref<128x128xf32, #tpu.memory_space<vmem>>) target(%dma_start3A_128 : memref<10112x128xf32, #tpu.memory_space<vmem_shared>>) offsets(%arg11 : memref<128xi32, #tpu.memory_space<vmem>>) semaphore(%arg24 : memref<!tpu.dma_semaphore, #tpu.memory_space<semaphore_mem>>) {add = true}
      %mul3A_129 = arith.constant 4 : i32
      %mul3A_130 = arith.muli %mul3A_129, %while3A_69 : i32
      %add3A_131 = arith.constant 2 : i32
      %add3A_132 = arith.addi %mul3A_130, %add3A_131 : i32
      %dma_wait3A_133 = arith.constant 0 : i32
      %dma_wait3A_134 = tpu.memref_slice %arg2[%dma_wait3A_133] : memref<320000xi32, #tpu.memory_space<hbm>> -> memref<128xi32, #tpu.memory_space<hbm>>
      %dma_wait3A_135 = arith.constant 0 : i32
      %dma_wait3A_136 = tpu.memref_slice %arg2[%dma_wait3A_135] : memref<320000xi32, #tpu.memory_space<hbm>> -> memref<128xi32, #tpu.memory_space<hbm>>
      tpu.wait_dma2 semaphore(%arg20 : memref<!tpu.dma_semaphore, #tpu.memory_space<semaphore_mem>>) src(%dma_wait3A_136 : memref<128xi32, #tpu.memory_space<hbm>>) dst(%arg9 : memref<128xi32, #tpu.memory_space<vmem>>)
      %dma_wait3A_137 = arith.constant 0 : i32
      %dma_wait3A_138 = tpu.memref_slice %arg3[%dma_wait3A_137] : memref<320000xi32, #tpu.memory_space<hbm>> -> memref<128xi32, #tpu.memory_space<hbm>>
      %dma_wait3A_139 = arith.constant 0 : i32
      %dma_wait3A_140 = tpu.memref_slice %arg3[%dma_wait3A_139] : memref<320000xi32, #tpu.memory_space<hbm>> -> memref<128xi32, #tpu.memory_space<hbm>>
      tpu.wait_dma2 semaphore(%arg20 : memref<!tpu.dma_semaphore, #tpu.memory_space<semaphore_mem>>) src(%dma_wait3A_140 : memref<128xi32, #tpu.memory_space<hbm>>) dst(%arg13 : memref<128xi32, #tpu.memory_space<vmem>>)
      %dma_wait3A_141 = arith.constant 0 : i32
      %dma_wait3A_142 = arith.constant 0 : i32
      %dma_wait3A_143 = tpu.memref_slice %arg17[%dma_wait3A_141, %dma_wait3A_142] : memref<10112x128xf32, #tpu.memory_space<vmem_shared>> -> memref<10112x128xf32, #tpu.memory_space<vmem_shared>>
      tpu.wait_indirect_dma semaphore(%arg24 : memref<!tpu.dma_semaphore, #tpu.memory_space<semaphore_mem>>) src(%arg15 : memref<128x128xf32, #tpu.memory_space<vmem>>) dst(%dma_wait3A_143 : memref<10112x128xf32, #tpu.memory_space<vmem_shared>>)
      %dma_start3A_144 = arith.constant 0 : i32
      %dma_start3A_145 = arith.constant 0 : i32
      %dma_start3A_146 = tpu.memref_slice %arg4[%dma_start3A_144, %dma_start3A_145] : memref<10000x128xf32, #tpu.memory_space<hbm>> -> memref<10000x128xf32, #tpu.memory_space<hbm>>
      tpu.enqueue_indirect_dma source(%dma_start3A_146 : memref<10000x128xf32, #tpu.memory_space<hbm>>) target(%arg15 : memref<128x128xf32, #tpu.memory_space<vmem>>) offsets(%arg9 : memref<128xi32, #tpu.memory_space<vmem>>) semaphore(%arg22 : memref<!tpu.dma_semaphore, #tpu.memory_space<semaphore_mem>>)
      %add3A_147 = arith.constant 2 : i32
      %add3A_148 = arith.addi %add3A_132, %add3A_147 : i32
      %lt3A_149 = arith.cmpi slt, %add3A_148, %min3A_5 : i32
      %convert_element_type3A_150 = arith.extui %lt3A_149 : i1 to i32
      %cond3A_151 = arith.constant 0 : i32
      %cond3A_152 = arith.cmpi ne, %convert_element_type3A_150, %cond3A_151 : i32
      scf.if %cond3A_152 {
        %add3A_189 = arith.constant 2 : i32
        %add3A_190 = arith.addi %add3A_132, %add3A_189 : i32
        %add3A_191 = arith.addi %mul3A_7, %add3A_190 : i32
        %mul3A_192 = arith.constant 128 : i32
        %mul3A_193 = arith.muli %add3A_191, %mul3A_192 : i32
        %dma_start3A_194 = tpu.memref_slice %arg2[%mul3A_193] : memref<320000xi32, #tpu.memory_space<hbm>> -> memref<128xi32, #tpu.memory_space<hbm>>
        %dma_start3A_195 = tpu.memref_slice %arg2[%mul3A_193] : memref<320000xi32, #tpu.memory_space<hbm>> -> memref<128xi32, #tpu.memory_space<hbm>>
        tpu.enqueue_dma source(%dma_start3A_195 : memref<128xi32, #tpu.memory_space<hbm>>) target(%arg7 : memref<128xi32, #tpu.memory_space<vmem>>) target_semaphore(%arg18 : memref<!tpu.dma_semaphore, #tpu.memory_space<semaphore_mem>>)
        %dma_start3A_196 = tpu.memref_slice %arg3[%mul3A_193] : memref<320000xi32, #tpu.memory_space<hbm>> -> memref<128xi32, #tpu.memory_space<hbm>>
        %dma_start3A_197 = tpu.memref_slice %arg3[%mul3A_193] : memref<320000xi32, #tpu.memory_space<hbm>> -> memref<128xi32, #tpu.memory_space<hbm>>
        tpu.enqueue_dma source(%dma_start3A_197 : memref<128xi32, #tpu.memory_space<hbm>>) target(%arg11 : memref<128xi32, #tpu.memory_space<vmem>>) target_semaphore(%arg18 : memref<!tpu.dma_semaphore, #tpu.memory_space<semaphore_mem>>)
      } else {
      }
      %dma_wait3A_153 = arith.constant 0 : i32
      %dma_wait3A_154 = arith.constant 0 : i32
      %dma_wait3A_155 = tpu.memref_slice %arg4[%dma_wait3A_153, %dma_wait3A_154] : memref<10000x128xf32, #tpu.memory_space<hbm>> -> memref<10000x128xf32, #tpu.memory_space<hbm>>
      tpu.wait_indirect_dma semaphore(%arg23 : memref<!tpu.dma_semaphore, #tpu.memory_space<semaphore_mem>>) src(%dma_wait3A_155 : memref<10000x128xf32, #tpu.memory_space<hbm>>) dst(%arg16 : memref<128x128xf32, #tpu.memory_space<vmem>>)
      %dma_start3A_156 = arith.constant 0 : i32
      %dma_start3A_157 = arith.constant 0 : i32
      %dma_start3A_158 = tpu.memref_slice %arg17[%dma_start3A_156, %dma_start3A_157] : memref<10112x128xf32, #tpu.memory_space<vmem_shared>> -> memref<10112x128xf32, #tpu.memory_space<vmem_shared>>
      tpu.enqueue_indirect_dma source(%arg16 : memref<128x128xf32, #tpu.memory_space<vmem>>) target(%dma_start3A_158 : memref<10112x128xf32, #tpu.memory_space<vmem_shared>>) offsets(%arg12 : memref<128xi32, #tpu.memory_space<vmem>>) semaphore(%arg25 : memref<!tpu.dma_semaphore, #tpu.memory_space<semaphore_mem>>) {add = true}
      %mul3A_159 = arith.constant 4 : i32
      %mul3A_160 = arith.muli %mul3A_159, %while3A_69 : i32
      %add3A_161 = arith.constant 3 : i32
      %add3A_162 = arith.addi %mul3A_160, %add3A_161 : i32
      %dma_wait3A_163 = arith.constant 0 : i32
      %dma_wait3A_164 = tpu.memref_slice %arg2[%dma_wait3A_163] : memref<320000xi32, #tpu.memory_space<hbm>> -> memref<128xi32, #tpu.memory_space<hbm>>
      %dma_wait3A_165 = arith.constant 0 : i32
      %dma_wait3A_166 = tpu.memref_slice %arg2[%dma_wait3A_165] : memref<320000xi32, #tpu.memory_space<hbm>> -> memref<128xi32, #tpu.memory_space<hbm>>
      tpu.wait_dma2 semaphore(%arg21 : memref<!tpu.dma_semaphore, #tpu.memory_space<semaphore_mem>>) src(%dma_wait3A_166 : memref<128xi32, #tpu.memory_space<hbm>>) dst(%arg10 : memref<128xi32, #tpu.memory_space<vmem>>)
      %dma_wait3A_167 = arith.constant 0 : i32
      %dma_wait3A_168 = tpu.memref_slice %arg3[%dma_wait3A_167] : memref<320000xi32, #tpu.memory_space<hbm>> -> memref<128xi32, #tpu.memory_space<hbm>>
      %dma_wait3A_169 = arith.constant 0 : i32
      %dma_wait3A_170 = tpu.memref_slice %arg3[%dma_wait3A_169] : memref<320000xi32, #tpu.memory_space<hbm>> -> memref<128xi32, #tpu.memory_space<hbm>>
      tpu.wait_dma2 semaphore(%arg21 : memref<!tpu.dma_semaphore, #tpu.memory_space<semaphore_mem>>) src(%dma_wait3A_170 : memref<128xi32, #tpu.memory_space<hbm>>) dst(%arg14 : memref<128xi32, #tpu.memory_space<vmem>>)
      %dma_wait3A_171 = arith.constant 0 : i32
      %dma_wait3A_172 = arith.constant 0 : i32
      %dma_wait3A_173 = tpu.memref_slice %arg17[%dma_wait3A_171, %dma_wait3A_172] : memref<10112x128xf32, #tpu.memory_space<vmem_shared>> -> memref<10112x128xf32, #tpu.memory_space<vmem_shared>>
      tpu.wait_indirect_dma semaphore(%arg25 : memref<!tpu.dma_semaphore, #tpu.memory_space<semaphore_mem>>) src(%arg16 : memref<128x128xf32, #tpu.memory_space<vmem>>) dst(%dma_wait3A_173 : memref<10112x128xf32, #tpu.memory_space<vmem_shared>>)
      %dma_start3A_174 = arith.constant 0 : i32
      %dma_start3A_175 = arith.constant 0 : i32
      %dma_start3A_176 = tpu.memref_slice %arg4[%dma_start3A_174, %dma_start3A_175] : memref<10000x128xf32, #tpu.memory_space<hbm>> -> memref<10000x128xf32, #tpu.memory_space<hbm>>
      tpu.enqueue_indirect_dma source(%dma_start3A_176 : memref<10000x128xf32, #tpu.memory_space<hbm>>) target(%arg16 : memref<128x128xf32, #tpu.memory_space<vmem>>) offsets(%arg10 : memref<128xi32, #tpu.memory_space<vmem>>) semaphore(%arg23 : memref<!tpu.dma_semaphore, #tpu.memory_space<semaphore_mem>>)
      %add3A_177 = arith.constant 2 : i32
      %add3A_178 = arith.addi %add3A_162, %add3A_177 : i32
      %lt3A_179 = arith.cmpi slt, %add3A_178, %min3A_5 : i32
      %convert_element_type3A_180 = arith.extui %lt3A_179 : i1 to i32
      %cond3A_181 = arith.constant 0 : i32
      %cond3A_182 = arith.cmpi ne, %convert_element_type3A_180, %cond3A_181 : i32
      scf.if %cond3A_182 {
        %add3A_189 = arith.constant 2 : i32
        %add3A_190 = arith.addi %add3A_162, %add3A_189 : i32
        %add3A_191 = arith.addi %mul3A_7, %add3A_190 : i32
        %mul3A_192 = arith.constant 128 : i32
        %mul3A_193 = arith.muli %add3A_191, %mul3A_192 : i32
        %dma_start3A_194 = tpu.memref_slice %arg2[%mul3A_193] : memref<320000xi32, #tpu.memory_space<hbm>> -> memref<128xi32, #tpu.memory_space<hbm>>
        %dma_start3A_195 = tpu.memref_slice %arg2[%mul3A_193] : memref<320000xi32, #tpu.memory_space<hbm>> -> memref<128xi32, #tpu.memory_space<hbm>>
        tpu.enqueue_dma source(%dma_start3A_195 : memref<128xi32, #tpu.memory_space<hbm>>) target(%arg8 : memref<128xi32, #tpu.memory_space<vmem>>) target_semaphore(%arg19 : memref<!tpu.dma_semaphore, #tpu.memory_space<semaphore_mem>>)
        %dma_start3A_196 = tpu.memref_slice %arg3[%mul3A_193] : memref<320000xi32, #tpu.memory_space<hbm>> -> memref<128xi32, #tpu.memory_space<hbm>>
        %dma_start3A_197 = tpu.memref_slice %arg3[%mul3A_193] : memref<320000xi32, #tpu.memory_space<hbm>> -> memref<128xi32, #tpu.memory_space<hbm>>
        tpu.enqueue_dma source(%dma_start3A_197 : memref<128xi32, #tpu.memory_space<hbm>>) target(%arg12 : memref<128xi32, #tpu.memory_space<vmem>>) target_semaphore(%arg19 : memref<!tpu.dma_semaphore, #tpu.memory_space<semaphore_mem>>)
      } else {
      }
      %dma_wait3A_183 = arith.constant 0 : i32
      %dma_wait3A_184 = arith.constant 0 : i32
      %dma_wait3A_185 = tpu.memref_slice %arg4[%dma_wait3A_183, %dma_wait3A_184] : memref<10000x128xf32, #tpu.memory_space<hbm>> -> memref<10000x128xf32, #tpu.memory_space<hbm>>
      tpu.wait_indirect_dma semaphore(%arg22 : memref<!tpu.dma_semaphore, #tpu.memory_space<semaphore_mem>>) src(%dma_wait3A_185 : memref<10000x128xf32, #tpu.memory_space<hbm>>) dst(%arg15 : memref<128x128xf32, #tpu.memory_space<vmem>>)
      %dma_start3A_186 = arith.constant 0 : i32
      %dma_start3A_187 = arith.constant 0 : i32
      %dma_start3A_188 = tpu.memref_slice %arg17[%dma_start3A_186, %dma_start3A_187] : memref<10112x128xf32, #tpu.memory_space<vmem_shared>> -> memref<10112x128xf32, #tpu.memory_space<vmem_shared>>
      tpu.enqueue_indirect_dma source(%arg15 : memref<128x128xf32, #tpu.memory_space<vmem>>) target(%dma_start3A_188 : memref<10112x128xf32, #tpu.memory_space<vmem_shared>>) offsets(%arg13 : memref<128xi32, #tpu.memory_space<vmem>>) semaphore(%arg24 : memref<!tpu.dma_semaphore, #tpu.memory_space<semaphore_mem>>) {add = true}
    }
    %while3A_52 = arith.constant 1 : i32
    scf.for %while3A_69 = %while3A_50 to %while3A_46 step %while3A_52  : i32 {
      %mul3A_70 = arith.constant 4 : i32
      %mul3A_71 = arith.muli %mul3A_70, %while3A_69 : i32
      %add3A_72 = arith.constant 0 : i32
      %add3A_73 = arith.addi %mul3A_71, %add3A_72 : i32
      %dma_wait3A_74 = arith.constant 0 : i32
      %dma_wait3A_75 = tpu.memref_slice %arg2[%dma_wait3A_74] : memref<320000xi32, #tpu.memory_space<hbm>> -> memref<128xi32, #tpu.memory_space<hbm>>
      %dma_wait3A_76 = arith.constant 0 : i32
      %dma_wait3A_77 = tpu.memref_slice %arg2[%dma_wait3A_76] : memref<320000xi32, #tpu.memory_space<hbm>> -> memref<128xi32, #tpu.memory_space<hbm>>
      tpu.wait_dma2 semaphore(%arg18 : memref<!tpu.dma_semaphore, #tpu.memory_space<semaphore_mem>>) src(%dma_wait3A_77 : memref<128xi32, #tpu.memory_space<hbm>>) dst(%arg7 : memref<128xi32, #tpu.memory_space<vmem>>)
      %dma_wait3A_78 = arith.constant 0 : i32
      %dma_wait3A_79 = tpu.memref_slice %arg3[%dma_wait3A_78] : memref<320000xi32, #tpu.memory_space<hbm>> -> memref<128xi32, #tpu.memory_space<hbm>>
      %dma_wait3A_80 = arith.constant 0 : i32
      %dma_wait3A_81 = tpu.memref_slice %arg3[%dma_wait3A_80] : memref<320000xi32, #tpu.memory_space<hbm>> -> memref<128xi32, #tpu.memory_space<hbm>>
      tpu.wait_dma2 semaphore(%arg18 : memref<!tpu.dma_semaphore, #tpu.memory_space<semaphore_mem>>) src(%dma_wait3A_81 : memref<128xi32, #tpu.memory_space<hbm>>) dst(%arg11 : memref<128xi32, #tpu.memory_space<vmem>>)
      %gt3A = arith.constant 0 : i32
      %gt3A_82 = arith.cmpi sgt, %while3A_69, %gt3A : i32
      %convert_element_type3A = arith.extui %gt3A_82 : i1 to i32
      %cond3A = arith.constant 0 : i32
      %cond3A_83 = arith.cmpi ne, %convert_element_type3A, %cond3A : i32
      scf.if %cond3A_83 {
        %dma_wait3A_189 = arith.constant 0 : i32
        %dma_wait3A_190 = arith.constant 0 : i32
        %dma_wait3A_191 = tpu.memref_slice %arg17[%dma_wait3A_189, %dma_wait3A_190] : memref<10112x128xf32, #tpu.memory_space<vmem_shared>> -> memref<10112x128xf32, #tpu.memory_space<vmem_shared>>
        tpu.wait_indirect_dma semaphore(%arg24 : memref<!tpu.dma_semaphore, #tpu.memory_space<semaphore_mem>>) src(%arg15 : memref<128x128xf32, #tpu.memory_space<vmem>>) dst(%dma_wait3A_191 : memref<10112x128xf32, #tpu.memory_space<vmem_shared>>)
      } else {
      }
      %dma_start3A_84 = arith.constant 0 : i32
      %dma_start3A_85 = arith.constant 0 : i32
      %dma_start3A_86 = tpu.memref_slice %arg4[%dma_start3A_84, %dma_start3A_85] : memref<10000x128xf32, #tpu.memory_space<hbm>> -> memref<10000x128xf32, #tpu.memory_space<hbm>>
      tpu.enqueue_indirect_dma source(%dma_start3A_86 : memref<10000x128xf32, #tpu.memory_space<hbm>>) target(%arg15 : memref<128x128xf32, #tpu.memory_space<vmem>>) offsets(%arg7 : memref<128xi32, #tpu.memory_space<vmem>>) semaphore(%arg22 : memref<!tpu.dma_semaphore, #tpu.memory_space<semaphore_mem>>)
      %add3A_87 = arith.constant 2 : i32
      %add3A_88 = arith.addi %add3A_73, %add3A_87 : i32
      %lt3A = arith.cmpi slt, %add3A_88, %min3A_5 : i32
      %convert_element_type3A_89 = arith.extui %lt3A : i1 to i32
      %cond3A_90 = arith.constant 0 : i32
      %cond3A_91 = arith.cmpi ne, %convert_element_type3A_89, %cond3A_90 : i32
      scf.if %cond3A_91 {
        %add3A_189 = arith.constant 2 : i32
        %add3A_190 = arith.addi %add3A_73, %add3A_189 : i32
        %add3A_191 = arith.addi %mul3A_7, %add3A_190 : i32
        %mul3A_192 = arith.constant 128 : i32
        %mul3A_193 = arith.muli %add3A_191, %mul3A_192 : i32
        %dma_start3A_194 = tpu.memref_slice %arg2[%mul3A_193] : memref<320000xi32, #tpu.memory_space<hbm>> -> memref<128xi32, #tpu.memory_space<hbm>>
        %dma_start3A_195 = tpu.memref_slice %arg2[%mul3A_193] : memref<320000xi32, #tpu.memory_space<hbm>> -> memref<128xi32, #tpu.memory_space<hbm>>
        tpu.enqueue_dma source(%dma_start3A_195 : memref<128xi32, #tpu.memory_space<hbm>>) target(%arg9 : memref<128xi32, #tpu.memory_space<vmem>>) target_semaphore(%arg20 : memref<!tpu.dma_semaphore, #tpu.memory_space<semaphore_mem>>)
        %dma_start3A_196 = tpu.memref_slice %arg3[%mul3A_193] : memref<320000xi32, #tpu.memory_space<hbm>> -> memref<128xi32, #tpu.memory_space<hbm>>
        %dma_start3A_197 = tpu.memref_slice %arg3[%mul3A_193] : memref<320000xi32, #tpu.memory_space<hbm>> -> memref<128xi32, #tpu.memory_space<hbm>>
        tpu.enqueue_dma source(%dma_start3A_197 : memref<128xi32, #tpu.memory_space<hbm>>) target(%arg13 : memref<128xi32, #tpu.memory_space<vmem>>) target_semaphore(%arg20 : memref<!tpu.dma_semaphore, #tpu.memory_space<semaphore_mem>>)
      } else {
      }
      %gt3A_92 = arith.constant 0 : i32
      %gt3A_93 = arith.cmpi sgt, %while3A_69, %gt3A_92 : i32
      %convert_element_type3A_94 = arith.extui %gt3A_93 : i1 to i32
      %cond3A_95 = arith.constant 0 : i32
      %cond3A_96 = arith.cmpi ne, %convert_element_type3A_94, %cond3A_95 : i32
      scf.if %cond3A_96 {
        %dma_wait3A_189 = arith.constant 0 : i32
        %dma_wait3A_190 = arith.constant 0 : i32
        %dma_wait3A_191 = tpu.memref_slice %arg4[%dma_wait3A_189, %dma_wait3A_190] : memref<10000x128xf32, #tpu.memory_space<hbm>> -> memref<10000x128xf32, #tpu.memory_space<hbm>>
        tpu.wait_indirect_dma semaphore(%arg23 : memref<!tpu.dma_semaphore, #tpu.memory_space<semaphore_mem>>) src(%dma_wait3A_191 : memref<10000x128xf32, #tpu.memory_space<hbm>>) dst(%arg16 : memref<128x128xf32, #tpu.memory_space<vmem>>)
        %dma_start3A_192 = arith.constant 0 : i32
        %dma_start3A_193 = arith.constant 0 : i32
        %dma_start3A_194 = tpu.memref_slice %arg17[%dma_start3A_192, %dma_start3A_193] : memref<10112x128xf32, #tpu.memory_space<vmem_shared>> -> memref<10112x128xf32, #tpu.memory_space<vmem_shared>>
        tpu.enqueue_indirect_dma source(%arg16 : memref<128x128xf32, #tpu.memory_space<vmem>>) target(%dma_start3A_194 : memref<10112x128xf32, #tpu.memory_space<vmem_shared>>) offsets(%arg14 : memref<128xi32, #tpu.memory_space<vmem>>) semaphore(%arg25 : memref<!tpu.dma_semaphore, #tpu.memory_space<semaphore_mem>>) {add = true}
      } else {
      }
      %mul3A_97 = arith.constant 4 : i32
      %mul3A_98 = arith.muli %mul3A_97, %while3A_69 : i32
      %add3A_99 = arith.constant 1 : i32
      %add3A_100 = arith.addi %mul3A_98, %add3A_99 : i32
      %dma_wait3A_101 = arith.constant 0 : i32
      %dma_wait3A_102 = tpu.memref_slice %arg2[%dma_wait3A_101] : memref<320000xi32, #tpu.memory_space<hbm>> -> memref<128xi32, #tpu.memory_space<hbm>>
      %dma_wait3A_103 = arith.constant 0 : i32
      %dma_wait3A_104 = tpu.memref_slice %arg2[%dma_wait3A_103] : memref<320000xi32, #tpu.memory_space<hbm>> -> memref<128xi32, #tpu.memory_space<hbm>>
      tpu.wait_dma2 semaphore(%arg19 : memref<!tpu.dma_semaphore, #tpu.memory_space<semaphore_mem>>) src(%dma_wait3A_104 : memref<128xi32, #tpu.memory_space<hbm>>) dst(%arg8 : memref<128xi32, #tpu.memory_space<vmem>>)
      %dma_wait3A_105 = arith.constant 0 : i32
      %dma_wait3A_106 = tpu.memref_slice %arg3[%dma_wait3A_105] : memref<320000xi32, #tpu.memory_space<hbm>> -> memref<128xi32, #tpu.memory_space<hbm>>
      %dma_wait3A_107 = arith.constant 0 : i32
      %dma_wait3A_108 = tpu.memref_slice %arg3[%dma_wait3A_107] : memref<320000xi32, #tpu.memory_space<hbm>> -> memref<128xi32, #tpu.memory_space<hbm>>
      tpu.wait_dma2 semaphore(%arg19 : memref<!tpu.dma_semaphore, #tpu.memory_space<semaphore_mem>>) src(%dma_wait3A_108 : memref<128xi32, #tpu.memory_space<hbm>>) dst(%arg12 : memref<128xi32, #tpu.memory_space<vmem>>)
      %gt3A_109 = arith.constant 0 : i32
      %gt3A_110 = arith.cmpi sgt, %while3A_69, %gt3A_109 : i32
      %convert_element_type3A_111 = arith.extui %gt3A_110 : i1 to i32
      %cond3A_112 = arith.constant 0 : i32
      %cond3A_113 = arith.cmpi ne, %convert_element_type3A_111, %cond3A_112 : i32
      scf.if %cond3A_113 {
        %dma_wait3A_189 = arith.constant 0 : i32
        %dma_wait3A_190 = arith.constant 0 : i32
        %dma_wait3A_191 = tpu.memref_slice %arg17[%dma_wait3A_189, %dma_wait3A_190] : memref<10112x128xf32, #tpu.memory_space<vmem_shared>> -> memref<10112x128xf32, #tpu.memory_space<vmem_shared>>
        tpu.wait_indirect_dma semaphore(%arg25 : memref<!tpu.dma_semaphore, #tpu.memory_space<semaphore_mem>>) src(%arg16 : memref<128x128xf32, #tpu.memory_space<vmem>>) dst(%dma_wait3A_191 : memref<10112x128xf32, #tpu.memory_space<vmem_shared>>)
      } else {
      }
      %dma_start3A_114 = arith.constant 0 : i32
      %dma_start3A_115 = arith.constant 0 : i32
      %dma_start3A_116 = tpu.memref_slice %arg4[%dma_start3A_114, %dma_start3A_115] : memref<10000x128xf32, #tpu.memory_space<hbm>> -> memref<10000x128xf32, #tpu.memory_space<hbm>>
      tpu.enqueue_indirect_dma source(%dma_start3A_116 : memref<10000x128xf32, #tpu.memory_space<hbm>>) target(%arg16 : memref<128x128xf32, #tpu.memory_space<vmem>>) offsets(%arg8 : memref<128xi32, #tpu.memory_space<vmem>>) semaphore(%arg23 : memref<!tpu.dma_semaphore, #tpu.memory_space<semaphore_mem>>)
      %add3A_117 = arith.constant 2 : i32
      %add3A_118 = arith.addi %add3A_100, %add3A_117 : i32
      %lt3A_119 = arith.cmpi slt, %add3A_118, %min3A_5 : i32
      %convert_element_type3A_120 = arith.extui %lt3A_119 : i1 to i32
      %cond3A_121 = arith.constant 0 : i32
      %cond3A_122 = arith.cmpi ne, %convert_element_type3A_120, %cond3A_121 : i32
      scf.if %cond3A_122 {
        %add3A_189 = arith.constant 2 : i32
        %add3A_190 = arith.addi %add3A_100, %add3A_189 : i32
        %add3A_191 = arith.addi %mul3A_7, %add3A_190 : i32
        %mul3A_192 = arith.constant 128 : i32
        %mul3A_193 = arith.muli %add3A_191, %mul3A_192 : i32
        %dma_start3A_194 = tpu.memref_slice %arg2[%mul3A_193] : memref<320000xi32, #tpu.memory_space<hbm>> -> memref<128xi32, #tpu.memory_space<hbm>>
        %dma_start3A_195 = tpu.memref_slice %arg2[%mul3A_193] : memref<320000xi32, #tpu.memory_space<hbm>> -> memref<128xi32, #tpu.memory_space<hbm>>
        tpu.enqueue_dma source(%dma_start3A_195 : memref<128xi32, #tpu.memory_space<hbm>>) target(%arg10 : memref<128xi32, #tpu.memory_space<vmem>>) target_semaphore(%arg21 : memref<!tpu.dma_semaphore, #tpu.memory_space<semaphore_mem>>)
        %dma_start3A_196 = tpu.memref_slice %arg3[%mul3A_193] : memref<320000xi32, #tpu.memory_space<hbm>> -> memref<128xi32, #tpu.memory_space<hbm>>
        %dma_start3A_197 = tpu.memref_slice %arg3[%mul3A_193] : memref<320000xi32, #tpu.memory_space<hbm>> -> memref<128xi32, #tpu.memory_space<hbm>>
        tpu.enqueue_dma source(%dma_start3A_197 : memref<128xi32, #tpu.memory_space<hbm>>) target(%arg14 : memref<128xi32, #tpu.memory_space<vmem>>) target_semaphore(%arg21 : memref<!tpu.dma_semaphore, #tpu.memory_space<semaphore_mem>>)
      } else {
      }
      %dma_wait3A_123 = arith.constant 0 : i32
      %dma_wait3A_124 = arith.constant 0 : i32
      %dma_wait3A_125 = tpu.memref_slice %arg4[%dma_wait3A_123, %dma_wait3A_124] : memref<10000x128xf32, #tpu.memory_space<hbm>> -> memref<10000x128xf32, #tpu.memory_space<hbm>>
      tpu.wait_indirect_dma semaphore(%arg22 : memref<!tpu.dma_semaphore, #tpu.memory_space<semaphore_mem>>) src(%dma_wait3A_125 : memref<10000x128xf32, #tpu.memory_space<hbm>>) dst(%arg15 : memref<128x128xf32, #tpu.memory_space<vmem>>)
      %dma_start3A_126 = arith.constant 0 : i32
      %dma_start3A_127 = arith.constant 0 : i32
      %dma_start3A_128 = tpu.memref_slice %arg17[%dma_start3A_126, %dma_start3A_127] : memref<10112x128xf32, #tpu.memory_space<vmem_shared>> -> memref<10112x128xf32, #tpu.memory_space<vmem_shared>>
      tpu.enqueue_indirect_dma source(%arg15 : memref<128x128xf32, #tpu.memory_space<vmem>>) target(%dma_start3A_128 : memref<10112x128xf32, #tpu.memory_space<vmem_shared>>) offsets(%arg11 : memref<128xi32, #tpu.memory_space<vmem>>) semaphore(%arg24 : memref<!tpu.dma_semaphore, #tpu.memory_space<semaphore_mem>>) {add = true}
      %mul3A_129 = arith.constant 4 : i32
      %mul3A_130 = arith.muli %mul3A_129, %while3A_69 : i32
      %add3A_131 = arith.constant 2 : i32
      %add3A_132 = arith.addi %mul3A_130, %add3A_131 : i32
      %dma_wait3A_133 = arith.constant 0 : i32
      %dma_wait3A_134 = tpu.memref_slice %arg2[%dma_wait3A_133] : memref<320000xi32, #tpu.memory_space<hbm>> -> memref<128xi32, #tpu.memory_space<hbm>>
      %dma_wait3A_135 = arith.constant 0 : i32
      %dma_wait3A_136 = tpu.memref_slice %arg2[%dma_wait3A_135] : memref<320000xi32, #tpu.memory_space<hbm>> -> memref<128xi32, #tpu.memory_space<hbm>>
      tpu.wait_dma2 semaphore(%arg20 : memref<!tpu.dma_semaphore, #tpu.memory_space<semaphore_mem>>) src(%dma_wait3A_136 : memref<128xi32, #tpu.memory_space<hbm>>) dst(%arg9 : memref<128xi32, #tpu.memory_space<vmem>>)
      %dma_wait3A_137 = arith.constant 0 : i32
      %dma_wait3A_138 = tpu.memref_slice %arg3[%dma_wait3A_137] : memref<320000xi32, #tpu.memory_space<hbm>> -> memref<128xi32, #tpu.memory_space<hbm>>
      %dma_wait3A_139 = arith.constant 0 : i32
      %dma_wait3A_140 = tpu.memref_slice %arg3[%dma_wait3A_139] : memref<320000xi32, #tpu.memory_space<hbm>> -> memref<128xi32, #tpu.memory_space<hbm>>
      tpu.wait_dma2 semaphore(%arg20 : memref<!tpu.dma_semaphore, #tpu.memory_space<semaphore_mem>>) src(%dma_wait3A_140 : memref<128xi32, #tpu.memory_space<hbm>>) dst(%arg13 : memref<128xi32, #tpu.memory_space<vmem>>)
      %dma_wait3A_141 = arith.constant 0 : i32
      %dma_wait3A_142 = arith.constant 0 : i32
      %dma_wait3A_143 = tpu.memref_slice %arg17[%dma_wait3A_141, %dma_wait3A_142] : memref<10112x128xf32, #tpu.memory_space<vmem_shared>> -> memref<10112x128xf32, #tpu.memory_space<vmem_shared>>
      tpu.wait_indirect_dma semaphore(%arg24 : memref<!tpu.dma_semaphore, #tpu.memory_space<semaphore_mem>>) src(%arg15 : memref<128x128xf32, #tpu.memory_space<vmem>>) dst(%dma_wait3A_143 : memref<10112x128xf32, #tpu.memory_space<vmem_shared>>)
      %dma_start3A_144 = arith.constant 0 : i32
      %dma_start3A_145 = arith.constant 0 : i32
      %dma_start3A_146 = tpu.memref_slice %arg4[%dma_start3A_144, %dma_start3A_145] : memref<10000x128xf32, #tpu.memory_space<hbm>> -> memref<10000x128xf32, #tpu.memory_space<hbm>>
      tpu.enqueue_indirect_dma source(%dma_start3A_146 : memref<10000x128xf32, #tpu.memory_space<hbm>>) target(%arg15 : memref<128x128xf32, #tpu.memory_space<vmem>>) offsets(%arg9 : memref<128xi32, #tpu.memory_space<vmem>>) semaphore(%arg22 : memref<!tpu.dma_semaphore, #tpu.memory_space<semaphore_mem>>)
      %add3A_147 = arith.constant 2 : i32
      %add3A_148 = arith.addi %add3A_132, %add3A_147 : i32
      %lt3A_149 = arith.cmpi slt, %add3A_148, %min3A_5 : i32
      %convert_element_type3A_150 = arith.extui %lt3A_149 : i1 to i32
      %cond3A_151 = arith.constant 0 : i32
      %cond3A_152 = arith.cmpi ne, %convert_element_type3A_150, %cond3A_151 : i32
      scf.if %cond3A_152 {
        %add3A_189 = arith.constant 2 : i32
        %add3A_190 = arith.addi %add3A_132, %add3A_189 : i32
        %add3A_191 = arith.addi %mul3A_7, %add3A_190 : i32
        %mul3A_192 = arith.constant 128 : i32
        %mul3A_193 = arith.muli %add3A_191, %mul3A_192 : i32
        %dma_start3A_194 = tpu.memref_slice %arg2[%mul3A_193] : memref<320000xi32, #tpu.memory_space<hbm>> -> memref<128xi32, #tpu.memory_space<hbm>>
        %dma_start3A_195 = tpu.memref_slice %arg2[%mul3A_193] : memref<320000xi32, #tpu.memory_space<hbm>> -> memref<128xi32, #tpu.memory_space<hbm>>
        tpu.enqueue_dma source(%dma_start3A_195 : memref<128xi32, #tpu.memory_space<hbm>>) target(%arg7 : memref<128xi32, #tpu.memory_space<vmem>>) target_semaphore(%arg18 : memref<!tpu.dma_semaphore, #tpu.memory_space<semaphore_mem>>)
        %dma_start3A_196 = tpu.memref_slice %arg3[%mul3A_193] : memref<320000xi32, #tpu.memory_space<hbm>> -> memref<128xi32, #tpu.memory_space<hbm>>
        %dma_start3A_197 = tpu.memref_slice %arg3[%mul3A_193] : memref<320000xi32, #tpu.memory_space<hbm>> -> memref<128xi32, #tpu.memory_space<hbm>>
        tpu.enqueue_dma source(%dma_start3A_197 : memref<128xi32, #tpu.memory_space<hbm>>) target(%arg11 : memref<128xi32, #tpu.memory_space<vmem>>) target_semaphore(%arg18 : memref<!tpu.dma_semaphore, #tpu.memory_space<semaphore_mem>>)
      } else {
      }
      %dma_wait3A_153 = arith.constant 0 : i32
      %dma_wait3A_154 = arith.constant 0 : i32
      %dma_wait3A_155 = tpu.memref_slice %arg4[%dma_wait3A_153, %dma_wait3A_154] : memref<10000x128xf32, #tpu.memory_space<hbm>> -> memref<10000x128xf32, #tpu.memory_space<hbm>>
      tpu.wait_indirect_dma semaphore(%arg23 : memref<!tpu.dma_semaphore, #tpu.memory_space<semaphore_mem>>) src(%dma_wait3A_155 : memref<10000x128xf32, #tpu.memory_space<hbm>>) dst(%arg16 : memref<128x128xf32, #tpu.memory_space<vmem>>)
      %dma_start3A_156 = arith.constant 0 : i32
      %dma_start3A_157 = arith.constant 0 : i32
      %dma_start3A_158 = tpu.memref_slice %arg17[%dma_start3A_156, %dma_start3A_157] : memref<10112x128xf32, #tpu.memory_space<vmem_shared>> -> memref<10112x128xf32, #tpu.memory_space<vmem_shared>>
      tpu.enqueue_indirect_dma source(%arg16 : memref<128x128xf32, #tpu.memory_space<vmem>>) target(%dma_start3A_158 : memref<10112x128xf32, #tpu.memory_space<vmem_shared>>) offsets(%arg12 : memref<128xi32, #tpu.memory_space<vmem>>) semaphore(%arg25 : memref<!tpu.dma_semaphore, #tpu.memory_space<semaphore_mem>>) {add = true}
      %mul3A_159 = arith.constant 4 : i32
      %mul3A_160 = arith.muli %mul3A_159, %while3A_69 : i32
      %add3A_161 = arith.constant 3 : i32
      %add3A_162 = arith.addi %mul3A_160, %add3A_161 : i32
      %dma_wait3A_163 = arith.constant 0 : i32
      %dma_wait3A_164 = tpu.memref_slice %arg2[%dma_wait3A_163] : memref<320000xi32, #tpu.memory_space<hbm>> -> memref<128xi32, #tpu.memory_space<hbm>>
      %dma_wait3A_165 = arith.constant 0 : i32
      %dma_wait3A_166 = tpu.memref_slice %arg2[%dma_wait3A_165] : memref<320000xi32, #tpu.memory_space<hbm>> -> memref<128xi32, #tpu.memory_space<hbm>>
      tpu.wait_dma2 semaphore(%arg21 : memref<!tpu.dma_semaphore, #tpu.memory_space<semaphore_mem>>) src(%dma_wait3A_166 : memref<128xi32, #tpu.memory_space<hbm>>) dst(%arg10 : memref<128xi32, #tpu.memory_space<vmem>>)
      %dma_wait3A_167 = arith.constant 0 : i32
      %dma_wait3A_168 = tpu.memref_slice %arg3[%dma_wait3A_167] : memref<320000xi32, #tpu.memory_space<hbm>> -> memref<128xi32, #tpu.memory_space<hbm>>
      %dma_wait3A_169 = arith.constant 0 : i32
      %dma_wait3A_170 = tpu.memref_slice %arg3[%dma_wait3A_169] : memref<320000xi32, #tpu.memory_space<hbm>> -> memref<128xi32, #tpu.memory_space<hbm>>
      tpu.wait_dma2 semaphore(%arg21 : memref<!tpu.dma_semaphore, #tpu.memory_space<semaphore_mem>>) src(%dma_wait3A_170 : memref<128xi32, #tpu.memory_space<hbm>>) dst(%arg14 : memref<128xi32, #tpu.memory_space<vmem>>)
      %dma_wait3A_171 = arith.constant 0 : i32
      %dma_wait3A_172 = arith.constant 0 : i32
      %dma_wait3A_173 = tpu.memref_slice %arg17[%dma_wait3A_171, %dma_wait3A_172] : memref<10112x128xf32, #tpu.memory_space<vmem_shared>> -> memref<10112x128xf32, #tpu.memory_space<vmem_shared>>
      tpu.wait_indirect_dma semaphore(%arg25 : memref<!tpu.dma_semaphore, #tpu.memory_space<semaphore_mem>>) src(%arg16 : memref<128x128xf32, #tpu.memory_space<vmem>>) dst(%dma_wait3A_173 : memref<10112x128xf32, #tpu.memory_space<vmem_shared>>)
      %dma_start3A_174 = arith.constant 0 : i32
      %dma_start3A_175 = arith.constant 0 : i32
      %dma_start3A_176 = tpu.memref_slice %arg4[%dma_start3A_174, %dma_start3A_175] : memref<10000x128xf32, #tpu.memory_space<hbm>> -> memref<10000x128xf32, #tpu.memory_space<hbm>>
      tpu.enqueue_indirect_dma source(%dma_start3A_176 : memref<10000x128xf32, #tpu.memory_space<hbm>>) target(%arg16 : memref<128x128xf32, #tpu.memory_space<vmem>>) offsets(%arg10 : memref<128xi32, #tpu.memory_space<vmem>>) semaphore(%arg23 : memref<!tpu.dma_semaphore, #tpu.memory_space<semaphore_mem>>)
      %add3A_177 = arith.constant 2 : i32
      %add3A_178 = arith.addi %add3A_162, %add3A_177 : i32
      %lt3A_179 = arith.cmpi slt, %add3A_178, %min3A_5 : i32
      %convert_element_type3A_180 = arith.extui %lt3A_179 : i1 to i32
      %cond3A_181 = arith.constant 0 : i32
      %cond3A_182 = arith.cmpi ne, %convert_element_type3A_180, %cond3A_181 : i32
      scf.if %cond3A_182 {
        %add3A_189 = arith.constant 2 : i32
        %add3A_190 = arith.addi %add3A_162, %add3A_189 : i32
        %add3A_191 = arith.addi %mul3A_7, %add3A_190 : i32
        %mul3A_192 = arith.constant 128 : i32
        %mul3A_193 = arith.muli %add3A_191, %mul3A_192 : i32
        %dma_start3A_194 = tpu.memref_slice %arg2[%mul3A_193] : memref<320000xi32, #tpu.memory_space<hbm>> -> memref<128xi32, #tpu.memory_space<hbm>>
        %dma_start3A_195 = tpu.memref_slice %arg2[%mul3A_193] : memref<320000xi32, #tpu.memory_space<hbm>> -> memref<128xi32, #tpu.memory_space<hbm>>
        tpu.enqueue_dma source(%dma_start3A_195 : memref<128xi32, #tpu.memory_space<hbm>>) target(%arg8 : memref<128xi32, #tpu.memory_space<vmem>>) target_semaphore(%arg19 : memref<!tpu.dma_semaphore, #tpu.memory_space<semaphore_mem>>)
        %dma_start3A_196 = tpu.memref_slice %arg3[%mul3A_193] : memref<320000xi32, #tpu.memory_space<hbm>> -> memref<128xi32, #tpu.memory_space<hbm>>
        %dma_start3A_197 = tpu.memref_slice %arg3[%mul3A_193] : memref<320000xi32, #tpu.memory_space<hbm>> -> memref<128xi32, #tpu.memory_space<hbm>>
        tpu.enqueue_dma source(%dma_start3A_197 : memref<128xi32, #tpu.memory_space<hbm>>) target(%arg12 : memref<128xi32, #tpu.memory_space<vmem>>) target_semaphore(%arg19 : memref<!tpu.dma_semaphore, #tpu.memory_space<semaphore_mem>>)
      } else {
      }
      %dma_wait3A_183 = arith.constant 0 : i32
      %dma_wait3A_184 = arith.constant 0 : i32
      %dma_wait3A_185 = tpu.memref_slice %arg4[%dma_wait3A_183, %dma_wait3A_184] : memref<10000x128xf32, #tpu.memory_space<hbm>> -> memref<10000x128xf32, #tpu.memory_space<hbm>>
      tpu.wait_indirect_dma semaphore(%arg22 : memref<!tpu.dma_semaphore, #tpu.memory_space<semaphore_mem>>) src(%dma_wait3A_185 : memref<10000x128xf32, #tpu.memory_space<hbm>>) dst(%arg15 : memref<128x128xf32, #tpu.memory_space<vmem>>)
      %dma_start3A_186 = arith.constant 0 : i32
      %dma_start3A_187 = arith.constant 0 : i32
      %dma_start3A_188 = tpu.memref_slice %arg17[%dma_start3A_186, %dma_start3A_187] : memref<10112x128xf32, #tpu.memory_space<vmem_shared>> -> memref<10112x128xf32, #tpu.memory_space<vmem_shared>>
      tpu.enqueue_indirect_dma source(%arg15 : memref<128x128xf32, #tpu.memory_space<vmem>>) target(%dma_start3A_188 : memref<10112x128xf32, #tpu.memory_space<vmem_shared>>) offsets(%arg13 : memref<128xi32, #tpu.memory_space<vmem>>) semaphore(%arg24 : memref<!tpu.dma_semaphore, #tpu.memory_space<semaphore_mem>>) {add = true}
    }
    %dma_wait3A = arith.constant 0 : i32
    %dma_wait3A_53 = arith.constant 0 : i32
    %dma_wait3A_54 = tpu.memref_slice %arg4[%dma_wait3A, %dma_wait3A_53] : memref<10000x128xf32, #tpu.memory_space<hbm>> -> memref<10000x128xf32, #tpu.memory_space<hbm>>
    tpu.wait_indirect_dma semaphore(%arg23 : memref<!tpu.dma_semaphore, #tpu.memory_space<semaphore_mem>>) src(%dma_wait3A_54 : memref<10000x128xf32, #tpu.memory_space<hbm>>) dst(%arg16 : memref<128x128xf32, #tpu.memory_space<vmem>>)
    %dma_start3A_55 = arith.constant 0 : i32
    %dma_start3A_56 = arith.constant 0 : i32
    %dma_start3A_57 = tpu.memref_slice %arg17[%dma_start3A_55, %dma_start3A_56] : memref<10112x128xf32, #tpu.memory_space<vmem_shared>> -> memref<10112x128xf32, #tpu.memory_space<vmem_shared>>
    tpu.enqueue_indirect_dma source(%arg16 : memref<128x128xf32, #tpu.memory_space<vmem>>) target(%dma_start3A_57 : memref<10112x128xf32, #tpu.memory_space<vmem_shared>>) offsets(%arg14 : memref<128xi32, #tpu.memory_space<vmem>>) semaphore(%arg25 : memref<!tpu.dma_semaphore, #tpu.memory_space<semaphore_mem>>) {add = true}
    %dma_wait3A_58 = arith.constant 0 : i32
    %dma_wait3A_59 = arith.constant 0 : i32
    %dma_wait3A_60 = tpu.memref_slice %arg17[%dma_wait3A_58, %dma_wait3A_59] : memref<10112x128xf32, #tpu.memory_space<vmem_shared>> -> memref<10112x128xf32, #tpu.memory_space<vmem_shared>>
    tpu.wait_indirect_dma semaphore(%arg24 : memref<!tpu.dma_semaphore, #tpu.memory_space<semaphore_mem>>) src(%arg15 : memref<128x128xf32, #tpu.memory_space<vmem>>) dst(%dma_wait3A_60 : memref<10112x128xf32, #tpu.memory_space<vmem_shared>>)
    %dma_wait3A_61 = arith.constant 0 : i32
    %dma_wait3A_62 = arith.constant 0 : i32
    %dma_wait3A_63 = tpu.memref_slice %arg17[%dma_wait3A_61, %dma_wait3A_62] : memref<10112x128xf32, #tpu.memory_space<vmem_shared>> -> memref<10112x128xf32, #tpu.memory_space<vmem_shared>>
    tpu.wait_indirect_dma semaphore(%arg25 : memref<!tpu.dma_semaphore, #tpu.memory_space<semaphore_mem>>) src(%arg16 : memref<128x128xf32, #tpu.memory_space<vmem>>) dst(%dma_wait3A_63 : memref<10112x128xf32, #tpu.memory_space<vmem_shared>>)
    %barrier3A_64 = arith.constant 0 : index
    tpu.barrier barrier_id(%barrier3A_64)
    %mul3A_65 = arith.constant 632 : i32
    %mul3A_66 = arith.muli %arg1, %mul3A_65 : i32
    %mul3A_67 = arith.constant 632 : i32
    %mul3A_68 = arith.muli %arg1, %mul3A_67 : i32
    "tpu.region"() ({
      %run_scoped3A = tpu.sem_alloc : memref<!tpu.dma_semaphore, #tpu.memory_space<semaphore_mem>>
      %dma_start3A_69 = arith.constant 0 : i32
      %dma_start3A_70 = arith.constant 0 : i32
      %dma_start3A_71 = tpu.memref_slice %arg6[%arg0, %dma_start3A_69, %dma_start3A_70] : memref<2x10112x128xf32, #tpu.memory_space<hbm>> -> memref<1x10112x128xf32, #tpu.memory_space<hbm>>
      %dma_start3A_72 = tpu.memref_squeeze %dma_start3A_71 : memref<1x10112x128xf32, #tpu.memory_space<hbm>> -> memref<10112x128xf32, #tpu.memory_space<hbm>>
      %dma_start3A_73 = arith.constant 0 : i32
      %dma_start3A_74 = tpu.memref_slice %dma_start3A_72[%mul3A_68, %dma_start3A_73] : memref<10112x128xf32, #tpu.memory_space<hbm>> -> memref<632x128xf32, #tpu.memory_space<hbm>>
      %dma_start3A_75 = arith.constant 0 : i32
      %dma_start3A_76 = tpu.memref_slice %arg17[%mul3A_66, %dma_start3A_75] : memref<10112x128xf32, #tpu.memory_space<vmem_shared>> -> memref<632x128xf32, #tpu.memory_space<vmem_shared>>
      tpu.enqueue_dma source(%dma_start3A_76 : memref<632x128xf32, #tpu.memory_space<vmem_shared>>) target(%dma_start3A_74 : memref<632x128xf32, #tpu.memory_space<hbm>>) target_semaphore(%run_scoped3A : memref<!tpu.dma_semaphore, #tpu.memory_space<semaphore_mem>>)
      %dma_wait3A_77 = arith.constant 0 : i32
      %dma_wait3A_78 = arith.constant 0 : i32
      %dma_wait3A_79 = tpu.memref_slice %arg6[%arg0, %dma_wait3A_77, %dma_wait3A_78] : memref<2x10112x128xf32, #tpu.memory_space<hbm>> -> memref<1x10112x128xf32, #tpu.memory_space<hbm>>
      %dma_wait3A_80 = tpu.memref_squeeze %dma_wait3A_79 : memref<1x10112x128xf32, #tpu.memory_space<hbm>> -> memref<10112x128xf32, #tpu.memory_space<hbm>>
      %dma_wait3A_81 = arith.constant 0 : i32
      %dma_wait3A_82 = tpu.memref_slice %dma_wait3A_80[%mul3A_68, %dma_wait3A_81] : memref<10112x128xf32, #tpu.memory_space<hbm>> -> memref<632x128xf32, #tpu.memory_space<hbm>>
      %dma_wait3A_83 = arith.constant 0 : i32
      %dma_wait3A_84 = tpu.memref_slice %arg17[%mul3A_66, %dma_wait3A_83] : memref<10112x128xf32, #tpu.memory_space<vmem_shared>> -> memref<632x128xf32, #tpu.memory_space<vmem_shared>>
      tpu.wait_dma2 semaphore(%run_scoped3A : memref<!tpu.dma_semaphore, #tpu.memory_space<semaphore_mem>>) src(%dma_wait3A_84 : memref<632x128xf32, #tpu.memory_space<vmem_shared>>) dst(%dma_wait3A_82 : memref<632x128xf32, #tpu.memory_space<hbm>>)
      tpu.yield
    }) : () -> ()
    return
  }
}

#map = affine_map<(d0, d1) -> (0)>
#map1 = affine_map<(d0, d1) -> (0, 0)>
#map2 = affine_map<(d0, d1) -> (0, 0, 0)>
module attributes {stable_mosaic.version = 14 : i64} {
  func.func @_deg_body(%arg0: i32, %arg1: i32, %arg2: memref<320000xi32, #tpu.memory_space<hbm>>, %arg3: memref<128x128xf32, #tpu.memory_space<hbm>>, %arg4: memref<10112x128xf32, #tpu.memory_space<hbm>>, %arg5: memref<2x10112x128xf32, #tpu.memory_space<hbm>>, %arg6: memref<128xi32, #tpu.memory_space<vmem>>, %arg7: memref<128xi32, #tpu.memory_space<vmem>>, %arg8: memref<128xi32, #tpu.memory_space<vmem>>, %arg9: memref<128xi32, #tpu.memory_space<vmem>>, %arg10: memref<128x128xf32, #tpu.memory_space<vmem>>, %arg11: memref<10112x128xf32, #tpu.memory_space<vmem_shared>>, %arg12: memref<!tpu.dma_semaphore, #tpu.memory_space<semaphore_mem>>, %arg13: memref<!tpu.dma_semaphore, #tpu.memory_space<semaphore_mem>>, %arg14: memref<!tpu.dma_semaphore, #tpu.memory_space<semaphore_mem>>, %arg15: memref<!tpu.dma_semaphore, #tpu.memory_space<semaphore_mem>>, %arg16: memref<!tpu.dma_semaphore, #tpu.memory_space<semaphore_mem>>, %arg17: memref<!tpu.dma_semaphore, #tpu.memory_space<semaphore_mem>>) attributes {dimension_semantics = [#tpu.dimension_semantics<core_parallel>, #tpu.dimension_semantics<subcore_parallel>], iteration_bounds = array<i64: 2, 16>, scalar_prefetch = 0 : i64, scratch_operands = 12 : i64, tpu.core_type = #tpu.core_type<sc_vector_subcore>, window_params = [{transform_indices = #map}, {transform_indices = #map1}, {transform_indices = #map1}, {transform_indices = #map2}]} {
    %mul3A = arith.constant 16 : i32
    %mul3A_0 = arith.muli %arg0, %mul3A : i32
    %add3A = arith.addi %mul3A_0, %arg1 : i32
    %mul3A_1 = arith.constant 80 : i32
    %mul3A_2 = arith.muli %add3A, %mul3A_1 : i32
    %sub3A = arith.constant 2500 : i32
    %sub3A_3 = arith.subi %sub3A, %mul3A_2 : i32
    %max3A = arith.constant 0 : i32
    %max3A_4 = arith.maxsi %max3A, %sub3A_3 : i32
    %min3A = arith.constant 80 : i32
    %min3A_5 = arith.minsi %min3A, %max3A_4 : i32
    %mul3A_6 = arith.constant 80 : i32
    %mul3A_7 = arith.muli %add3A, %mul3A_6 : i32
    %add3A_8 = arith.constant 0 : i32
    %add3A_9 = arith.addi %mul3A_7, %add3A_8 : i32
    %mul3A_10 = arith.constant 128 : i32
    %mul3A_11 = arith.muli %add3A_9, %mul3A_10 : i32
    %dma_start3A = tpu.memref_slice %arg2[%mul3A_11] : memref<320000xi32, #tpu.memory_space<hbm>> -> memref<128xi32, #tpu.memory_space<hbm>>
    %dma_start3A_12 = tpu.memref_slice %arg2[%mul3A_11] : memref<320000xi32, #tpu.memory_space<hbm>> -> memref<128xi32, #tpu.memory_space<hbm>>
    tpu.enqueue_dma source(%dma_start3A_12 : memref<128xi32, #tpu.memory_space<hbm>>) target(%arg6 : memref<128xi32, #tpu.memory_space<vmem>>) target_semaphore(%arg12 : memref<!tpu.dma_semaphore, #tpu.memory_space<semaphore_mem>>)
    %add3A_13 = arith.constant 1 : i32
    %add3A_14 = arith.addi %mul3A_7, %add3A_13 : i32
    %mul3A_15 = arith.constant 128 : i32
    %mul3A_16 = arith.muli %add3A_14, %mul3A_15 : i32
    %dma_start3A_17 = tpu.memref_slice %arg2[%mul3A_16] : memref<320000xi32, #tpu.memory_space<hbm>> -> memref<128xi32, #tpu.memory_space<hbm>>
    %dma_start3A_18 = tpu.memref_slice %arg2[%mul3A_16] : memref<320000xi32, #tpu.memory_space<hbm>> -> memref<128xi32, #tpu.memory_space<hbm>>
    tpu.enqueue_dma source(%dma_start3A_18 : memref<128xi32, #tpu.memory_space<hbm>>) target(%arg7 : memref<128xi32, #tpu.memory_space<vmem>>) target_semaphore(%arg13 : memref<!tpu.dma_semaphore, #tpu.memory_space<semaphore_mem>>)
    "tpu.region"() ({
      %run_scoped3A = tpu.sem_alloc : memref<!tpu.dma_semaphore, #tpu.memory_space<semaphore_mem>>
      tpu.enqueue_dma source(%arg3 : memref<128x128xf32, #tpu.memory_space<hbm>>) target(%arg10 : memref<128x128xf32, #tpu.memory_space<vmem>>) target_semaphore(%run_scoped3A : memref<!tpu.dma_semaphore, #tpu.memory_space<semaphore_mem>>)
      tpu.wait_dma2 semaphore(%run_scoped3A : memref<!tpu.dma_semaphore, #tpu.memory_space<semaphore_mem>>) src(%arg3 : memref<128x128xf32, #tpu.memory_space<hbm>>) dst(%arg10 : memref<128x128xf32, #tpu.memory_space<vmem>>)
      tpu.yield
    }) : () -> ()
    %mul3A_19 = arith.constant 632 : i32
    %mul3A_20 = arith.muli %arg1, %mul3A_19 : i32
    %mul3A_21 = arith.constant 632 : i32
    %mul3A_22 = arith.muli %arg1, %mul3A_21 : i32
    "tpu.region"() ({
      %run_scoped3A = tpu.sem_alloc : memref<!tpu.dma_semaphore, #tpu.memory_space<semaphore_mem>>
      %dma_start3A_59 = arith.constant 0 : i32
      %dma_start3A_60 = tpu.memref_slice %arg11[%mul3A_22, %dma_start3A_59] : memref<10112x128xf32, #tpu.memory_space<vmem_shared>> -> memref<632x128xf32, #tpu.memory_space<vmem_shared>>
      %dma_start3A_61 = arith.constant 0 : i32
      %dma_start3A_62 = tpu.memref_slice %arg4[%mul3A_20, %dma_start3A_61] : memref<10112x128xf32, #tpu.memory_space<hbm>> -> memref<632x128xf32, #tpu.memory_space<hbm>>
      tpu.enqueue_dma source(%dma_start3A_62 : memref<632x128xf32, #tpu.memory_space<hbm>>) target(%dma_start3A_60 : memref<632x128xf32, #tpu.memory_space<vmem_shared>>) target_semaphore(%run_scoped3A : memref<!tpu.dma_semaphore, #tpu.memory_space<semaphore_mem>>)
      %dma_wait3A_63 = arith.constant 0 : i32
      %dma_wait3A_64 = tpu.memref_slice %arg11[%mul3A_22, %dma_wait3A_63] : memref<10112x128xf32, #tpu.memory_space<vmem_shared>> -> memref<632x128xf32, #tpu.memory_space<vmem_shared>>
      %dma_wait3A_65 = arith.constant 0 : i32
      %dma_wait3A_66 = tpu.memref_slice %arg4[%mul3A_20, %dma_wait3A_65] : memref<10112x128xf32, #tpu.memory_space<hbm>> -> memref<632x128xf32, #tpu.memory_space<hbm>>
      tpu.wait_dma2 semaphore(%run_scoped3A : memref<!tpu.dma_semaphore, #tpu.memory_space<semaphore_mem>>) src(%dma_wait3A_66 : memref<632x128xf32, #tpu.memory_space<hbm>>) dst(%dma_wait3A_64 : memref<632x128xf32, #tpu.memory_space<vmem_shared>>)
      tpu.yield
    }) : () -> ()
    %barrier3A = arith.constant 0 : index
    tpu.barrier barrier_id(%barrier3A)
    %jit3A = arith.constant 4 : i32
    %div3A = arith.divsi %min3A_5, %jit3A : i32
    %sign3A = arith.constant 0 : i32
    %sign3A_23 = arith.cmpi sgt, %min3A_5, %sign3A : i32
    %sign3A_24 = arith.extui %sign3A_23 : i1 to i32
    %sign3A_25 = arith.constant 0 : i32
    %sign3A_26 = arith.cmpi slt, %min3A_5, %sign3A_25 : i32
    %sign3A_27 = arith.extui %sign3A_26 : i1 to i32
    %sign3A_28 = arith.subi %sign3A_24, %sign3A_27 : i32
    %sign3A_29 = arith.constant 0 : i32
    %sign3A_30 = arith.cmpi sgt, %jit3A, %sign3A_29 : i32
    %sign3A_31 = arith.extui %sign3A_30 : i1 to i32
    %sign3A_32 = arith.constant 0 : i32
    %sign3A_33 = arith.cmpi slt, %jit3A, %sign3A_32 : i32
    %sign3A_34 = arith.extui %sign3A_33 : i1 to i32
    %sign3A_35 = arith.subi %sign3A_31, %sign3A_34 : i32
    %ne3A = arith.cmpi ne, %sign3A_28, %sign3A_35 : i32
    %rem3A = arith.remsi %min3A_5, %jit3A : i32
    %ne3A_36 = arith.constant 0 : i32
    %ne3A_37 = arith.cmpi ne, %rem3A, %ne3A_36 : i32
    %and3A = arith.andi %ne3A, %ne3A_37 : i1
    %sub3A_38 = arith.constant 1 : i32
    %sub3A_39 = arith.subi %div3A, %sub3A_38 : i32
    %select_n3A = arith.select %and3A, %sub3A_39, %div3A : i32
    %while3A = arith.constant 0 : i32
    %while3A_40 = arith.constant 0 : i32
    %while3A_41 = arith.subi %select_n3A, %while3A_40 : i32
    %while3A_42 = arith.addi %while3A_40, %while3A_41 : i32
    %while3A_43 = arith.constant 1 : i32
    %while3A_44 = arith.divsi %while3A_41, %while3A_43 : i32
    %while3A_45 = arith.muli %while3A_44, %while3A_43 : i32
    %while3A_46 = arith.addi %while3A_40, %while3A_45 : i32
    %while3A_47 = arith.constant 1 : i32
    scf.for %while3A_59 = %while3A_40 to %while3A_46 step %while3A_47  : i32 {
      %mul3A_60 = arith.constant 4 : i32
      %mul3A_61 = arith.muli %mul3A_60, %while3A_59 : i32
      %add3A_62 = arith.constant 0 : i32
      %add3A_63 = arith.addi %mul3A_61, %add3A_62 : i32
      %dma_wait3A_64 = arith.constant 0 : i32
      %dma_wait3A_65 = tpu.memref_slice %arg2[%dma_wait3A_64] : memref<320000xi32, #tpu.memory_space<hbm>> -> memref<128xi32, #tpu.memory_space<hbm>>
      %dma_wait3A_66 = arith.constant 0 : i32
      %dma_wait3A_67 = tpu.memref_slice %arg2[%dma_wait3A_66] : memref<320000xi32, #tpu.memory_space<hbm>> -> memref<128xi32, #tpu.memory_space<hbm>>
      tpu.wait_dma2 semaphore(%arg12 : memref<!tpu.dma_semaphore, #tpu.memory_space<semaphore_mem>>) src(%dma_wait3A_67 : memref<128xi32, #tpu.memory_space<hbm>>) dst(%arg6 : memref<128xi32, #tpu.memory_space<vmem>>)
      %gt3A = arith.constant 0 : i32
      %gt3A_68 = arith.cmpi sgt, %while3A_59, %gt3A : i32
      %convert_element_type3A = arith.extui %gt3A_68 : i1 to i32
      %cond3A = arith.constant 0 : i32
      %cond3A_69 = arith.cmpi ne, %convert_element_type3A, %cond3A : i32
      scf.if %cond3A_69 {
        %dma_wait3A_140 = arith.constant 0 : i32
        %dma_wait3A_141 = arith.constant 0 : i32
        %dma_wait3A_142 = tpu.memref_slice %arg11[%dma_wait3A_140, %dma_wait3A_141] : memref<10112x128xf32, #tpu.memory_space<vmem_shared>> -> memref<10112x128xf32, #tpu.memory_space<vmem_shared>>
        tpu.wait_indirect_dma semaphore(%arg16 : memref<!tpu.dma_semaphore, #tpu.memory_space<semaphore_mem>>) src(%arg10 : memref<128x128xf32, #tpu.memory_space<vmem>>) dst(%dma_wait3A_142 : memref<10112x128xf32, #tpu.memory_space<vmem_shared>>)
      } else {
      }
      %dma_start3A_70 = arith.constant 0 : i32
      %dma_start3A_71 = arith.constant 0 : i32
      %dma_start3A_72 = tpu.memref_slice %arg11[%dma_start3A_70, %dma_start3A_71] : memref<10112x128xf32, #tpu.memory_space<vmem_shared>> -> memref<10112x128xf32, #tpu.memory_space<vmem_shared>>
      tpu.enqueue_indirect_dma source(%arg10 : memref<128x128xf32, #tpu.memory_space<vmem>>) target(%dma_start3A_72 : memref<10112x128xf32, #tpu.memory_space<vmem_shared>>) offsets(%arg6 : memref<128xi32, #tpu.memory_space<vmem>>) semaphore(%arg16 : memref<!tpu.dma_semaphore, #tpu.memory_space<semaphore_mem>>) {add = true}
      %add3A_73 = arith.constant 2 : i32
      %add3A_74 = arith.addi %add3A_63, %add3A_73 : i32
      %lt3A = arith.cmpi slt, %add3A_74, %min3A_5 : i32
      %convert_element_type3A_75 = arith.extui %lt3A : i1 to i32
      %cond3A_76 = arith.constant 0 : i32
      %cond3A_77 = arith.cmpi ne, %convert_element_type3A_75, %cond3A_76 : i32
      scf.if %cond3A_77 {
        %add3A_140 = arith.constant 2 : i32
        %add3A_141 = arith.addi %add3A_63, %add3A_140 : i32
        %add3A_142 = arith.addi %mul3A_7, %add3A_141 : i32
        %mul3A_143 = arith.constant 128 : i32
        %mul3A_144 = arith.muli %add3A_142, %mul3A_143 : i32
        %dma_start3A_145 = tpu.memref_slice %arg2[%mul3A_144] : memref<320000xi32, #tpu.memory_space<hbm>> -> memref<128xi32, #tpu.memory_space<hbm>>
        %dma_start3A_146 = tpu.memref_slice %arg2[%mul3A_144] : memref<320000xi32, #tpu.memory_space<hbm>> -> memref<128xi32, #tpu.memory_space<hbm>>
        tpu.enqueue_dma source(%dma_start3A_146 : memref<128xi32, #tpu.memory_space<hbm>>) target(%arg8 : memref<128xi32, #tpu.memory_space<vmem>>) target_semaphore(%arg14 : memref<!tpu.dma_semaphore, #tpu.memory_space<semaphore_mem>>)
      } else {
      }
      %mul3A_78 = arith.constant 4 : i32
      %mul3A_79 = arith.muli %mul3A_78, %while3A_59 : i32
      %add3A_80 = arith.constant 1 : i32
      %add3A_81 = arith.addi %mul3A_79, %add3A_80 : i32
      %dma_wait3A_82 = arith.constant 0 : i32
      %dma_wait3A_83 = tpu.memref_slice %arg2[%dma_wait3A_82] : memref<320000xi32, #tpu.memory_space<hbm>> -> memref<128xi32, #tpu.memory_space<hbm>>
      %dma_wait3A_84 = arith.constant 0 : i32
      %dma_wait3A_85 = tpu.memref_slice %arg2[%dma_wait3A_84] : memref<320000xi32, #tpu.memory_space<hbm>> -> memref<128xi32, #tpu.memory_space<hbm>>
      tpu.wait_dma2 semaphore(%arg13 : memref<!tpu.dma_semaphore, #tpu.memory_space<semaphore_mem>>) src(%dma_wait3A_85 : memref<128xi32, #tpu.memory_space<hbm>>) dst(%arg7 : memref<128xi32, #tpu.memory_space<vmem>>)
      %gt3A_86 = arith.constant 0 : i32
      %gt3A_87 = arith.cmpi sgt, %while3A_59, %gt3A_86 : i32
      %convert_element_type3A_88 = arith.extui %gt3A_87 : i1 to i32
      %cond3A_89 = arith.constant 0 : i32
      %cond3A_90 = arith.cmpi ne, %convert_element_type3A_88, %cond3A_89 : i32
      scf.if %cond3A_90 {
        %dma_wait3A_140 = arith.constant 0 : i32
        %dma_wait3A_141 = arith.constant 0 : i32
        %dma_wait3A_142 = tpu.memref_slice %arg11[%dma_wait3A_140, %dma_wait3A_141] : memref<10112x128xf32, #tpu.memory_space<vmem_shared>> -> memref<10112x128xf32, #tpu.memory_space<vmem_shared>>
        tpu.wait_indirect_dma semaphore(%arg17 : memref<!tpu.dma_semaphore, #tpu.memory_space<semaphore_mem>>) src(%arg10 : memref<128x128xf32, #tpu.memory_space<vmem>>) dst(%dma_wait3A_142 : memref<10112x128xf32, #tpu.memory_space<vmem_shared>>)
      } else {
      }
      %dma_start3A_91 = arith.constant 0 : i32
      %dma_start3A_92 = arith.constant 0 : i32
      %dma_start3A_93 = tpu.memref_slice %arg11[%dma_start3A_91, %dma_start3A_92] : memref<10112x128xf32, #tpu.memory_space<vmem_shared>> -> memref<10112x128xf32, #tpu.memory_space<vmem_shared>>
      tpu.enqueue_indirect_dma source(%arg10 : memref<128x128xf32, #tpu.memory_space<vmem>>) target(%dma_start3A_93 : memref<10112x128xf32, #tpu.memory_space<vmem_shared>>) offsets(%arg7 : memref<128xi32, #tpu.memory_space<vmem>>) semaphore(%arg17 : memref<!tpu.dma_semaphore, #tpu.memory_space<semaphore_mem>>) {add = true}
      %add3A_94 = arith.constant 2 : i32
      %add3A_95 = arith.addi %add3A_81, %add3A_94 : i32
      %lt3A_96 = arith.cmpi slt, %add3A_95, %min3A_5 : i32
      %convert_element_type3A_97 = arith.extui %lt3A_96 : i1 to i32
      %cond3A_98 = arith.constant 0 : i32
      %cond3A_99 = arith.cmpi ne, %convert_element_type3A_97, %cond3A_98 : i32
      scf.if %cond3A_99 {
        %add3A_140 = arith.constant 2 : i32
        %add3A_141 = arith.addi %add3A_81, %add3A_140 : i32
        %add3A_142 = arith.addi %mul3A_7, %add3A_141 : i32
        %mul3A_143 = arith.constant 128 : i32
        %mul3A_144 = arith.muli %add3A_142, %mul3A_143 : i32
        %dma_start3A_145 = tpu.memref_slice %arg2[%mul3A_144] : memref<320000xi32, #tpu.memory_space<hbm>> -> memref<128xi32, #tpu.memory_space<hbm>>
        %dma_start3A_146 = tpu.memref_slice %arg2[%mul3A_144] : memref<320000xi32, #tpu.memory_space<hbm>> -> memref<128xi32, #tpu.memory_space<hbm>>
        tpu.enqueue_dma source(%dma_start3A_146 : memref<128xi32, #tpu.memory_space<hbm>>) target(%arg9 : memref<128xi32, #tpu.memory_space<vmem>>) target_semaphore(%arg15 : memref<!tpu.dma_semaphore, #tpu.memory_space<semaphore_mem>>)
      } else {
      }
      %mul3A_100 = arith.constant 4 : i32
      %mul3A_101 = arith.muli %mul3A_100, %while3A_59 : i32
      %add3A_102 = arith.constant 2 : i32
      %add3A_103 = arith.addi %mul3A_101, %add3A_102 : i32
      %dma_wait3A_104 = arith.constant 0 : i32
      %dma_wait3A_105 = tpu.memref_slice %arg2[%dma_wait3A_104] : memref<320000xi32, #tpu.memory_space<hbm>> -> memref<128xi32, #tpu.memory_space<hbm>>
      %dma_wait3A_106 = arith.constant 0 : i32
      %dma_wait3A_107 = tpu.memref_slice %arg2[%dma_wait3A_106] : memref<320000xi32, #tpu.memory_space<hbm>> -> memref<128xi32, #tpu.memory_space<hbm>>
      tpu.wait_dma2 semaphore(%arg14 : memref<!tpu.dma_semaphore, #tpu.memory_space<semaphore_mem>>) src(%dma_wait3A_107 : memref<128xi32, #tpu.memory_space<hbm>>) dst(%arg8 : memref<128xi32, #tpu.memory_space<vmem>>)
      %dma_wait3A_108 = arith.constant 0 : i32
      %dma_wait3A_109 = arith.constant 0 : i32
      %dma_wait3A_110 = tpu.memref_slice %arg11[%dma_wait3A_108, %dma_wait3A_109] : memref<10112x128xf32, #tpu.memory_space<vmem_shared>> -> memref<10112x128xf32, #tpu.memory_space<vmem_shared>>
      tpu.wait_indirect_dma semaphore(%arg16 : memref<!tpu.dma_semaphore, #tpu.memory_space<semaphore_mem>>) src(%arg10 : memref<128x128xf32, #tpu.memory_space<vmem>>) dst(%dma_wait3A_110 : memref<10112x128xf32, #tpu.memory_space<vmem_shared>>)
      %dma_start3A_111 = arith.constant 0 : i32
      %dma_start3A_112 = arith.constant 0 : i32
      %dma_start3A_113 = tpu.memref_slice %arg11[%dma_start3A_111, %dma_start3A_112] : memref<10112x128xf32, #tpu.memory_space<vmem_shared>> -> memref<10112x128xf32, #tpu.memory_space<vmem_shared>>
      tpu.enqueue_indirect_dma source(%arg10 : memref<128x128xf32, #tpu.memory_space<vmem>>) target(%dma_start3A_113 : memref<10112x128xf32, #tpu.memory_space<vmem_shared>>) offsets(%arg8 : memref<128xi32, #tpu.memory_space<vmem>>) semaphore(%arg16 : memref<!tpu.dma_semaphore, #tpu.memory_space<semaphore_mem>>) {add = true}
      %add3A_114 = arith.constant 2 : i32
      %add3A_115 = arith.addi %add3A_103, %add3A_114 : i32
      %lt3A_116 = arith.cmpi slt, %add3A_115, %min3A_5 : i32
      %convert_element_type3A_117 = arith.extui %lt3A_116 : i1 to i32
      %cond3A_118 = arith.constant 0 : i32
      %cond3A_119 = arith.cmpi ne, %convert_element_type3A_117, %cond3A_118 : i32
      scf.if %cond3A_119 {
        %add3A_140 = arith.constant 2 : i32
        %add3A_141 = arith.addi %add3A_103, %add3A_140 : i32
        %add3A_142 = arith.addi %mul3A_7, %add3A_141 : i32
        %mul3A_143 = arith.constant 128 : i32
        %mul3A_144 = arith.muli %add3A_142, %mul3A_143 : i32
        %dma_start3A_145 = tpu.memref_slice %arg2[%mul3A_144] : memref<320000xi32, #tpu.memory_space<hbm>> -> memref<128xi32, #tpu.memory_space<hbm>>
        %dma_start3A_146 = tpu.memref_slice %arg2[%mul3A_144] : memref<320000xi32, #tpu.memory_space<hbm>> -> memref<128xi32, #tpu.memory_space<hbm>>
        tpu.enqueue_dma source(%dma_start3A_146 : memref<128xi32, #tpu.memory_space<hbm>>) target(%arg6 : memref<128xi32, #tpu.memory_space<vmem>>) target_semaphore(%arg12 : memref<!tpu.dma_semaphore, #tpu.memory_space<semaphore_mem>>)
      } else {
      }
      %mul3A_120 = arith.constant 4 : i32
      %mul3A_121 = arith.muli %mul3A_120, %while3A_59 : i32
      %add3A_122 = arith.constant 3 : i32
      %add3A_123 = arith.addi %mul3A_121, %add3A_122 : i32
      %dma_wait3A_124 = arith.constant 0 : i32
      %dma_wait3A_125 = tpu.memref_slice %arg2[%dma_wait3A_124] : memref<320000xi32, #tpu.memory_space<hbm>> -> memref<128xi32, #tpu.memory_space<hbm>>
      %dma_wait3A_126 = arith.constant 0 : i32
      %dma_wait3A_127 = tpu.memref_slice %arg2[%dma_wait3A_126] : memref<320000xi32, #tpu.memory_space<hbm>> -> memref<128xi32, #tpu.memory_space<hbm>>
      tpu.wait_dma2 semaphore(%arg15 : memref<!tpu.dma_semaphore, #tpu.memory_space<semaphore_mem>>) src(%dma_wait3A_127 : memref<128xi32, #tpu.memory_space<hbm>>) dst(%arg9 : memref<128xi32, #tpu.memory_space<vmem>>)
      %dma_wait3A_128 = arith.constant 0 : i32
      %dma_wait3A_129 = arith.constant 0 : i32
      %dma_wait3A_130 = tpu.memref_slice %arg11[%dma_wait3A_128, %dma_wait3A_129] : memref<10112x128xf32, #tpu.memory_space<vmem_shared>> -> memref<10112x128xf32, #tpu.memory_space<vmem_shared>>
      tpu.wait_indirect_dma semaphore(%arg17 : memref<!tpu.dma_semaphore, #tpu.memory_space<semaphore_mem>>) src(%arg10 : memref<128x128xf32, #tpu.memory_space<vmem>>) dst(%dma_wait3A_130 : memref<10112x128xf32, #tpu.memory_space<vmem_shared>>)
      %dma_start3A_131 = arith.constant 0 : i32
      %dma_start3A_132 = arith.constant 0 : i32
      %dma_start3A_133 = tpu.memref_slice %arg11[%dma_start3A_131, %dma_start3A_132] : memref<10112x128xf32, #tpu.memory_space<vmem_shared>> -> memref<10112x128xf32, #tpu.memory_space<vmem_shared>>
      tpu.enqueue_indirect_dma source(%arg10 : memref<128x128xf32, #tpu.memory_space<vmem>>) target(%dma_start3A_133 : memref<10112x128xf32, #tpu.memory_space<vmem_shared>>) offsets(%arg9 : memref<128xi32, #tpu.memory_space<vmem>>) semaphore(%arg17 : memref<!tpu.dma_semaphore, #tpu.memory_space<semaphore_mem>>) {add = true}
      %add3A_134 = arith.constant 2 : i32
      %add3A_135 = arith.addi %add3A_123, %add3A_134 : i32
      %lt3A_136 = arith.cmpi slt, %add3A_135, %min3A_5 : i32
      %convert_element_type3A_137 = arith.extui %lt3A_136 : i1 to i32
      %cond3A_138 = arith.constant 0 : i32
      %cond3A_139 = arith.cmpi ne, %convert_element_type3A_137, %cond3A_138 : i32
      scf.if %cond3A_139 {
        %add3A_140 = arith.constant 2 : i32
        %add3A_141 = arith.addi %add3A_123, %add3A_140 : i32
        %add3A_142 = arith.addi %mul3A_7, %add3A_141 : i32
        %mul3A_143 = arith.constant 128 : i32
        %mul3A_144 = arith.muli %add3A_142, %mul3A_143 : i32
        %dma_start3A_145 = tpu.memref_slice %arg2[%mul3A_144] : memref<320000xi32, #tpu.memory_space<hbm>> -> memref<128xi32, #tpu.memory_space<hbm>>
        %dma_start3A_146 = tpu.memref_slice %arg2[%mul3A_144] : memref<320000xi32, #tpu.memory_space<hbm>> -> memref<128xi32, #tpu.memory_space<hbm>>
        tpu.enqueue_dma source(%dma_start3A_146 : memref<128xi32, #tpu.memory_space<hbm>>) target(%arg7 : memref<128xi32, #tpu.memory_space<vmem>>) target_semaphore(%arg13 : memref<!tpu.dma_semaphore, #tpu.memory_space<semaphore_mem>>)
      } else {
      }
    }
    %while3A_48 = arith.constant 1 : i32
    scf.for %while3A_59 = %while3A_46 to %while3A_42 step %while3A_48  : i32 {
      %mul3A_60 = arith.constant 4 : i32
      %mul3A_61 = arith.muli %mul3A_60, %while3A_59 : i32
      %add3A_62 = arith.constant 0 : i32
      %add3A_63 = arith.addi %mul3A_61, %add3A_62 : i32
      %dma_wait3A_64 = arith.constant 0 : i32
      %dma_wait3A_65 = tpu.memref_slice %arg2[%dma_wait3A_64] : memref<320000xi32, #tpu.memory_space<hbm>> -> memref<128xi32, #tpu.memory_space<hbm>>
      %dma_wait3A_66 = arith.constant 0 : i32
      %dma_wait3A_67 = tpu.memref_slice %arg2[%dma_wait3A_66] : memref<320000xi32, #tpu.memory_space<hbm>> -> memref<128xi32, #tpu.memory_space<hbm>>
      tpu.wait_dma2 semaphore(%arg12 : memref<!tpu.dma_semaphore, #tpu.memory_space<semaphore_mem>>) src(%dma_wait3A_67 : memref<128xi32, #tpu.memory_space<hbm>>) dst(%arg6 : memref<128xi32, #tpu.memory_space<vmem>>)
      %gt3A = arith.constant 0 : i32
      %gt3A_68 = arith.cmpi sgt, %while3A_59, %gt3A : i32
      %convert_element_type3A = arith.extui %gt3A_68 : i1 to i32
      %cond3A = arith.constant 0 : i32
      %cond3A_69 = arith.cmpi ne, %convert_element_type3A, %cond3A : i32
      scf.if %cond3A_69 {
        %dma_wait3A_140 = arith.constant 0 : i32
        %dma_wait3A_141 = arith.constant 0 : i32
        %dma_wait3A_142 = tpu.memref_slice %arg11[%dma_wait3A_140, %dma_wait3A_141] : memref<10112x128xf32, #tpu.memory_space<vmem_shared>> -> memref<10112x128xf32, #tpu.memory_space<vmem_shared>>
        tpu.wait_indirect_dma semaphore(%arg16 : memref<!tpu.dma_semaphore, #tpu.memory_space<semaphore_mem>>) src(%arg10 : memref<128x128xf32, #tpu.memory_space<vmem>>) dst(%dma_wait3A_142 : memref<10112x128xf32, #tpu.memory_space<vmem_shared>>)
      } else {
      }
      %dma_start3A_70 = arith.constant 0 : i32
      %dma_start3A_71 = arith.constant 0 : i32
      %dma_start3A_72 = tpu.memref_slice %arg11[%dma_start3A_70, %dma_start3A_71] : memref<10112x128xf32, #tpu.memory_space<vmem_shared>> -> memref<10112x128xf32, #tpu.memory_space<vmem_shared>>
      tpu.enqueue_indirect_dma source(%arg10 : memref<128x128xf32, #tpu.memory_space<vmem>>) target(%dma_start3A_72 : memref<10112x128xf32, #tpu.memory_space<vmem_shared>>) offsets(%arg6 : memref<128xi32, #tpu.memory_space<vmem>>) semaphore(%arg16 : memref<!tpu.dma_semaphore, #tpu.memory_space<semaphore_mem>>) {add = true}
      %add3A_73 = arith.constant 2 : i32
      %add3A_74 = arith.addi %add3A_63, %add3A_73 : i32
      %lt3A = arith.cmpi slt, %add3A_74, %min3A_5 : i32
      %convert_element_type3A_75 = arith.extui %lt3A : i1 to i32
      %cond3A_76 = arith.constant 0 : i32
      %cond3A_77 = arith.cmpi ne, %convert_element_type3A_75, %cond3A_76 : i32
      scf.if %cond3A_77 {
        %add3A_140 = arith.constant 2 : i32
        %add3A_141 = arith.addi %add3A_63, %add3A_140 : i32
        %add3A_142 = arith.addi %mul3A_7, %add3A_141 : i32
        %mul3A_143 = arith.constant 128 : i32
        %mul3A_144 = arith.muli %add3A_142, %mul3A_143 : i32
        %dma_start3A_145 = tpu.memref_slice %arg2[%mul3A_144] : memref<320000xi32, #tpu.memory_space<hbm>> -> memref<128xi32, #tpu.memory_space<hbm>>
        %dma_start3A_146 = tpu.memref_slice %arg2[%mul3A_144] : memref<320000xi32, #tpu.memory_space<hbm>> -> memref<128xi32, #tpu.memory_space<hbm>>
        tpu.enqueue_dma source(%dma_start3A_146 : memref<128xi32, #tpu.memory_space<hbm>>) target(%arg8 : memref<128xi32, #tpu.memory_space<vmem>>) target_semaphore(%arg14 : memref<!tpu.dma_semaphore, #tpu.memory_space<semaphore_mem>>)
      } else {
      }
      %mul3A_78 = arith.constant 4 : i32
      %mul3A_79 = arith.muli %mul3A_78, %while3A_59 : i32
      %add3A_80 = arith.constant 1 : i32
      %add3A_81 = arith.addi %mul3A_79, %add3A_80 : i32
      %dma_wait3A_82 = arith.constant 0 : i32
      %dma_wait3A_83 = tpu.memref_slice %arg2[%dma_wait3A_82] : memref<320000xi32, #tpu.memory_space<hbm>> -> memref<128xi32, #tpu.memory_space<hbm>>
      %dma_wait3A_84 = arith.constant 0 : i32
      %dma_wait3A_85 = tpu.memref_slice %arg2[%dma_wait3A_84] : memref<320000xi32, #tpu.memory_space<hbm>> -> memref<128xi32, #tpu.memory_space<hbm>>
      tpu.wait_dma2 semaphore(%arg13 : memref<!tpu.dma_semaphore, #tpu.memory_space<semaphore_mem>>) src(%dma_wait3A_85 : memref<128xi32, #tpu.memory_space<hbm>>) dst(%arg7 : memref<128xi32, #tpu.memory_space<vmem>>)
      %gt3A_86 = arith.constant 0 : i32
      %gt3A_87 = arith.cmpi sgt, %while3A_59, %gt3A_86 : i32
      %convert_element_type3A_88 = arith.extui %gt3A_87 : i1 to i32
      %cond3A_89 = arith.constant 0 : i32
      %cond3A_90 = arith.cmpi ne, %convert_element_type3A_88, %cond3A_89 : i32
      scf.if %cond3A_90 {
        %dma_wait3A_140 = arith.constant 0 : i32
        %dma_wait3A_141 = arith.constant 0 : i32
        %dma_wait3A_142 = tpu.memref_slice %arg11[%dma_wait3A_140, %dma_wait3A_141] : memref<10112x128xf32, #tpu.memory_space<vmem_shared>> -> memref<10112x128xf32, #tpu.memory_space<vmem_shared>>
        tpu.wait_indirect_dma semaphore(%arg17 : memref<!tpu.dma_semaphore, #tpu.memory_space<semaphore_mem>>) src(%arg10 : memref<128x128xf32, #tpu.memory_space<vmem>>) dst(%dma_wait3A_142 : memref<10112x128xf32, #tpu.memory_space<vmem_shared>>)
      } else {
      }
      %dma_start3A_91 = arith.constant 0 : i32
      %dma_start3A_92 = arith.constant 0 : i32
      %dma_start3A_93 = tpu.memref_slice %arg11[%dma_start3A_91, %dma_start3A_92] : memref<10112x128xf32, #tpu.memory_space<vmem_shared>> -> memref<10112x128xf32, #tpu.memory_space<vmem_shared>>
      tpu.enqueue_indirect_dma source(%arg10 : memref<128x128xf32, #tpu.memory_space<vmem>>) target(%dma_start3A_93 : memref<10112x128xf32, #tpu.memory_space<vmem_shared>>) offsets(%arg7 : memref<128xi32, #tpu.memory_space<vmem>>) semaphore(%arg17 : memref<!tpu.dma_semaphore, #tpu.memory_space<semaphore_mem>>) {add = true}
      %add3A_94 = arith.constant 2 : i32
      %add3A_95 = arith.addi %add3A_81, %add3A_94 : i32
      %lt3A_96 = arith.cmpi slt, %add3A_95, %min3A_5 : i32
      %convert_element_type3A_97 = arith.extui %lt3A_96 : i1 to i32
      %cond3A_98 = arith.constant 0 : i32
      %cond3A_99 = arith.cmpi ne, %convert_element_type3A_97, %cond3A_98 : i32
      scf.if %cond3A_99 {
        %add3A_140 = arith.constant 2 : i32
        %add3A_141 = arith.addi %add3A_81, %add3A_140 : i32
        %add3A_142 = arith.addi %mul3A_7, %add3A_141 : i32
        %mul3A_143 = arith.constant 128 : i32
        %mul3A_144 = arith.muli %add3A_142, %mul3A_143 : i32
        %dma_start3A_145 = tpu.memref_slice %arg2[%mul3A_144] : memref<320000xi32, #tpu.memory_space<hbm>> -> memref<128xi32, #tpu.memory_space<hbm>>
        %dma_start3A_146 = tpu.memref_slice %arg2[%mul3A_144] : memref<320000xi32, #tpu.memory_space<hbm>> -> memref<128xi32, #tpu.memory_space<hbm>>
        tpu.enqueue_dma source(%dma_start3A_146 : memref<128xi32, #tpu.memory_space<hbm>>) target(%arg9 : memref<128xi32, #tpu.memory_space<vmem>>) target_semaphore(%arg15 : memref<!tpu.dma_semaphore, #tpu.memory_space<semaphore_mem>>)
      } else {
      }
      %mul3A_100 = arith.constant 4 : i32
      %mul3A_101 = arith.muli %mul3A_100, %while3A_59 : i32
      %add3A_102 = arith.constant 2 : i32
      %add3A_103 = arith.addi %mul3A_101, %add3A_102 : i32
      %dma_wait3A_104 = arith.constant 0 : i32
      %dma_wait3A_105 = tpu.memref_slice %arg2[%dma_wait3A_104] : memref<320000xi32, #tpu.memory_space<hbm>> -> memref<128xi32, #tpu.memory_space<hbm>>
      %dma_wait3A_106 = arith.constant 0 : i32
      %dma_wait3A_107 = tpu.memref_slice %arg2[%dma_wait3A_106] : memref<320000xi32, #tpu.memory_space<hbm>> -> memref<128xi32, #tpu.memory_space<hbm>>
      tpu.wait_dma2 semaphore(%arg14 : memref<!tpu.dma_semaphore, #tpu.memory_space<semaphore_mem>>) src(%dma_wait3A_107 : memref<128xi32, #tpu.memory_space<hbm>>) dst(%arg8 : memref<128xi32, #tpu.memory_space<vmem>>)
      %dma_wait3A_108 = arith.constant 0 : i32
      %dma_wait3A_109 = arith.constant 0 : i32
      %dma_wait3A_110 = tpu.memref_slice %arg11[%dma_wait3A_108, %dma_wait3A_109] : memref<10112x128xf32, #tpu.memory_space<vmem_shared>> -> memref<10112x128xf32, #tpu.memory_space<vmem_shared>>
      tpu.wait_indirect_dma semaphore(%arg16 : memref<!tpu.dma_semaphore, #tpu.memory_space<semaphore_mem>>) src(%arg10 : memref<128x128xf32, #tpu.memory_space<vmem>>) dst(%dma_wait3A_110 : memref<10112x128xf32, #tpu.memory_space<vmem_shared>>)
      %dma_start3A_111 = arith.constant 0 : i32
      %dma_start3A_112 = arith.constant 0 : i32
      %dma_start3A_113 = tpu.memref_slice %arg11[%dma_start3A_111, %dma_start3A_112] : memref<10112x128xf32, #tpu.memory_space<vmem_shared>> -> memref<10112x128xf32, #tpu.memory_space<vmem_shared>>
      tpu.enqueue_indirect_dma source(%arg10 : memref<128x128xf32, #tpu.memory_space<vmem>>) target(%dma_start3A_113 : memref<10112x128xf32, #tpu.memory_space<vmem_shared>>) offsets(%arg8 : memref<128xi32, #tpu.memory_space<vmem>>) semaphore(%arg16 : memref<!tpu.dma_semaphore, #tpu.memory_space<semaphore_mem>>) {add = true}
      %add3A_114 = arith.constant 2 : i32
      %add3A_115 = arith.addi %add3A_103, %add3A_114 : i32
      %lt3A_116 = arith.cmpi slt, %add3A_115, %min3A_5 : i32
      %convert_element_type3A_117 = arith.extui %lt3A_116 : i1 to i32
      %cond3A_118 = arith.constant 0 : i32
      %cond3A_119 = arith.cmpi ne, %convert_element_type3A_117, %cond3A_118 : i32
      scf.if %cond3A_119 {
        %add3A_140 = arith.constant 2 : i32
        %add3A_141 = arith.addi %add3A_103, %add3A_140 : i32
        %add3A_142 = arith.addi %mul3A_7, %add3A_141 : i32
        %mul3A_143 = arith.constant 128 : i32
        %mul3A_144 = arith.muli %add3A_142, %mul3A_143 : i32
        %dma_start3A_145 = tpu.memref_slice %arg2[%mul3A_144] : memref<320000xi32, #tpu.memory_space<hbm>> -> memref<128xi32, #tpu.memory_space<hbm>>
        %dma_start3A_146 = tpu.memref_slice %arg2[%mul3A_144] : memref<320000xi32, #tpu.memory_space<hbm>> -> memref<128xi32, #tpu.memory_space<hbm>>
        tpu.enqueue_dma source(%dma_start3A_146 : memref<128xi32, #tpu.memory_space<hbm>>) target(%arg6 : memref<128xi32, #tpu.memory_space<vmem>>) target_semaphore(%arg12 : memref<!tpu.dma_semaphore, #tpu.memory_space<semaphore_mem>>)
      } else {
      }
      %mul3A_120 = arith.constant 4 : i32
      %mul3A_121 = arith.muli %mul3A_120, %while3A_59 : i32
      %add3A_122 = arith.constant 3 : i32
      %add3A_123 = arith.addi %mul3A_121, %add3A_122 : i32
      %dma_wait3A_124 = arith.constant 0 : i32
      %dma_wait3A_125 = tpu.memref_slice %arg2[%dma_wait3A_124] : memref<320000xi32, #tpu.memory_space<hbm>> -> memref<128xi32, #tpu.memory_space<hbm>>
      %dma_wait3A_126 = arith.constant 0 : i32
      %dma_wait3A_127 = tpu.memref_slice %arg2[%dma_wait3A_126] : memref<320000xi32, #tpu.memory_space<hbm>> -> memref<128xi32, #tpu.memory_space<hbm>>
      tpu.wait_dma2 semaphore(%arg15 : memref<!tpu.dma_semaphore, #tpu.memory_space<semaphore_mem>>) src(%dma_wait3A_127 : memref<128xi32, #tpu.memory_space<hbm>>) dst(%arg9 : memref<128xi32, #tpu.memory_space<vmem>>)
      %dma_wait3A_128 = arith.constant 0 : i32
      %dma_wait3A_129 = arith.constant 0 : i32
      %dma_wait3A_130 = tpu.memref_slice %arg11[%dma_wait3A_128, %dma_wait3A_129] : memref<10112x128xf32, #tpu.memory_space<vmem_shared>> -> memref<10112x128xf32, #tpu.memory_space<vmem_shared>>
      tpu.wait_indirect_dma semaphore(%arg17 : memref<!tpu.dma_semaphore, #tpu.memory_space<semaphore_mem>>) src(%arg10 : memref<128x128xf32, #tpu.memory_space<vmem>>) dst(%dma_wait3A_130 : memref<10112x128xf32, #tpu.memory_space<vmem_shared>>)
      %dma_start3A_131 = arith.constant 0 : i32
      %dma_start3A_132 = arith.constant 0 : i32
      %dma_start3A_133 = tpu.memref_slice %arg11[%dma_start3A_131, %dma_start3A_132] : memref<10112x128xf32, #tpu.memory_space<vmem_shared>> -> memref<10112x128xf32, #tpu.memory_space<vmem_shared>>
      tpu.enqueue_indirect_dma source(%arg10 : memref<128x128xf32, #tpu.memory_space<vmem>>) target(%dma_start3A_133 : memref<10112x128xf32, #tpu.memory_space<vmem_shared>>) offsets(%arg9 : memref<128xi32, #tpu.memory_space<vmem>>) semaphore(%arg17 : memref<!tpu.dma_semaphore, #tpu.memory_space<semaphore_mem>>) {add = true}
      %add3A_134 = arith.constant 2 : i32
      %add3A_135 = arith.addi %add3A_123, %add3A_134 : i32
      %lt3A_136 = arith.cmpi slt, %add3A_135, %min3A_5 : i32
      %convert_element_type3A_137 = arith.extui %lt3A_136 : i1 to i32
      %cond3A_138 = arith.constant 0 : i32
      %cond3A_139 = arith.cmpi ne, %convert_element_type3A_137, %cond3A_138 : i32
      scf.if %cond3A_139 {
        %add3A_140 = arith.constant 2 : i32
        %add3A_141 = arith.addi %add3A_123, %add3A_140 : i32
        %add3A_142 = arith.addi %mul3A_7, %add3A_141 : i32
        %mul3A_143 = arith.constant 128 : i32
        %mul3A_144 = arith.muli %add3A_142, %mul3A_143 : i32
        %dma_start3A_145 = tpu.memref_slice %arg2[%mul3A_144] : memref<320000xi32, #tpu.memory_space<hbm>> -> memref<128xi32, #tpu.memory_space<hbm>>
        %dma_start3A_146 = tpu.memref_slice %arg2[%mul3A_144] : memref<320000xi32, #tpu.memory_space<hbm>> -> memref<128xi32, #tpu.memory_space<hbm>>
        tpu.enqueue_dma source(%dma_start3A_146 : memref<128xi32, #tpu.memory_space<hbm>>) target(%arg7 : memref<128xi32, #tpu.memory_space<vmem>>) target_semaphore(%arg13 : memref<!tpu.dma_semaphore, #tpu.memory_space<semaphore_mem>>)
      } else {
      }
    }
    %dma_wait3A = arith.constant 0 : i32
    %dma_wait3A_49 = arith.constant 0 : i32
    %dma_wait3A_50 = tpu.memref_slice %arg11[%dma_wait3A, %dma_wait3A_49] : memref<10112x128xf32, #tpu.memory_space<vmem_shared>> -> memref<10112x128xf32, #tpu.memory_space<vmem_shared>>
    tpu.wait_indirect_dma semaphore(%arg16 : memref<!tpu.dma_semaphore, #tpu.memory_space<semaphore_mem>>) src(%arg10 : memref<128x128xf32, #tpu.memory_space<vmem>>) dst(%dma_wait3A_50 : memref<10112x128xf32, #tpu.memory_space<vmem_shared>>)
    %dma_wait3A_51 = arith.constant 0 : i32
    %dma_wait3A_52 = arith.constant 0 : i32
    %dma_wait3A_53 = tpu.memref_slice %arg11[%dma_wait3A_51, %dma_wait3A_52] : memref<10112x128xf32, #tpu.memory_space<vmem_shared>> -> memref<10112x128xf32, #tpu.memory_space<vmem_shared>>
    tpu.wait_indirect_dma semaphore(%arg17 : memref<!tpu.dma_semaphore, #tpu.memory_space<semaphore_mem>>) src(%arg10 : memref<128x128xf32, #tpu.memory_space<vmem>>) dst(%dma_wait3A_53 : memref<10112x128xf32, #tpu.memory_space<vmem_shared>>)
    %barrier3A_54 = arith.constant 0 : index
    tpu.barrier barrier_id(%barrier3A_54)
    %mul3A_55 = arith.constant 632 : i32
    %mul3A_56 = arith.muli %arg1, %mul3A_55 : i32
    %mul3A_57 = arith.constant 632 : i32
    %mul3A_58 = arith.muli %arg1, %mul3A_57 : i32
    "tpu.region"() ({
      %run_scoped3A = tpu.sem_alloc : memref<!tpu.dma_semaphore, #tpu.memory_space<semaphore_mem>>
      %dma_start3A_59 = arith.constant 0 : i32
      %dma_start3A_60 = arith.constant 0 : i32
      %dma_start3A_61 = tpu.memref_slice %arg5[%arg0, %dma_start3A_59, %dma_start3A_60] : memref<2x10112x128xf32, #tpu.memory_space<hbm>> -> memref<1x10112x128xf32, #tpu.memory_space<hbm>>
      %dma_start3A_62 = tpu.memref_squeeze %dma_start3A_61 : memref<1x10112x128xf32, #tpu.memory_space<hbm>> -> memref<10112x128xf32, #tpu.memory_space<hbm>>
      %dma_start3A_63 = arith.constant 0 : i32
      %dma_start3A_64 = tpu.memref_slice %dma_start3A_62[%mul3A_58, %dma_start3A_63] : memref<10112x128xf32, #tpu.memory_space<hbm>> -> memref<632x128xf32, #tpu.memory_space<hbm>>
      %dma_start3A_65 = arith.constant 0 : i32
      %dma_start3A_66 = tpu.memref_slice %arg11[%mul3A_56, %dma_start3A_65] : memref<10112x128xf32, #tpu.memory_space<vmem_shared>> -> memref<632x128xf32, #tpu.memory_space<vmem_shared>>
      tpu.enqueue_dma source(%dma_start3A_66 : memref<632x128xf32, #tpu.memory_space<vmem_shared>>) target(%dma_start3A_64 : memref<632x128xf32, #tpu.memory_space<hbm>>) target_semaphore(%run_scoped3A : memref<!tpu.dma_semaphore, #tpu.memory_space<semaphore_mem>>)
      %dma_wait3A_67 = arith.constant 0 : i32
      %dma_wait3A_68 = arith.constant 0 : i32
      %dma_wait3A_69 = tpu.memref_slice %arg5[%arg0, %dma_wait3A_67, %dma_wait3A_68] : memref<2x10112x128xf32, #tpu.memory_space<hbm>> -> memref<1x10112x128xf32, #tpu.memory_space<hbm>>
      %dma_wait3A_70 = tpu.memref_squeeze %dma_wait3A_69 : memref<1x10112x128xf32, #tpu.memory_space<hbm>> -> memref<10112x128xf32, #tpu.memory_space<hbm>>
      %dma_wait3A_71 = arith.constant 0 : i32
      %dma_wait3A_72 = tpu.memref_slice %dma_wait3A_70[%mul3A_58, %dma_wait3A_71] : memref<10112x128xf32, #tpu.memory_space<hbm>> -> memref<632x128xf32, #tpu.memory_space<hbm>>
      %dma_wait3A_73 = arith.constant 0 : i32
      %dma_wait3A_74 = tpu.memref_slice %arg11[%mul3A_56, %dma_wait3A_73] : memref<10112x128xf32, #tpu.memory_space<vmem_shared>> -> memref<632x128xf32, #tpu.memory_space<vmem_shared>>
      tpu.wait_dma2 semaphore(%run_scoped3A : memref<!tpu.dma_semaphore, #tpu.memory_space<semaphore_mem>>) src(%dma_wait3A_74 : memref<632x128xf32, #tpu.memory_space<vmem_shared>>) dst(%dma_wait3A_72 : memref<632x128xf32, #tpu.memory_space<hbm>>)
      tpu.yield
    }) : () -> ()
    return
  }
}

module attributes {stable_mosaic.version = 14 : i64} {
  func.func @_b1_body(%arg0: i32, %arg1: memref<2000x128xf32, #tpu.memory_space<vmem>>, %arg2: memref<128x128xf32, #tpu.memory_space<vmem>>, %arg3: memref<2000x128xf32, #tpu.memory_space<vmem>>, %arg4: memref<2000x128xf32, #tpu.memory_space<vmem>>, %arg5: memref<2000x128xf32, #tpu.memory_space<vmem>>) attributes {dimension_semantics = [#tpu.dimension_semantics<arbitrary>], iteration_bounds = array<i64: 5>, scalar_prefetch = 0 : i64, scratch_operands = 0 : i64, tpu.core_type = #tpu.core_type<tc>, window_params = [{transform_indices = @transform_0, window_bounds = array<i64: 2000, 128>}, {pipeline_mode = #tpu.pipeline_mode<synchronous>, transform_indices = @transform_1, window_bounds = array<i64: 128, 128>}, {transform_indices = @transform_2, window_bounds = array<i64: 2000, 128>}, {transform_indices = @transform_3, window_bounds = array<i64: 2000, 128>}, {transform_indices = @transform_4, window_bounds = array<i64: 2000, 128>}]} {
    %get3A = arith.constant 0 : index
    %get3A_0 = arith.constant 0 : index
    %get3A_1 = vector.load %arg3[%get3A, %get3A_0] : memref<2000x128xf32, #tpu.memory_space<vmem>>, vector<2000x1xf32>
    %add3A = arith.constant 1.000000e+00 : f32
    %add3A_2 = vector.broadcast %add3A : f32 to vector<2000x1xf32>
    %add3A_3 = arith.addf %add3A_2, %get3A_1 : vector<2000x1xf32>
    %get3A_4 = arith.constant 0 : index
    %get3A_5 = arith.constant 0 : index
    %get3A_6 = vector.load %arg4[%get3A_4, %get3A_5] : memref<2000x128xf32, #tpu.memory_space<vmem>>, vector<2000x1xf32>
    %add3A_7 = arith.addf %add3A_3, %get3A_6 : vector<2000x1xf32>
    %gt3A = arith.constant 0.000000e+00 : f32
    %gt3A_8 = vector.broadcast %gt3A : f32 to vector<2000x1xf32>
    %gt3A_9 = arith.cmpf ogt, %add3A_7, %gt3A_8 : vector<2000x1xf32>
    %max3A = arith.constant 9.99999996E-13 : f32
    %max3A_10 = vector.broadcast %max3A : f32 to vector<2000x1xf32>
    %max3A_11 = arith.maximumf %add3A_7, %max3A_10 : vector<2000x1xf32>
    %rsqrt3A = math.rsqrt %max3A_11 : vector<2000x1xf32>
    %jit3A = arith.constant 0.000000e+00 : f32
    %broadcast_in_dim3A = vector.broadcast %jit3A : f32 to vector<2000x1xf32>
    %select_n3A = arith.select %gt3A_9, %rsqrt3A, %broadcast_in_dim3A : vector<2000x1xi1>, vector<2000x1xf32>
    %get3A_12 = arith.constant 0 : index
    %get3A_13 = arith.constant 0 : index
    %get3A_14 = vector.load %arg1[%get3A_12, %get3A_13] : memref<2000x128xf32, #tpu.memory_space<vmem>>, vector<2000x128xf32>
    %get3A_15 = arith.constant 0 : index
    %get3A_16 = arith.constant 0 : index
    %get3A_17 = vector.load %arg2[%get3A_15, %get3A_16] : memref<128x128xf32, #tpu.memory_space<vmem>>, vector<128x128xf32>
    %dot_general3A = arith.constant dense<0.000000e+00> : vector<2000x128xf32>
    %dot_general3A_18 = tpu.matmul %get3A_14, %get3A_17, %dot_general3A {dimension_numbers = #tpu.dot_dimension_numbers<[1], [0], [0], [1], [0, 0, 1, 1], [], []>, transpose_lhs_hint = false} : vector<2000x128xf32>, vector<128x128xf32>, vector<2000x128xf32> -> vector<2000x128xf32>
    %mul3A = vector.broadcast %select_n3A : vector<2000x1xf32> to vector<2000x128xf32>
    %mul3A_19 = arith.mulf %dot_general3A_18, %mul3A : vector<2000x128xf32>
    %swap3A = arith.constant 0 : index
    %swap3A_20 = arith.constant 0 : index
    %swap3A_21 = vector.load %arg5[%swap3A, %swap3A_20] : memref<2000x128xf32, #tpu.memory_space<vmem>>, vector<2000x128xf32>
    tpu.vector_store %arg5[%swap3A, %swap3A_20], %mul3A_19 {strides = array<i32>} : memref<2000x128xf32, #tpu.memory_space<vmem>>, vector<2000x128xf32>,
    return
  }
  func.func @transform_0(%arg0: i32) -> (i32, i32) {
    %c0_i32 = arith.constant 0 : i32
    %c0_i32_0 = arith.constant 0 : i32
    return %arg0, %c0_i32 : i32, i32
  }
  func.func @transform_1(%arg0: i32) -> (i32, i32) {
    %c0_i32 = arith.constant 0 : i32
    %c0_i32_0 = arith.constant 0 : i32
    %c0_i32_1 = arith.constant 0 : i32
    return %c0_i32, %c0_i32_0 : i32, i32
  }
  func.func @transform_2(%arg0: i32) -> (i32, i32) {
    %c0_i32 = arith.constant 0 : i32
    %c0_i32_0 = arith.constant 0 : i32
    return %arg0, %c0_i32 : i32, i32
  }
  func.func @transform_3(%arg0: i32) -> (i32, i32) {
    %c0_i32 = arith.constant 0 : i32
    %c0_i32_0 = arith.constant 0 : i32
    return %arg0, %c0_i32 : i32, i32
  }
  func.func @transform_4(%arg0: i32) -> (i32, i32) {
    %c0_i32 = arith.constant 0 : i32
    %c0_i32_0 = arith.constant 0 : i32
    return %arg0, %c0_i32 : i32, i32
  }
}

module attributes {stable_mosaic.version = 14 : i64} {
  func.func @_b2_body(%arg0: i32, %arg1: memref<2x2000x128xf32, #tpu.memory_space<vmem>>, %arg2: memref<2000x128xf32, #tpu.memory_space<vmem>>, %arg3: memref<2000x128xf32, #tpu.memory_space<vmem>>, %arg4: memref<2000x128xf32, #tpu.memory_space<vmem>>, %arg5: memref<1x128xf32, #tpu.memory_space<vmem>>, %arg6: memref<1x128xf32, #tpu.memory_space<vmem>>, %arg7: memref<1x128xf32, #tpu.memory_space<vmem>>, %arg8: memref<1x128xf32, #tpu.memory_space<vmem>>, %arg9: memref<1x128xf32, #tpu.memory_space<vmem>>, %arg10: memref<128x128xf32, #tpu.memory_space<vmem>>, %arg11: memref<2000x128xf32, #tpu.memory_space<vmem>>) attributes {dimension_semantics = [#tpu.dimension_semantics<arbitrary>], iteration_bounds = array<i64: 5>, scalar_prefetch = 0 : i64, scratch_operands = 0 : i64, tpu.core_type = #tpu.core_type<tc>, window_params = [{transform_indices = @transform_0, window_bounds = array<i64: 2, 2000, 128>}, {transform_indices = @transform_1, window_bounds = array<i64: 2000, 128>}, {transform_indices = @transform_2, window_bounds = array<i64: 2000, 128>}, {transform_indices = @transform_3, window_bounds = array<i64: 2000, 128>}, {pipeline_mode = #tpu.pipeline_mode<synchronous>, transform_indices = @transform_4, window_bounds = array<i64: 1, 128>}, {pipeline_mode = #tpu.pipeline_mode<synchronous>, transform_indices = @transform_5, window_bounds = array<i64: 1, 128>}, {pipeline_mode = #tpu.pipeline_mode<synchronous>, transform_indices = @transform_6, window_bounds = array<i64: 1, 128>}, {pipeline_mode = #tpu.pipeline_mode<synchronous>, transform_indices = @transform_7, window_bounds = array<i64: 1, 128>}, {pipeline_mode = #tpu.pipeline_mode<synchronous>, transform_indices = @transform_8, window_bounds = array<i64: 1, 128>}, {pipeline_mode = #tpu.pipeline_mode<synchronous>, transform_indices = @transform_9, window_bounds = array<i64: 128, 128>}, {transform_indices = @transform_10, window_bounds = array<i64: 2000, 128>}]} {
    %get3A = arith.constant 0 : index
    %get3A_0 = arith.constant 0 : index
    %get3A_1 = vector.load %arg3[%get3A, %get3A_0] : memref<2000x128xf32, #tpu.memory_space<vmem>>, vector<2000x1xf32>
    %add3A = arith.constant 1.000000e+00 : f32
    %add3A_2 = vector.broadcast %add3A : f32 to vector<2000x1xf32>
    %add3A_3 = arith.addf %add3A_2, %get3A_1 : vector<2000x1xf32>
    %get3A_4 = arith.constant 0 : index
    %get3A_5 = arith.constant 0 : index
    %get3A_6 = vector.load %arg4[%get3A_4, %get3A_5] : memref<2000x128xf32, #tpu.memory_space<vmem>>, vector<2000x1xf32>
    %add3A_7 = arith.addf %add3A_3, %get3A_6 : vector<2000x1xf32>
    %gt3A = arith.constant 0.000000e+00 : f32
    %gt3A_8 = vector.broadcast %gt3A : f32 to vector<2000x1xf32>
    %gt3A_9 = arith.cmpf ogt, %add3A_7, %gt3A_8 : vector<2000x1xf32>
    %max3A = arith.constant 9.99999996E-13 : f32
    %max3A_10 = vector.broadcast %max3A : f32 to vector<2000x1xf32>
    %max3A_11 = arith.maximumf %add3A_7, %max3A_10 : vector<2000x1xf32>
    %rsqrt3A = math.rsqrt %max3A_11 : vector<2000x1xf32>
    %jit3A = arith.constant 0.000000e+00 : f32
    %broadcast_in_dim3A = vector.broadcast %jit3A : f32 to vector<2000x1xf32>
    %select_n3A = arith.select %gt3A_9, %rsqrt3A, %broadcast_in_dim3A : vector<2000x1xi1>, vector<2000x1xf32>
    %get3A_12 = arith.constant 0 : index
    %get3A_13 = arith.constant 0 : index
    %get3A_14 = arith.constant 0 : index
    %get3A_15 = vector.load %arg1[%get3A_12, %get3A_13, %get3A_14] : memref<2x2000x128xf32, #tpu.memory_space<vmem>>, vector<1x2000x128xf32>
    %get3A_16 = vector.shape_cast %get3A_15 : vector<1x2000x128xf32> to vector<2000x128xf32>
    %get3A_17 = arith.constant 1 : index
    %get3A_18 = arith.constant 0 : index
    %get3A_19 = arith.constant 0 : index
    %get3A_20 = vector.load %arg1[%get3A_17, %get3A_18, %get3A_19] : memref<2x2000x128xf32, #tpu.memory_space<vmem>>, vector<1x2000x128xf32>
    %get3A_21 = vector.shape_cast %get3A_20 : vector<1x2000x128xf32> to vector<2000x128xf32>
    %add3A_22 = arith.addf %get3A_16, %get3A_21 : vector<2000x128xf32>
    %get3A_23 = arith.constant 0 : index
    %get3A_24 = arith.constant 0 : index
    %get3A_25 = vector.load %arg2[%get3A_23, %get3A_24] : memref<2000x128xf32, #tpu.memory_space<vmem>>, vector<2000x128xf32>
    %add3A_26 = arith.addf %add3A_22, %get3A_25 : vector<2000x128xf32>
    %mul3A = vector.broadcast %select_n3A : vector<2000x1xf32> to vector<2000x128xf32>
    %mul3A_27 = arith.mulf %mul3A, %add3A_26 : vector<2000x128xf32>
    %get3A_28 = arith.constant 0 : index
    %get3A_29 = arith.constant 0 : index
    %get3A_30 = vector.load %arg5[%get3A_28, %get3A_29] : memref<1x128xf32, #tpu.memory_space<vmem>>, vector<1x128xf32>
    %add3A_31 = vector.broadcast %get3A_30 : vector<1x128xf32> to vector<2000x128xf32>
    %add3A_32 = arith.addf %mul3A_27, %add3A_31 : vector<2000x128xf32>
    %get3A_33 = arith.constant 0 : index
    %get3A_34 = arith.constant 0 : index
    %get3A_35 = vector.load %arg6[%get3A_33, %get3A_34] : memref<1x128xf32, #tpu.memory_space<vmem>>, vector<1x128xf32>
    %get3A_36 = arith.constant 0 : index
    %get3A_37 = arith.constant 0 : index
    %get3A_38 = vector.load %arg8[%get3A_36, %get3A_37] : memref<1x128xf32, #tpu.memory_space<vmem>>, vector<1x128xf32>
    %sub3A = vector.broadcast %get3A_38 : vector<1x128xf32> to vector<2000x128xf32>
    %sub3A_39 = arith.subf %add3A_32, %sub3A : vector<2000x128xf32>
    %mul3A_40 = vector.broadcast %get3A_35 : vector<1x128xf32> to vector<2000x128xf32>
    %mul3A_41 = arith.mulf %mul3A_40, %sub3A_39 : vector<2000x128xf32>
    %get3A_42 = arith.constant 0 : index
    %get3A_43 = arith.constant 0 : index
    %get3A_44 = vector.load %arg9[%get3A_42, %get3A_43] : memref<1x128xf32, #tpu.memory_space<vmem>>, vector<1x128xf32>
    %add3A_45 = arith.constant 9.99999974E-6 : f32
    %add3A_46 = vector.broadcast %add3A_45 : f32 to vector<1x128xf32>
    %add3A_47 = arith.addf %get3A_44, %add3A_46 : vector<1x128xf32>
    %rsqrt3A_48 = math.rsqrt %add3A_47 : vector<1x128xf32>
    %mul3A_49 = vector.broadcast %rsqrt3A_48 : vector<1x128xf32> to vector<2000x128xf32>
    %mul3A_50 = arith.mulf %mul3A_41, %mul3A_49 : vector<2000x128xf32>
    %get3A_51 = arith.constant 0 : index
    %get3A_52 = arith.constant 0 : index
    %get3A_53 = vector.load %arg7[%get3A_51, %get3A_52] : memref<1x128xf32, #tpu.memory_space<vmem>>, vector<1x128xf32>
    %add3A_54 = vector.broadcast %get3A_53 : vector<1x128xf32> to vector<2000x128xf32>
    %add3A_55 = arith.addf %mul3A_50, %add3A_54 : vector<2000x128xf32>
    %max3A_56 = arith.constant 0.000000e+00 : f32
    %max3A_57 = vector.broadcast %max3A_56 : f32 to vector<2000x128xf32>
    %max3A_58 = arith.maximumf %add3A_55, %max3A_57 : vector<2000x128xf32>
    %get3A_59 = arith.constant 0 : index
    %get3A_60 = arith.constant 0 : index
    %get3A_61 = vector.load %arg10[%get3A_59, %get3A_60] : memref<128x128xf32, #tpu.memory_space<vmem>>, vector<128x128xf32>
    %dot_general3A = arith.constant dense<0.000000e+00> : vector<2000x128xf32>
    %dot_general3A_62 = tpu.matmul %max3A_58, %get3A_61, %dot_general3A {dimension_numbers = #tpu.dot_dimension_numbers<[1], [0], [0], [1], [0, 0, 1, 1], [], []>, transpose_lhs_hint = false} : vector<2000x128xf32>, vector<128x128xf32>, vector<2000x128xf32> -> vector<2000x128xf32>
    %mul3A_63 = vector.broadcast %select_n3A : vector<2000x1xf32> to vector<2000x128xf32>
    %mul3A_64 = arith.mulf %dot_general3A_62, %mul3A_63 : vector<2000x128xf32>
    %swap3A = arith.constant 0 : index
    %swap3A_65 = arith.constant 0 : index
    %swap3A_66 = vector.load %arg11[%swap3A, %swap3A_65] : memref<2000x128xf32, #tpu.memory_space<vmem>>, vector<2000x128xf32>
    tpu.vector_store %arg11[%swap3A, %swap3A_65], %mul3A_64 {strides = array<i32>} : memref<2000x128xf32, #tpu.memory_space<vmem>>, vector<2000x128xf32>,
    return
  }
  func.func @transform_0(%arg0: i32) -> (i32, i32, i32) {
    %c0_i32 = arith.constant 0 : i32
    %c0_i32_0 = arith.constant 0 : i32
    %c0_i32_1 = arith.constant 0 : i32
    return %c0_i32, %arg0, %c0_i32_0 : i32, i32, i32
  }
  func.func @transform_1(%arg0: i32) -> (i32, i32) {
    %c0_i32 = arith.constant 0 : i32
    %c0_i32_0 = arith.constant 0 : i32
    return %arg0, %c0_i32 : i32, i32
  }
  func.func @transform_2(%arg0: i32) -> (i32, i32) {
    %c0_i32 = arith.constant 0 : i32
    %c0_i32_0 = arith.constant 0 : i32
    return %arg0, %c0_i32 : i32, i32
  }
  func.func @transform_3(%arg0: i32) -> (i32, i32) {
    %c0_i32 = arith.constant 0 : i32
    %c0_i32_0 = arith.constant 0 : i32
    return %arg0, %c0_i32 : i32, i32
  }
  func.func @transform_4(%arg0: i32) -> (i32, i32) {
    %c0_i32 = arith.constant 0 : i32
    %c0_i32_0 = arith.constant 0 : i32
    %c0_i32_1 = arith.constant 0 : i32
    return %c0_i32, %c0_i32_0 : i32, i32
  }
  func.func @transform_5(%arg0: i32) -> (i32, i32) {
    %c0_i32 = arith.constant 0 : i32
    %c0_i32_0 = arith.constant 0 : i32
    %c0_i32_1 = arith.constant 0 : i32
    return %c0_i32, %c0_i32_0 : i32, i32
  }
  func.func @transform_6(%arg0: i32) -> (i32, i32) {
    %c0_i32 = arith.constant 0 : i32
    %c0_i32_0 = arith.constant 0 : i32
    %c0_i32_1 = arith.constant 0 : i32
    return %c0_i32, %c0_i32_0 : i32, i32
  }
  func.func @transform_7(%arg0: i32) -> (i32, i32) {
    %c0_i32 = arith.constant 0 : i32
    %c0_i32_0 = arith.constant 0 : i32
    %c0_i32_1 = arith.constant 0 : i32
    return %c0_i32, %c0_i32_0 : i32, i32
  }
  func.func @transform_8(%arg0: i32) -> (i32, i32) {
    %c0_i32 = arith.constant 0 : i32
    %c0_i32_0 = arith.constant 0 : i32
    %c0_i32_1 = arith.constant 0 : i32
    return %c0_i32, %c0_i32_0 : i32, i32
  }
  func.func @transform_9(%arg0: i32) -> (i32, i32) {
    %c0_i32 = arith.constant 0 : i32
    %c0_i32_0 = arith.constant 0 : i32
    %c0_i32_1 = arith.constant 0 : i32
    return %c0_i32, %c0_i32_0 : i32, i32
  }
  func.func @transform_10(%arg0: i32) -> (i32, i32) {
    %c0_i32 = arith.constant 0 : i32
    %c0_i32_0 = arith.constant 0 : i32
    return %arg0, %c0_i32 : i32, i32
  }
}

module attributes {stable_mosaic.version = 14 : i64} {
  func.func @_b3_body(%arg0: i32, %arg1: memref<2x2000x128xf32, #tpu.memory_space<vmem>>, %arg2: memref<2000x128xf32, #tpu.memory_space<vmem>>, %arg3: memref<2000x128xf32, #tpu.memory_space<vmem>>, %arg4: memref<2000x128xf32, #tpu.memory_space<vmem>>, %arg5: memref<1x128xf32, #tpu.memory_space<vmem>>, %arg6: memref<2000x128xf32, #tpu.memory_space<vmem>>) attributes {dimension_semantics = [#tpu.dimension_semantics<arbitrary>], iteration_bounds = array<i64: 5>, scalar_prefetch = 0 : i64, scratch_operands = 0 : i64, tpu.core_type = #tpu.core_type<tc>, window_params = [{transform_indices = @transform_0, window_bounds = array<i64: 2, 2000, 128>}, {transform_indices = @transform_1, window_bounds = array<i64: 2000, 128>}, {transform_indices = @transform_2, window_bounds = array<i64: 2000, 128>}, {transform_indices = @transform_3, window_bounds = array<i64: 2000, 128>}, {pipeline_mode = #tpu.pipeline_mode<synchronous>, transform_indices = @transform_4, window_bounds = array<i64: 1, 128>}, {transform_indices = @transform_5, window_bounds = array<i64: 2000, 128>}]} {
    %get3A = arith.constant 0 : index
    %get3A_0 = arith.constant 0 : index
    %get3A_1 = vector.load %arg3[%get3A, %get3A_0] : memref<2000x128xf32, #tpu.memory_space<vmem>>, vector<2000x1xf32>
    %add3A = arith.constant 1.000000e+00 : f32
    %add3A_2 = vector.broadcast %add3A : f32 to vector<2000x1xf32>
    %add3A_3 = arith.addf %add3A_2, %get3A_1 : vector<2000x1xf32>
    %get3A_4 = arith.constant 0 : index
    %get3A_5 = arith.constant 0 : index
    %get3A_6 = vector.load %arg4[%get3A_4, %get3A_5] : memref<2000x128xf32, #tpu.memory_space<vmem>>, vector<2000x1xf32>
    %add3A_7 = arith.addf %add3A_3, %get3A_6 : vector<2000x1xf32>
    %gt3A = arith.constant 0.000000e+00 : f32
    %gt3A_8 = vector.broadcast %gt3A : f32 to vector<2000x1xf32>
    %gt3A_9 = arith.cmpf ogt, %add3A_7, %gt3A_8 : vector<2000x1xf32>
    %max3A = arith.constant 9.99999996E-13 : f32
    %max3A_10 = vector.broadcast %max3A : f32 to vector<2000x1xf32>
    %max3A_11 = arith.maximumf %add3A_7, %max3A_10 : vector<2000x1xf32>
    %rsqrt3A = math.rsqrt %max3A_11 : vector<2000x1xf32>
    %jit3A = arith.constant 0.000000e+00 : f32
    %broadcast_in_dim3A = vector.broadcast %jit3A : f32 to vector<2000x1xf32>
    %select_n3A = arith.select %gt3A_9, %rsqrt3A, %broadcast_in_dim3A : vector<2000x1xi1>, vector<2000x1xf32>
    %get3A_12 = arith.constant 0 : index
    %get3A_13 = arith.constant 0 : index
    %get3A_14 = arith.constant 0 : index
    %get3A_15 = vector.load %arg1[%get3A_12, %get3A_13, %get3A_14] : memref<2x2000x128xf32, #tpu.memory_space<vmem>>, vector<1x2000x128xf32>
    %get3A_16 = vector.shape_cast %get3A_15 : vector<1x2000x128xf32> to vector<2000x128xf32>
    %get3A_17 = arith.constant 1 : index
    %get3A_18 = arith.constant 0 : index
    %get3A_19 = arith.constant 0 : index
    %get3A_20 = vector.load %arg1[%get3A_17, %get3A_18, %get3A_19] : memref<2x2000x128xf32, #tpu.memory_space<vmem>>, vector<1x2000x128xf32>
    %get3A_21 = vector.shape_cast %get3A_20 : vector<1x2000x128xf32> to vector<2000x128xf32>
    %add3A_22 = arith.addf %get3A_16, %get3A_21 : vector<2000x128xf32>
    %get3A_23 = arith.constant 0 : index
    %get3A_24 = arith.constant 0 : index
    %get3A_25 = vector.load %arg2[%get3A_23, %get3A_24] : memref<2000x128xf32, #tpu.memory_space<vmem>>, vector<2000x128xf32>
    %add3A_26 = arith.addf %add3A_22, %get3A_25 : vector<2000x128xf32>
    %mul3A = vector.broadcast %select_n3A : vector<2000x1xf32> to vector<2000x128xf32>
    %mul3A_27 = arith.mulf %mul3A, %add3A_26 : vector<2000x128xf32>
    %get3A_28 = arith.constant 0 : index
    %get3A_29 = arith.constant 0 : index
    %get3A_30 = vector.load %arg5[%get3A_28, %get3A_29] : memref<1x128xf32, #tpu.memory_space<vmem>>, vector<1x128xf32>
    %add3A_31 = vector.broadcast %get3A_30 : vector<1x128xf32> to vector<2000x128xf32>
    %add3A_32 = arith.addf %mul3A_27, %add3A_31 : vector<2000x128xf32>
    %swap3A = arith.constant 0 : index
    %swap3A_33 = arith.constant 0 : index
    %swap3A_34 = vector.load %arg6[%swap3A, %swap3A_33] : memref<2000x128xf32, #tpu.memory_space<vmem>>, vector<2000x128xf32>
    tpu.vector_store %arg6[%swap3A, %swap3A_33], %add3A_32 {strides = array<i32>} : memref<2000x128xf32, #tpu.memory_space<vmem>>, vector<2000x128xf32>,
    return
  }
  func.func @transform_0(%arg0: i32) -> (i32, i32, i32) {
    %c0_i32 = arith.constant 0 : i32
    %c0_i32_0 = arith.constant 0 : i32
    %c0_i32_1 = arith.constant 0 : i32
    return %c0_i32, %arg0, %c0_i32_0 : i32, i32, i32
  }
  func.func @transform_1(%arg0: i32) -> (i32, i32) {
    %c0_i32 = arith.constant 0 : i32
    %c0_i32_0 = arith.constant 0 : i32
    return %arg0, %c0_i32 : i32, i32
  }
  func.func @transform_2(%arg0: i32) -> (i32, i32) {
    %c0_i32 = arith.constant 0 : i32
    %c0_i32_0 = arith.constant 0 : i32
    return %arg0, %c0_i32 : i32, i32
  }
  func.func @transform_3(%arg0: i32) -> (i32, i32) {
    %c0_i32 = arith.constant 0 : i32
    %c0_i32_0 = arith.constant 0 : i32
    return %arg0, %c0_i32 : i32, i32
  }
  func.func @transform_4(%arg0: i32) -> (i32, i32) {
    %c0_i32 = arith.constant 0 : i32
    %c0_i32_0 = arith.constant 0 : i32
    %c0_i32_1 = arith.constant 0 : i32
    return %c0_i32, %c0_i32_0 : i32, i32
  }
  func.func @transform_5(%arg0: i32) -> (i32, i32) {
    %c0_i32 = arith.constant 0 : i32
    %c0_i32_0 = arith.constant 0 : i32
    return %arg0, %c0_i32 : i32, i32
  }
}

</mosaic_0001>

<sc_bundles>
// kernel: kernel.11.cloned.1.call-start
scs
__scs_entry_jumppad:
0x0: {  	(pc) =	sbr.rel $0x88, $3  }
0x1: {  	(tag) =	ssettag $0x0;
	lr =	simm.s32 $0x1  }
0x2: {  	[smem:$0x3F97] =	sst lr;
	_ =	strace $0xD0000000  }
0x3: {  	_ = 	snop  }
0x4: {  	_ = 	snop  }
0x5: {  	_ = 	snop  }
0x6: {  	_ = 	snop  }
0x7: {  	_ = 	snop  }
__scs_overlays_trampoline_lowered:
0x8: {  	[smem:$0x3FA6] =	sst s0  }
0x9: {  	[smem:$0x3FA7] =	sst s1  }
0xa: {  	[smem:$0x3FA8] =	sst s2  }
0xb: {  	[smem:$0x3FA9] =	sst s3  }
0xc: {  	[smem:$0x3FAA] =	sst s4  }
0xd: {  	[smem:$0x3FAB] =	sst s5  }
0xe: {  	[smem:$0x3FAC] =	sst s6  }
0xf: {  	[smem:$0x3FAD] =	sst s7  }
0x10: {  	[smem:$0x3FAE] =	sst s8  }
0x11: {  	[smem:$0x3FAF] =	sst s9;
	s0 =	simm.s32 @!p0 $0x0  }
0x12: {  	s1 =	sld [smem:$0x3F95];
	s0 =	simm.s32 @p0 $0x1  }
0x13: {  	[smem:$0x3FB0] =	sst s0;
	s0 =	simm.s32 @!p1 $0x0  }
0x14: {  	s2 =	sld [smem:$0x3F94];
	s0 =	simm.s32 @p1 $0x1  }
0x15: {  	[smem:$0x3FB1] =	sst s0;
	s0 =	simm.s32 @!p2 $0x0  }
0x16: {  	s3 =	sld [smem:$0x3FDB];
	s0 =	simm.s32 @p2 $0x1  }
0x17: {  	s4 =	simm.s32 $0x1BF5;
	[smem:$0x3FB3] =	sst s0  }
0x18: {  	s0 =	sld [smem:$0x3F96];
	_ =	swait.ge [sflag:s4], $0x0  }
0x19: {  	s7 =	sld [smem:$0x3F97]  }
0x1a: {  	s8 =	sadd.s32 $0xFFFFE003, lr  }
0x1b: {  	s9 =	sadd.s32 $0xFFFFFEF7, lr;
	s5 =	simm.s32 $0xFFFFFFFF;
	p2 =	slt.u32 s8, $0xFFFFF086  }
0x1c: {  	p1 =	slt.u32 s9, $0xF7A;
	s5 =	simm.s32 @!p2 $0x0  }
0x1d: {  	s5 =	simm.s32 @p1 $0x1;
	p0 =	seq.s32 s7, s2  }
0x1e: {  	s7 =	smul.u32 @!p0 $0xF7A, s2;
	p2 =	seq.s32 @!p0 s5, $0x0  }
0x1f: {  	s9 =	smul.u32 $0xF7A, s1;
	s8 =	simm.s32 @!p0 $0x1BF5;
	p2 =	por !p2, p0  }
0x20: {  	[sflag:s8] =	ssyncset.s32 @!p0 $0xFFFFF086;
	s6 =	sadd.s32 @!p0 s3, s7;
	s7 =	simm.s32 @!p0 $0x108  }
0x21: {  	s3 =	sadd.s32 s3, s9;
	s6 =	sadd.s32 @!p0 $0x88, s6;
	s7 =	simm.s32 @p2 $0x1082  }
0x22: {  	[simem:s7], [sflag:s8] =	dma.local @!p0 [hbm:s6], $0xF7A  }
0x23: {  	s9 =	sor.u32 $0xD0000000, s2;
	s6 =	simm.s32 $0x108;
	_ =	swait.ge @!p0 [sflag:s8], $0x0  }
0x24: {  	s3 =	sadd.s32 $0x88, s3;
	s6 =	simm.s32 @!p1 $0x1082;
	[sflag:s4] =	ssyncset.s32 $0xFFFFF086  }
0x25: {  	[simem:s6], [sflag:s4] =	dma.local [hbm:s3], $0xF7A  }
0x26: {  	[smem:$0x3F97] =	sst s1;
	(tag) =	ssettag s2;
	_ =	strace s9  }
0x27: {  	s1 =	sld [smem:$0x3FA7]  }
0x28: {  	s2 =	sld [smem:$0x3FA8]  }
0x29: {  	s4 =	sld [smem:$0x3FAA]  }
0x2a: {  	p0 =	seq.s32 s5, $0x0;
	s5 =	sld [smem:$0x3FAB]  }
0x2b: {  	s6 =	sld [smem:$0x3FAC]  }
0x2c: {  	s7 =	sld [smem:$0x3FAD]  }
0x2d: {  	s3 =	simm.s32 $0x108;
	s8 =	sld [smem:$0x3FAE]  }
0x2e: {  	s3 =	simm.s32 @!p0 $0x1082;
	s9 =	sld [smem:$0x3FAF]  }
0x2f: {  	lr =	sadd.s32 s0, s3;
	s0 =	sld [smem:$0x3FA6]  }
0x30: {  	s3 =	sld [smem:$0x3FA9]  }
0x31: {  	[smem:$0x3FB2] =	sst s10  }
0x32: {  	s10 =	sld [smem:$0x3FB0];
	_ =	sdelay $0x3  }
0x33: {  	p0 =	seq.s32 s10, $0x1;
	s10 =	sld [smem:$0x3FB2];
	_ =	sdelay $0x3  }
0x34: {  	[smem:$0x3FB2] =	sst s10  }
0x35: {  	s10 =	sld [smem:$0x3FB1];
	_ =	sdelay $0x3  }
0x36: {  	p1 =	seq.s32 s10, $0x1;
	s10 =	sld [smem:$0x3FB2];
	_ =	sdelay $0x3  }
0x37: {  	[smem:$0x3FB2] =	sst s10  }
0x38: {  	s10 =	sld [smem:$0x3FB3]  }
0x39: {  	_ = 	snop;
	(pc) =	sbr.ind lr, $3  }
0x3a: {  	_ = 	snop  }
0x3b: {  	_ = 	snop  }
0x3c: {  	p2 =	seq.s32 s10, $0x1;
	s10 =	sld [smem:$0x3FB2]  }
0x3d: {  	_ =	shalt  }
0x3e: {  	_ =	shalt  }
0x3f: {  	_ =	shalt  }
0x40: {  	_ =	shalt  }
0x41: {  	_ =	shalt  }
0x42: {  	_ =	shalt  }
0x43: {  	_ =	shalt  }
0x44: {  	_ =	shalt  }
0x45: {  	_ =	shalt  }
0x46: {  	_ =	shalt  }
0x47: {  	_ =	shalt  }
0x48: {  	_ =	shalt  }
0x49: {  	_ =	shalt  }
0x4a: {  	_ =	shalt  }
0x4b: {  	_ =	shalt  }
0x4c: {  	_ =	shalt  }
0x4d: {  	_ =	shalt  }
0x4e: {  	_ =	shalt  }
0x4f: {  	_ =	shalt  }
0x50: {  	_ =	shalt  }
0x51: {  	_ =	shalt  }
0x52: {  	_ =	shalt  }
0x53: {  	_ =	shalt  }
0x54: {  	_ =	shalt  }
0x55: {  	_ =	shalt  }
0x56: {  	_ =	shalt  }
0x57: {  	_ =	shalt  }
0x58: {  	_ =	shalt  }
0x59: {  	_ =	shalt  }
0x5a: {  	_ =	shalt  }
0x5b: {  	_ =	shalt  }
0x5c: {  	_ =	shalt  }
0x5d: {  	_ =	shalt  }
0x5e: {  	_ =	shalt  }
0x5f: {  	_ =	shalt  }
0x60: {  	_ =	shalt  }
0x61: {  	_ =	shalt  }
0x62: {  	_ =	shalt  }
0x63: {  	_ =	shalt  }
0x64: {  	_ =	shalt  }
0x65: {  	_ =	shalt  }
0x66: {  	_ =	shalt  }
0x67: {  	_ =	shalt  }
0x68: {  	_ =	shalt  }
0x69: {  	_ =	shalt  }
0x6a: {  	_ =	shalt  }
0x6b: {  	_ =	shalt  }
0x6c: {  	_ =	shalt  }
0x6d: {  	_ =	shalt  }
0x6e: {  	_ =	shalt  }
0x6f: {  	_ =	shalt  }
0x70: {  	_ =	shalt  }
0x71: {  	_ =	shalt  }
0x72: {  	_ =	shalt  }
0x73: {  	_ =	shalt  }
0x74: {  	_ =	shalt  }
0x75: {  	_ =	shalt  }
0x76: {  	_ =	shalt  }
0x77: {  	_ =	shalt  }
0x78: {  	_ =	shalt  }
0x79: {  	_ =	shalt  }
0x7a: {  	_ =	shalt  }
0x7b: {  	_ =	shalt  }
0x7c: {  	_ =	shalt  }
0x7d: {  	_ =	shalt  }
0x7e: {  	_ =	shalt  }
0x7f: {  	_ =	shalt  }
0x80: {  	_ =	shalt  }
0x81: {  	_ =	shalt  }
0x82: {  	_ =	shalt  }
0x83: {  	_ =	shalt  }
0x84: {  	_ =	shalt  }
0x85: {  	_ =	shalt  }
0x86: {  	_ =	shalt  }
0x87: {  	_ =	shalt  }
.Lfunc_end0:
.L_simem_size_0:
called_computation.1_lowered:
.L_overlay_start_0:
0x88: {  	s2 =	sld [smem:$0x3FD9]  }
0x89: {  	s3 =	sld [smem:$0x3FFE];
	_ =	sdelay $0x1  }
0x8a: {  	s1 =	srdreg.scid  }
0x8b: {  	s0 =	sand.u32 $0x1, s1  }
0x8c: {  	s17 =	sshll.u32 s0, $0xA;
	s2 =	sadd.s32 s3, s2  }
0x8d: {  	s2 =	sadd.s32 s2, s17  }
0x8e: {  	[smem:$0x3FBE] =	sst s2  }
0x8f: {  	_ = 	snop  }
0x90: {  	s2 =	sld [smem:$0x3FD0];
	(tm) =	ssettm $0x1  }
0x91: {  	s18 =	sld [smem:$0x3FFB];
	_ =	sdelay $0x3  }
0x92: {  	_ =	strace s18  }
0x93: {  	s3 =	sld [smem:$0x3FFC];
	_ =	sdelay $0x3  }
0x94: {  	_ =	strace s3  }
0x95: {  	s3 =	sld [smem:$0x3FFD];
	_ =	sdelay $0x3  }
0x96: {  	_ =	strace s3  }
0x97: {  	_ =	strace $0x8FFFFFFF  }
0x98: {  	s19 =	sld [smem:$0x3FDB];
	_ =	sdelay $0x1  }
0x99: {  	s4 =	simm.s32 $_scs_section_size  }
0x9a: {  	s5 =	simm.s32 $_size__tile_overlayer_lowered;
	s6 =	simm.s32 $_tile_overlayer_lowered  }
0x9b: {  	s22 =	simm.s32 $0x1BFF;
	s21 =	sshll.u32 s6, $0x1;
	s3 =	sadd.s32 s4, s19  }
0x9c: {  	s7 =	simm.s32 $0x0;
	s20 =	sshll.u32 s5, $0x1;
	s5 =	sadd.s32 s21, s3  }
0x9d: {  	[timem:s7], [sflag:s22] =	dma.local [hbm:s5], s20  }
0x9e: {  	_ =	swait.ge [sflag:s22], s20  }
0x9f: {  	s4 =	ssub.s32 $0x0, s20;
	[sflag:s22] =	ssyncset.done $0x0  }
0xa0: {  	[sflag:s22] =	ssyncadd.s32 s4;
	_ =	sdelay $0x1  }
0xa1: {  	s23 =	simm.s32 $0x1B8B  }
0xa2: {  	_ =	swait.ge [sflag:s23], $0x1  }
0xa3: {  	[sflag:s23] =	ssyncset.done $0x0  }
0xa4: {  	s25 =	simm.s32 $0x1B8E;
	s24 =	sld [smem:$0x3FFE];
	[sflag:s23] =	ssyncadd.s32 $0xFFFFFFFF  }
0xa5: {  	s26 =	simm.s32 $execute0_lowered;
	[smem:$0x3FD2] =	sst s25  }
0xa6: {  	s5 =	sshll.u32 s26, $0x1;
	_ =	strace $0x80000049;
	[dreg:$0x1] =	wrdreg $0xFFFFFFFF  }
0xa7: {  	s28 =	simm.s32 $_size_execute0_lowered;
	s3 =	sadd.s32 s3, s5;
	[dreg:$0x0] =	wrdreg $0x0  }
0xa8: {  	s5 =	sshll.u32 s28, $0x1;
	[dreg:$0x2] =	wrdreg s3  }
0xa9: {  	[dreg:$0x3] =	wrdreg s5  }
0xaa: {  	[dreg:$0x4] =	wrdreg $0xC0  }
0xab: {  	_ =	task [dreg:s7], $0x5FFFF  }
0xac: {  	[dreg:$0x1] =	wrdreg $0xFFFFFFFF  }
0xad: {  	[dreg:$0x0] =	wrdreg $0x60  }
0xae: {  	[dreg:$0x2] =	wrdreg s24  }
0xaf: {  	[dreg:$0x3] =	wrdreg s2  }
0xb0: {  	[dreg:$0x4] =	wrdreg $0x84000  }
0xb1: {  	[dreg:$0x5] =	wrdreg $0x9  }
0xb2: {  	_ =	task.clear_ibuf [dreg:s7], $0x6FFFF;
	_ =	strace $0x90000049  }
0xb3: {  	s29 =	simm.s32 $0x9;
	_ =	strace $0x8000004B  }
0xb4: {  	_ =	swait.ge [sflag:s29], $0x1  }
0xb5: {  	[sflag:s29] =	ssyncadd.s32 $0xFFFFFFFF  }
0xb6: {  	_ =	strace $0x9000004B  }
0xb7: {  	_ =	sfence  }
0xb8: {  	s30 =	sld [smem:$0x0];
	_ =	sdelay $0x2  }
0xb9: {  	s31 =	sshll.u32 s1, $0xD;
	s1 =	sshrl.u32 s1, $0x2  }
0xba: {  	s3 =	sand.u32 $0x4000, s31;
	s1 =	sadd.s32 s1, s30  }
0xbb: {  	s0 =	sor.u32 s3, s0;
	s1 =	sshll.u32 s1, $0x11  }
0xbc: {  	s0 =	sor.u32 s1, s0  }
0xbd: {  	s0 =	sadd.s32 $0x8F2B, s0  }
0xbe: {  	[sflag:s0] =	ssyncadd.remote.s32 $0x1  }
0xbf: {  	_ =	sfence.sel $0xFFFF  }
0xc0: {  	[dreg:$0x0] =	wrdreg $0xFFFFFFFF;
	(pc) =	sbr.abs _section_cstart, $3  }
0xc1: {  	[dreg:$0x1] =	wrdreg $0xFFFFFFFF  }
0xc2: {  	_ =	task.clear_ibuf [dreg:s7], $0x2FFFF;
	_ =	strace $0x9FFFFFFF  }
0xc3: {  	(tm) =	ssettm $0x7FFFFFFF  }
tec
execute0_lowered:
.L_overlay_start_1:
0x0: {  	(tag) =	ssettag $0x1  }
0x1: {  	s2 =	rddreg [dreg:$0x0]  }
0x2: {  	s1 =	rddreg [dreg:$0x1]  }
0x3: {  	s3 =	rddreg [dreg:$0x2]  }
0x4: {  	s0 =	srdreg.scid;
	s18 =	stileid.u32  }
0x5: {  	s4 =	simm.s32 $0x0;
	s6 =	sand.u32 $0x1, s0;
	s0 =	smul.u32 $0x2780, s18  }
0x6: {  	s28 =	simm.s32 $0x6;
	s29 =	simm.s32 $0x4;
	s12 =	smul.u32 $0x4F000, s18  }
0x7: {  	s30 =	simm.s32 $0x8;
	[smem:$0x7FF] =	sst s4;
	s16 =	smul.u32 $0xFFFFFFB0, s18  }
0x8: {  	s14 =	sadd.s32 $0xC400, s2;
	s15 =	sadd.s32 $0x2600, s2;
	s7 =	smul.u32 $0x27800, s6  }
0x9: {  	s5 =	sshll.u32 s6, $0x4;
	_ =	strace $0x8000004A;
	s17 =	smul.u32 $0xFFFFFB00, s6  }
0xa: {  	s9 =	ssub.s32 $0x2, s6;
	s6 =	smul.u32 $0x500, s6;
	s5 =	sor.u32 s18, s5  }
0xb: {  	s11 =	sadd.s32 s0, s2;
	s21 =	sshrl.u32 s9, $0x1;
	s8 =	smul.u32 $0x50, s5  }
0xc: {  	s31 =	sshrl.u32 s12, $0x2;
	s10 =	smul.u32 $0x500, s5;
	s2 =	sadd.s32 s7, s2  }
0xd: {  	s13 =	ssub.s32 s9, s21;
	s16 =	sadd.s32 s17, s16;
	s11 =	sadd.s32 $0x16200, s11  }
0xe: {  	s17 =	simm.s32 $0x80;
	s16 =	sadd.s32 $0x9C4, s16;
	s2 =	sadd.s32 $0x3DA00, s2  }
0xf: {  	s13 =	smax.u32 s13, $0x1;
	s22 =	ssub.s32 $0x9C4, s8;
	s23 =	sadd.s32 s14, s10  }
0x10: {  	s24 =	sadd.s32 s15, s10;
	s25 =	sor.u32 $0x10, s10;
	[dreg:$0xc] =	wrdreg s23  }
0x11: {  	s8 =	smul.u32 $0x50, s18;
	s10 =	sadd.s32 s31, s3;
	[dreg:$0xd] =	wrdreg s24  }
0x12: {  	s18 =	sshll.u32 s18, $0x6;
	s31 =	simm.s32 $0x300;
	[dreg:$0x10] =	wrdreg s10  }
0x13: {  	s16 =	smin.u32 s16, $0x50;
	s26 =	sadd.s32 s14, s25;
	[dreg:$0xb] =	wrdreg s31  }
0x14: {  	s5 =	smin.u32 s22, $0x50;
	s9 =	sadd.s32 s15, s25;
	[dreg:$0xe] =	wrdreg s26  }
0x15: {  	s12 =	sor.u32 $0x1C09, s18;
	s16 =	sshll.u32 s16, $0x4;
	[dreg:$0xf] =	wrdreg s9  }
0x16: {  	s18 =	simm.s32 $0x280;
	s25 =	simm.s32 $0x100;
	[dreg:$0x4] =	wrdreg s16  }
0x17: {  	s6 =	sadd.s32 s8, s6;
	s16 =	simm.s32 $0x200;
	[dreg:$0x9] =	wrdreg s25  }
0x18: {  	s26 =	simm.s32 $0x180;
	s25 =	simm.s32 $0x3;
	s6 =	sshll.u32 s6, $0x4  }
0x19: {  	[dreg:$0xa] =	wrdreg s26;
	s26 =	simm.s32 $0x7;
	s19 =	sor.u32 $0x20, s6  }
0x1a: {  	s22 =	sor.u32 $0x40, s6;
	s20 =	sadd.s32 s19, s14;
	s21 =	sadd.s32 s19, s15  }
0x1b: {  	s23 =	sadd.s32 s22, s14;
	s14 =	sadd.s32 s6, s14;
	[dreg:$0x5] =	wrdreg s20  }
0x1c: {  	s24 =	sadd.s32 s22, s15;
	s15 =	sadd.s32 s6, s15;
	[dreg:$0x6] =	wrdreg s21  }
0x1d: {  	s19 =	simm.s32 $0x9;
	s22 =	simm.s32 $0x4400;
	[dreg:$0x7] =	wrdreg s23  }
0x1e: {  	[dreg:$0x8] =	wrdreg s24;
	s20 =	simm.s32 $0x1;
	s21 =	simm.s32 $0x400  }
0x1f: {  	s23 =	simm.s32 $0x5;
	s24 =	sadd.s32 s0, s2;
	s0 =	simm.s32 $0x0  }
.LBB2_1:
0x20: {  	s2 =	rddreg [dreg:$0xc]  }
0x21: {  	s7 =	rddreg [dreg:$0xd]  }
0x22: {  	[tilespmem:s4], [sflag:$0x1] =	stream.linear.gather [hbm4b:s2+s4], $0x80, $0x38;
	[tilespmem:$0x1C000] =	vst v63  }
0x23: {  	s8 =	rddreg [dreg:$0xe]  }
0x24: {  	[tilespmem:s16], [sflag:$0x1] =	stream.linear.gather [hbm4b:s7+s4], $0x80, $0x38;
	[tilespmem:$0x1C000] =	vst v63  }
0x25: {  	s10 =	rddreg [dreg:$0x10]  }
0x26: {  	[tilespmem:s17], [sflag:$0x2] =	stream.linear.gather [hbm4b:s8+s4], $0x80, $0x38;
	[tilespmem:$0x1C000] =	vst v63  }
0x27: {  	s9 =	rddreg [dreg:$0xf];
	s2 =	sshrl.u32 s10, $0x3  }
0x28: {  	[tilespmem:s18], [sflag:$0x2] =	stream.linear.gather [hbm4b:s9+s4], $0x80, $0x38;
	[tilespmem:$0x1C000] =	vst v63  }
0x29: {  	[spmem:s2], [sflag:s12] =	dma.local [hbm:s11], $0x2780  }
0x2a: {  	_ =	swait.ge [sflag:s19], $0x2780  }
0x2b: {  	[sflag:s19] =	ssyncset.done $0x0  }
0x2c: {  	[sflag:s19] =	ssyncadd.s32 $0xFFFFD880  }
0x2d: {  	s31 =	simm.s32 $0x5;
	s6 =	simm.s32 $0x0;
	[bflag:$0x0] =	sbarrier.arrive $0xFFFF  }
.LBB2_2:
0x2e: {  	_ =	swait.ge [sflag:s20], $0x80  }
0x2f: {  	[sflag:s20] =	ssyncset.done $0x0  }
0x30: {  	[sflag:s20] =	ssyncadd.s32 $0xFFFFFF80  }
0x31: {  	_ =	swait.ge [sflag:s20], $0x80  }
0x32: {  	p0 =	seq.s32 s6, $0x0;
	[sflag:s20] =	ssyncset.done $0x0  }
0x33: {  	s7 =	simm.s32 @!p0 $0x7;
	[sflag:s20] =	ssyncadd.s32 $0xFFFFFF80  }
0x34: {  	s8 =	sadd.s32 $0xFFFFFFFD, s31;
	_ =	swait.ge @!p0 [sflag:s7], $0x4000  }
0x35: {  	p1 =	sge.u32 s8, s5;
	[sflag:s7] =	ssyncset.done @!p0 $0x0  }
0x36: {  	s9 =	simm.s32 @!p1 $0x0;
	[sflag:s7] =	ssyncadd.s32 @!p0 $0xFFFFC000;
	s7 =	rddreg [dreg:$0x5]  }
0x37: {  	[tilespmem:s21], [sflag:$0x5] =	stream.indirect.gather [hbm4b:s1+s17], $0x80, s4, s17, $0xb8;
	[tilespmem:$0x1C000] =	vst v63  }
0x38: {  	s10 =	simm.s32 @!p1 $0x100;
	s8 =	rddreg [dreg:$0x6];
	s7 =	sadd.s32 @!p1 s6, s7  }
0x39: {  	[tilespmem:s10], [sflag:$0x3] =	stream.linear.gather @!p1 [hbm4b:s7+s9], $0x80, $0x38;
	[tilespmem:$0x1C000] =	vst v63  }
0x3a: {  	s7 =	sadd.s32 @!p1 s6, s8;
	s8 =	simm.s32 @!p1 $0x300  }
0x3b: {  	[tilespmem:s8], [sflag:$0x3] =	stream.linear.gather @!p1 [hbm4b:s7+s9], $0x80, $0x38;
	[tilespmem:$0x1C000] =	vst v63  }
0x3c: {  	s7 =	simm.s32 @p0 $0x2  }
0x3d: {  	_ =	swait.ge @p0 [sflag:s7], $0x80  }
0x3e: {  	[sflag:s7] =	ssyncset.done @p0 $0x0  }
0x3f: {  	[sflag:s7] =	ssyncadd.s32 @p0 $0xFFFFFF80  }
0x40: {  	_ =	swait.ge @p0 [sflag:s7], $0x80  }
0x41: {  	[sflag:s7] =	ssyncset.done @p0 $0x0  }
0x42: {  	[sflag:s7] =	ssyncadd.s32 @p0 $0xFFFFFF80;
	s7 =	simm.s32 @!p0 $0x6  }
0x43: {  	_ =	swait.ge @!p0 [sflag:s7], $0x4000  }
0x44: {  	s8 =	simm.s32 @!p0 $0x380;
	[sflag:s7] =	ssyncset.done @!p0 $0x0  }
0x45: {  	s9 =	simm.s32 @!p0 $0x4400;
	[sflag:s7] =	ssyncadd.s32 @!p0 $0xFFFFC000;
	s7 =	simm.s32 @!p0 $0x80  }
0x46: {  	[spmem:s3] =	stream.indirect.scatter.add.f32 @!p0 [tilespmem:s9], [sflag:$0x8], $0x80, s8, s7, $0xb8;
	[tilespmem:$0x1C000] =	vst v63  }
0x47: {  	s7 =	simm.s32 @!p0 $0x2  }
0x48: {  	_ =	swait.ge @!p0 [sflag:s7], $0x80  }
0x49: {  	[sflag:s7] =	ssyncset.done @!p0 $0x0  }
0x4a: {  	[sflag:s7] =	ssyncadd.s32 @!p0 $0xFFFFFF80  }
0x4b: {  	_ =	swait.ge @!p0 [sflag:s7], $0x80  }
0x4c: {  	[sflag:s7] =	ssyncset.done @!p0 $0x0  }
0x4d: {  	[sflag:s7] =	ssyncadd.s32 @!p0 $0xFFFFFF80;
	s7 =	simm.s32 @!p0 $0x8  }
0x4e: {  	_ =	swait.ge @!p0 [sflag:s7], $0x4000  }
0x4f: {  	s8 =	sadd.s32 $0xFFFFFFFE, s31;
	[sflag:s7] =	ssyncset.done @!p0 $0x0  }
0x50: {  	[sflag:s7] =	ssyncadd.s32 @!p0 $0xFFFFC000;
	p0 =	sge.u32 s8, s5  }
0x51: {  	[tilespmem:s22], [sflag:$0x6] =	stream.indirect.gather [hbm4b:s1+s17], $0x80, s17, s17, $0xb8;
	[tilespmem:$0x1C000] =	vst v63  }
0x52: {  	s7 =	sadd.s32 @!p0 s6, s14  }
0x53: {  	s8 =	simm.s32 @!p0 $0x0;
	s9 =	simm.s32 @!p0 $0x180;
	s7 =	sadd.s32 @!p0 $0x30, s7  }
0x54: {  	[tilespmem:s9], [sflag:$0x4] =	stream.linear.gather @!p0 [hbm4b:s7+s8], $0x80, $0x38;
	[tilespmem:$0x1C000] =	vst v63  }
0x55: {  	s7 =	sadd.s32 @!p0 s6, s15  }
0x56: {  	s9 =	simm.s32 @!p0 $0x380;
	s7 =	sadd.s32 @!p0 $0x30, s7  }
0x57: {  	[tilespmem:s9], [sflag:$0x4] =	stream.linear.gather @!p0 [hbm4b:s7+s8], $0x80, $0x38;
	[tilespmem:$0x1C000] =	vst v63  }
0x58: {  	_ =	swait.ge [sflag:s23], $0x4000  }
0x59: {  	[sflag:s23] =	ssyncset.done $0x0  }
0x5a: {  	[sflag:s23] =	ssyncadd.s32 $0xFFFFC000  }
0x5b: {  	[spmem:s3] =	stream.indirect.scatter.add.f32 [tilespmem:s21], [sflag:$0x7], $0x80, s16, s17, $0xb8;
	[tilespmem:$0x1C000] =	vst v63  }
0x5c: {  	_ =	swait.ge [sflag:s25], $0x80  }
0x5d: {  	[sflag:s25] =	ssyncset.done $0x0  }
0x5e: {  	[sflag:s25] =	ssyncadd.s32 $0xFFFFFF80  }
0x5f: {  	_ =	swait.ge [sflag:s25], $0x80  }
0x60: {  	[sflag:s25] =	ssyncset.done $0x0  }
0x61: {  	[sflag:s25] =	ssyncadd.s32 $0xFFFFFF80  }
0x62: {  	_ =	swait.ge [sflag:s26], $0x4000  }
0x63: {  	s10 =	sadd.s32 $0xFFFFFFFF, s31;
	s9 =	rddreg [dreg:$0x9];
	[sflag:s26] =	ssyncset.done $0x0  }
0x64: {  	p0 =	sge.u32 s10, s5;
	s7 =	rddreg [dreg:$0x7];
	[sflag:s26] =	ssyncadd.s32 $0xFFFFC000  }
0x65: {  	[tilespmem:s21], [sflag:$0x5] =	stream.indirect.gather [hbm4b:s1+s17], $0x80, s9, s17, $0xb8;
	[tilespmem:$0x1C000] =	vst v63  }
0x66: {  	s8 =	rddreg [dreg:$0x8];
	s7 =	sadd.s32 @!p0 s6, s7;
	s9 =	simm.s32 @!p0 $0x0  }
0x67: {  	[tilespmem:s9], [sflag:$0x1] =	stream.linear.gather @!p0 [hbm4b:s7+s9], $0x80, $0x38;
	[tilespmem:$0x1C000] =	vst v63  }
0x68: {  	s7 =	sadd.s32 @!p0 s6, s8;
	s8 =	simm.s32 @!p0 $0x200  }
0x69: {  	[tilespmem:s8], [sflag:$0x1] =	stream.linear.gather @!p0 [hbm4b:s7+s9], $0x80, $0x38;
	[tilespmem:$0x1C000] =	vst v63  }
0x6a: {  	_ =	swait.ge [sflag:s28], $0x4000  }
0x6b: {  	[sflag:s28] =	ssyncset.done $0x0  }
0x6c: {  	[sflag:s28] =	ssyncadd.s32 $0xFFFFC000  }
0x6d: {  	[spmem:s3] =	stream.indirect.scatter.add.f32 [tilespmem:s22], [sflag:$0x8], $0x80, s18, s17, $0xb8;
	[tilespmem:$0x1C000] =	vst v63  }
0x6e: {  	_ =	swait.ge [sflag:s29], $0x80  }
0x6f: {  	[sflag:s29] =	ssyncset.done $0x0  }
0x70: {  	[sflag:s29] =	ssyncadd.s32 $0xFFFFFF80  }
0x71: {  	_ =	swait.ge [sflag:s29], $0x80  }
0x72: {  	[sflag:s29] =	ssyncset.done $0x0  }
0x73: {  	[sflag:s29] =	ssyncadd.s32 $0xFFFFFF80  }
0x74: {  	_ =	swait.ge [sflag:s30], $0x4000  }
0x75: {  	p0 =	sge.u32 s31, s5;
	[sflag:s30] =	ssyncset.done $0x0  }
0x76: {  	s7 =	sadd.s32 @!p0 s6, s14;
	s8 =	rddreg [dreg:$0xa];
	[sflag:s30] =	ssyncadd.s32 $0xFFFFC000  }
0x77: {  	[tilespmem:s22], [sflag:$0x6] =	stream.indirect.gather [hbm4b:s1+s17], $0x80, s8, s17, $0xb8;
	[tilespmem:$0x1C000] =	vst v63  }
0x78: {  	s9 =	simm.s32 @!p0 $0x80;
	s7 =	sadd.s32 @!p0 $0x50, s7;
	s8 =	simm.s32 @!p0 $0x0  }
0x79: {  	[tilespmem:s9], [sflag:$0x2] =	stream.linear.gather @!p0 [hbm4b:s7+s8], $0x80, $0x38;
	[tilespmem:$0x1C000] =	vst v63  }
0x7a: {  	s7 =	sadd.s32 @!p0 s6, s15  }
0x7b: {  	s9 =	simm.s32 @!p0 $0x280;
	s7 =	sadd.s32 @!p0 $0x50, s7  }
0x7c: {  	[tilespmem:s9], [sflag:$0x2] =	stream.linear.gather @!p0 [hbm4b:s7+s8], $0x80, $0x38;
	[tilespmem:$0x1C000] =	vst v63  }
0x7d: {  	_ =	swait.ge [sflag:s23], $0x4000  }
0x7e: {  	s6 =	sadd.s32 $0x40, s6;
	s10 =	rddreg [dreg:$0x4]  }
0x7f: {  	p0 =	sne.s32 s10, s6  }
.Ltmp0:
0x80: {  	_ = 	snop;
	(pc) =	sbr.rel @p0 .LBB2_2-.Ltmp0, $4  }
0x81: {  	_ = 	snop  }
0x82: {  	[sflag:s23] =	ssyncset.done $0x0  }
0x83: {  	s31 =	sadd.s32 $0x4, s31;
	s9 =	rddreg [dreg:$0xb];
	[sflag:s23] =	ssyncadd.s32 $0xFFFFC000  }
0x84: {  	[spmem:s3] =	stream.indirect.scatter.add.f32 [tilespmem:s21], [sflag:$0x7], $0x80, s9, s17, $0xb8;
	[tilespmem:$0x1C000] =	vst v63  }
0x85: {  	_ =	swait.ge [sflag:s28], $0x4000  }
0x86: {  	[sflag:s28] =	ssyncset.done $0x0  }
0x87: {  	s6 =	simm.s32 $0x380;
	[sflag:s28] =	ssyncadd.s32 $0xFFFFC000  }
0x88: {  	[spmem:s3] =	stream.indirect.scatter.add.f32 [tilespmem:s22], [sflag:$0x8], $0x80, s6, s17, $0xb8;
	[tilespmem:$0x1C000] =	vst v63  }
0x89: {  	_ =	swait.ge [sflag:s26], $0x4000  }
0x8a: {  	[sflag:s26] =	ssyncset.done $0x0  }
0x8b: {  	[sflag:s26] =	ssyncadd.s32 $0xFFFFC000  }
0x8c: {  	_ =	swait.ge [sflag:s30], $0x4000  }
0x8d: {  	s0 =	sadd.s32 $0x1, s0;
	[sflag:s30] =	ssyncset.done $0x0  }
0x8e: {  	p0 =	sne.s32 s0, s13;
	[sflag:s30] =	ssyncadd.s32 $0xFFFFC000  }
.Ltmp1:
0x8f: {  	[bflag:$0x0] =	sbarrier.arrive $0xFFFF;
	(pc) =	sbr.rel @p0 .LBB2_1-.Ltmp1, $4  }
0x90: {  	[hbm:s24], [sflag:s12] =	dma.local [spmem:s2], $0x2780  }
0x91: {  	_ =	swait.ge [sflag:s19], $0x2780  }
0x92: {  	[sflag:s19] =	ssyncset.done $0x0  }
0x93: {  	[sflag:s19] =	ssyncadd.s32 $0xFFFFD880  }
0x94: {  	_ =	sfence.sel $0x180000  }
0x95: {  	[bflag:$0x0] =	sbarrier.arrive $0xFFFF  }
0x96: {  	_ =	strace $0x9000004A  }
0x97: {  	s0 =	stileid.u32;
	[bflag:$0x2] =	sbarrier.arrive $0xFFFF  }
0x98: {  	p0 =	sne.s32 s0, $0x0;
	s0 =	rddreg [dreg:$0x3]  }
0x99: {  	s0 =	sadd.s32 @!p0 $0x100000, s0  }
0x9a: {  	[sflag:s0] =	ssyncadd.tile.s32 @!p0 $0x1;
	_ =	shalt  }
.Lfunc_end2:
_tile_overlayer_lowered:
.L_overlay_start_2:
0x9b: {  	(tag) =	ssettag $0x2  }
0x9c: {  	s0 =	rddreg [dreg:$0x0];
	s2 =	stileid.u32  }
0x9d: {  	s1 =	rddreg [dreg:$0x1];
	p0 =	sne.s32 s2, $0x0  }
0x9e: {  	s3 =	rddreg [dreg:$0x2];
	[bflag:$0x3] =	sbarrier.arrive $0xFFFF;
	s2 =	simm.s32 @!p0 $0x1C09  }
0x9f: {  	[timem:s3], [sflag:s2] =	dma.local @!p0 [hbm:s0], s1  }
0xa0: {  	s0 =	simm.s32 @!p0 $0x9  }
0xa1: {  	_ =	swait.ge @!p0 [sflag:s0], s1  }
0xa2: {  	s1 =	ssub.s32 @!p0 $0x0, s1;
	[sflag:s0] =	ssyncset.done @!p0 $0x0  }
0xa3: {  	[sflag:s0] =	ssyncadd.s32 @!p0 s1  }
0xa4: {  	[bflag:$0x3] =	sbarrier.arrive $0xFFFF  }
0xa5: {  	_ =	shalt  }

// kernel: kernel.14.cloned.1.call-start
scs
__scs_entry_jumppad:
0x0: {  	(pc) =	sbr.rel $0x88, $3  }
0x1: {  	(tag) =	ssettag $0x0;
	lr =	simm.s32 $0x1  }
0x2: {  	[smem:$0x3F97] =	sst lr;
	_ =	strace $0xD0000000  }
0x3: {  	_ = 	snop  }
0x4: {  	_ = 	snop  }
0x5: {  	_ = 	snop  }
0x6: {  	_ = 	snop  }
0x7: {  	_ = 	snop  }
__scs_overlays_trampoline_lowered:
0x8: {  	[smem:$0x3FA6] =	sst s0  }
0x9: {  	[smem:$0x3FA7] =	sst s1  }
0xa: {  	[smem:$0x3FA8] =	sst s2  }
0xb: {  	[smem:$0x3FA9] =	sst s3  }
0xc: {  	[smem:$0x3FAA] =	sst s4  }
0xd: {  	[smem:$0x3FAB] =	sst s5  }
0xe: {  	[smem:$0x3FAC] =	sst s6  }
0xf: {  	[smem:$0x3FAD] =	sst s7  }
0x10: {  	[smem:$0x3FAE] =	sst s8  }
0x11: {  	[smem:$0x3FAF] =	sst s9;
	s0 =	simm.s32 @!p0 $0x0  }
0x12: {  	s1 =	sld [smem:$0x3F95];
	s0 =	simm.s32 @p0 $0x1  }
0x13: {  	[smem:$0x3FB0] =	sst s0;
	s0 =	simm.s32 @!p1 $0x0  }
0x14: {  	s2 =	sld [smem:$0x3F94];
	s0 =	simm.s32 @p1 $0x1  }
0x15: {  	[smem:$0x3FB1] =	sst s0;
	s0 =	simm.s32 @!p2 $0x0  }
0x16: {  	s3 =	sld [smem:$0x3FDB];
	s0 =	simm.s32 @p2 $0x1  }
0x17: {  	s4 =	simm.s32 $0x1BF5;
	[smem:$0x3FB3] =	sst s0  }
0x18: {  	s0 =	sld [smem:$0x3F96];
	_ =	swait.ge [sflag:s4], $0x0  }
0x19: {  	s7 =	sld [smem:$0x3F97]  }
0x1a: {  	s8 =	sadd.s32 $0xFFFFE003, lr  }
0x1b: {  	s9 =	sadd.s32 $0xFFFFFEF7, lr;
	s5 =	simm.s32 $0xFFFFFFFF;
	p2 =	slt.u32 s8, $0xFFFFF086  }
0x1c: {  	p1 =	slt.u32 s9, $0xF7A;
	s5 =	simm.s32 @!p2 $0x0  }
0x1d: {  	s5 =	simm.s32 @p1 $0x1;
	p0 =	seq.s32 s7, s2  }
0x1e: {  	s7 =	smul.u32 @!p0 $0xF7A, s2;
	p2 =	seq.s32 @!p0 s5, $0x0  }
0x1f: {  	s9 =	smul.u32 $0xF7A, s1;
	s8 =	simm.s32 @!p0 $0x1BF5;
	p2 =	por !p2, p0  }
0x20: {  	[sflag:s8] =	ssyncset.s32 @!p0 $0xFFFFF086;
	s6 =	sadd.s32 @!p0 s3, s7;
	s7 =	simm.s32 @!p0 $0x108  }
0x21: {  	s3 =	sadd.s32 s3, s9;
	s6 =	sadd.s32 @!p0 $0x88, s6;
	s7 =	simm.s32 @p2 $0x1082  }
0x22: {  	[simem:s7], [sflag:s8] =	dma.local @!p0 [hbm:s6], $0xF7A  }
0x23: {  	s9 =	sor.u32 $0xD0000000, s2;
	s6 =	simm.s32 $0x108;
	_ =	swait.ge @!p0 [sflag:s8], $0x0  }
0x24: {  	s3 =	sadd.s32 $0x88, s3;
	s6 =	simm.s32 @!p1 $0x1082;
	[sflag:s4] =	ssyncset.s32 $0xFFFFF086  }
0x25: {  	[simem:s6], [sflag:s4] =	dma.local [hbm:s3], $0xF7A  }
0x26: {  	[smem:$0x3F97] =	sst s1;
	(tag) =	ssettag s2;
	_ =	strace s9  }
0x27: {  	s1 =	sld [smem:$0x3FA7]  }
0x28: {  	s2 =	sld [smem:$0x3FA8]  }
0x29: {  	s4 =	sld [smem:$0x3FAA]  }
0x2a: {  	p0 =	seq.s32 s5, $0x0;
	s5 =	sld [smem:$0x3FAB]  }
0x2b: {  	s6 =	sld [smem:$0x3FAC]  }
0x2c: {  	s7 =	sld [smem:$0x3FAD]  }
0x2d: {  	s3 =	simm.s32 $0x108;
	s8 =	sld [smem:$0x3FAE]  }
0x2e: {  	s3 =	simm.s32 @!p0 $0x1082;
	s9 =	sld [smem:$0x3FAF]  }
0x2f: {  	lr =	sadd.s32 s0, s3;
	s0 =	sld [smem:$0x3FA6]  }
0x30: {  	s3 =	sld [smem:$0x3FA9]  }
0x31: {  	[smem:$0x3FB2] =	sst s10  }
0x32: {  	s10 =	sld [smem:$0x3FB0];
	_ =	sdelay $0x3  }
0x33: {  	p0 =	seq.s32 s10, $0x1;
	s10 =	sld [smem:$0x3FB2];
	_ =	sdelay $0x3  }
0x34: {  	[smem:$0x3FB2] =	sst s10  }
0x35: {  	s10 =	sld [smem:$0x3FB1];
	_ =	sdelay $0x3  }
0x36: {  	p1 =	seq.s32 s10, $0x1;
	s10 =	sld [smem:$0x3FB2];
	_ =	sdelay $0x3  }
0x37: {  	[smem:$0x3FB2] =	sst s10  }
0x38: {  	s10 =	sld [smem:$0x3FB3]  }
0x39: {  	_ = 	snop;
	(pc) =	sbr.ind lr, $3  }
0x3a: {  	_ = 	snop  }
0x3b: {  	_ = 	snop  }
0x3c: {  	p2 =	seq.s32 s10, $0x1;
	s10 =	sld [smem:$0x3FB2]  }
0x3d: {  	_ =	shalt  }
0x3e: {  	_ =	shalt  }
0x3f: {  	_ =	shalt  }
0x40: {  	_ =	shalt  }
0x41: {  	_ =	shalt  }
0x42: {  	_ =	shalt  }
0x43: {  	_ =	shalt  }
0x44: {  	_ =	shalt  }
0x45: {  	_ =	shalt  }
0x46: {  	_ =	shalt  }
0x47: {  	_ =	shalt  }
0x48: {  	_ =	shalt  }
0x49: {  	_ =	shalt  }
0x4a: {  	_ =	shalt  }
0x4b: {  	_ =	shalt  }
0x4c: {  	_ =	shalt  }
0x4d: {  	_ =	shalt  }
0x4e: {  	_ =	shalt  }
0x4f: {  	_ =	shalt  }
0x50: {  	_ =	shalt  }
0x51: {  	_ =	shalt  }
0x52: {  	_ =	shalt  }
0x53: {  	_ =	shalt  }
0x54: {  	_ =	shalt  }
0x55: {  	_ =	shalt  }
0x56: {  	_ =	shalt  }
0x57: {  	_ =	shalt  }
0x58: {  	_ =	shalt  }
0x59: {  	_ =	shalt  }
0x5a: {  	_ =	shalt  }
0x5b: {  	_ =	shalt  }
0x5c: {  	_ =	shalt  }
0x5d: {  	_ =	shalt  }
0x5e: {  	_ =	shalt  }
0x5f: {  	_ =	shalt  }
0x60: {  	_ =	shalt  }
0x61: {  	_ =	shalt  }
0x62: {  	_ =	shalt  }
0x63: {  	_ =	shalt  }
0x64: {  	_ =	shalt  }
0x65: {  	_ =	shalt  }
0x66: {  	_ =	shalt  }
0x67: {  	_ =	shalt  }
0x68: {  	_ =	shalt  }
0x69: {  	_ =	shalt  }
0x6a: {  	_ =	shalt  }
0x6b: {  	_ =	shalt  }
0x6c: {  	_ =	shalt  }
0x6d: {  	_ =	shalt  }
0x6e: {  	_ =	shalt  }
0x6f: {  	_ =	shalt  }
0x70: {  	_ =	shalt  }
0x71: {  	_ =	shalt  }
0x72: {  	_ =	shalt  }
0x73: {  	_ =	shalt  }
0x74: {  	_ =	shalt  }
0x75: {  	_ =	shalt  }
0x76: {  	_ =	shalt  }
0x77: {  	_ =	shalt  }
0x78: {  	_ =	shalt  }
0x79: {  	_ =	shalt  }
0x7a: {  	_ =	shalt  }
0x7b: {  	_ =	shalt  }
0x7c: {  	_ =	shalt  }
0x7d: {  	_ =	shalt  }
0x7e: {  	_ =	shalt  }
0x7f: {  	_ =	shalt  }
0x80: {  	_ =	shalt  }
0x81: {  	_ =	shalt  }
0x82: {  	_ =	shalt  }
0x83: {  	_ =	shalt  }
0x84: {  	_ =	shalt  }
0x85: {  	_ =	shalt  }
0x86: {  	_ =	shalt  }
0x87: {  	_ =	shalt  }
.Lfunc_end0:
.L_simem_size_0:
called_computation.2_lowered:
.L_overlay_start_0:
0x88: {  	s2 =	sld [smem:$0x3FD9]  }
0x89: {  	s3 =	sld [smem:$0x3FFE];
	_ =	sdelay $0x1  }
0x8a: {  	s1 =	srdreg.scid  }
0x8b: {  	s0 =	sand.u32 $0x1, s1  }
0x8c: {  	s17 =	sshll.u32 s0, $0xA;
	s2 =	sadd.s32 s3, s2  }
0x8d: {  	s2 =	sadd.s32 s2, s17  }
0x8e: {  	[smem:$0x3FBE] =	sst s2  }
0x8f: {  	_ = 	snop  }
0x90: {  	s2 =	sld [smem:$0x3FD0];
	(tm) =	ssettm $0x1  }
0x91: {  	s18 =	sld [smem:$0x3FFB];
	_ =	sdelay $0x3  }
0x92: {  	_ =	strace s18  }
0x93: {  	s3 =	sld [smem:$0x3FFC];
	_ =	sdelay $0x3  }
0x94: {  	_ =	strace s3  }
0x95: {  	s3 =	sld [smem:$0x3FFD];
	_ =	sdelay $0x3  }
0x96: {  	_ =	strace s3  }
0x97: {  	_ =	strace $0x8FFFFFFF  }
0x98: {  	s19 =	sld [smem:$0x3FDB];
	_ =	sdelay $0x1  }
0x99: {  	s4 =	simm.s32 $_scs_section_size  }
0x9a: {  	s5 =	simm.s32 $_size__tile_overlayer_lowered;
	s6 =	simm.s32 $_tile_overlayer_lowered  }
0x9b: {  	s22 =	simm.s32 $0x1BFF;
	s21 =	sshll.u32 s6, $0x1;
	s3 =	sadd.s32 s4, s19  }
0x9c: {  	s7 =	simm.s32 $0x0;
	s20 =	sshll.u32 s5, $0x1;
	s5 =	sadd.s32 s21, s3  }
0x9d: {  	[timem:s7], [sflag:s22] =	dma.local [hbm:s5], s20  }
0x9e: {  	_ =	swait.ge [sflag:s22], s20  }
0x9f: {  	s4 =	ssub.s32 $0x0, s20;
	[sflag:s22] =	ssyncset.done $0x0  }
0xa0: {  	[sflag:s22] =	ssyncadd.s32 s4;
	_ =	sdelay $0x1  }
0xa1: {  	s23 =	simm.s32 $0x1B8B  }
0xa2: {  	_ =	swait.ge [sflag:s23], $0x1  }
0xa3: {  	[sflag:s23] =	ssyncset.done $0x0  }
0xa4: {  	s25 =	simm.s32 $0x1B8E;
	s24 =	sld [smem:$0x3FFE];
	[sflag:s23] =	ssyncadd.s32 $0xFFFFFFFF  }
0xa5: {  	s26 =	simm.s32 $execute0_lowered;
	[smem:$0x3FD2] =	sst s25  }
0xa6: {  	s5 =	sshll.u32 s26, $0x1;
	_ =	strace $0x8000004C;
	[dreg:$0x1] =	wrdreg $0xFFFFFFFF  }
0xa7: {  	s28 =	simm.s32 $_size_execute0_lowered;
	s3 =	sadd.s32 s3, s5;
	[dreg:$0x0] =	wrdreg $0x0  }
0xa8: {  	s5 =	sshll.u32 s28, $0x1;
	[dreg:$0x2] =	wrdreg s3  }
0xa9: {  	[dreg:$0x3] =	wrdreg s5  }
0xaa: {  	[dreg:$0x4] =	wrdreg $0xC0  }
0xab: {  	_ =	task [dreg:s7], $0x5FFFF  }
0xac: {  	[dreg:$0x1] =	wrdreg $0xFFFFFFFF  }
0xad: {  	[dreg:$0x0] =	wrdreg $0x60  }
0xae: {  	[dreg:$0x2] =	wrdreg s24  }
0xaf: {  	[dreg:$0x3] =	wrdreg s2  }
0xb0: {  	[dreg:$0x4] =	wrdreg $0x84000  }
0xb1: {  	[dreg:$0x5] =	wrdreg $0x9  }
0xb2: {  	_ =	task.clear_ibuf [dreg:s7], $0x6FFFF;
	_ =	strace $0x9000004C  }
0xb3: {  	s29 =	simm.s32 $0x9;
	_ =	strace $0x8000004E  }
0xb4: {  	_ =	swait.ge [sflag:s29], $0x1  }
0xb5: {  	[sflag:s29] =	ssyncadd.s32 $0xFFFFFFFF  }
0xb6: {  	_ =	strace $0x9000004E  }
0xb7: {  	_ =	sfence  }
0xb8: {  	s30 =	sld [smem:$0x0];
	_ =	sdelay $0x2  }
0xb9: {  	s31 =	sshll.u32 s1, $0xD;
	s1 =	sshrl.u32 s1, $0x2  }
0xba: {  	s3 =	sand.u32 $0x4000, s31;
	s1 =	sadd.s32 s1, s30  }
0xbb: {  	s0 =	sor.u32 s3, s0;
	s1 =	sshll.u32 s1, $0x11  }
0xbc: {  	s0 =	sor.u32 s1, s0  }
0xbd: {  	s0 =	sadd.s32 $0x8F2B, s0  }
0xbe: {  	[sflag:s0] =	ssyncadd.remote.s32 $0x1  }
0xbf: {  	_ =	sfence.sel $0xFFFF  }
0xc0: {  	[dreg:$0x0] =	wrdreg $0xFFFFFFFF;
	(pc) =	sbr.abs _section_cstart, $3  }
0xc1: {  	[dreg:$0x1] =	wrdreg $0xFFFFFFFF  }
0xc2: {  	_ =	task.clear_ibuf [dreg:s7], $0x2FFFF;
	_ =	strace $0x9FFFFFFF  }
0xc3: {  	(tm) =	ssettm $0x7FFFFFFF  }
tec
execute0_lowered:
.L_overlay_start_1:
0x0: {  	(tag) =	ssettag $0x1  }
0x1: {  	s2 =	rddreg [dreg:$0x0]  }
0x2: {  	s1 =	rddreg [dreg:$0x1]  }
0x3: {  	s3 =	rddreg [dreg:$0x2]  }
0x4: {  	s0 =	srdreg.scid;
	s18 =	stileid.u32  }
0x5: {  	s4 =	simm.s32 $0x0;
	s6 =	sand.u32 $0x1, s0;
	s0 =	smul.u32 $0x2780, s18  }
0x6: {  	s28 =	simm.s32 $0x6;
	s29 =	simm.s32 $0x4;
	s12 =	smul.u32 $0x4F000, s18  }
0x7: {  	s30 =	simm.s32 $0x8;
	[smem:$0x7FF] =	sst s4;
	s16 =	smul.u32 $0xFFFFFFB0, s18  }
0x8: {  	s14 =	sadd.s32 $0xC400, s2;
	s15 =	sadd.s32 $0x2600, s2;
	s7 =	smul.u32 $0x27800, s6  }
0x9: {  	s5 =	sshll.u32 s6, $0x4;
	_ =	strace $0x8000004D;
	s17 =	smul.u32 $0xFFFFFB00, s6  }
0xa: {  	s9 =	ssub.s32 $0x2, s6;
	s6 =	smul.u32 $0x500, s6;
	s5 =	sor.u32 s18, s5  }
0xb: {  	s11 =	sadd.s32 s0, s2;
	s21 =	sshrl.u32 s9, $0x1;
	s8 =	smul.u32 $0x50, s5  }
0xc: {  	s31 =	sshrl.u32 s12, $0x2;
	s10 =	smul.u32 $0x500, s5;
	s2 =	sadd.s32 s7, s2  }
0xd: {  	s13 =	ssub.s32 s9, s21;
	s16 =	sadd.s32 s17, s16;
	s11 =	sadd.s32 $0x16200, s11  }
0xe: {  	s17 =	simm.s32 $0x80;
	s16 =	sadd.s32 $0x9C4, s16;
	s2 =	sadd.s32 $0x3DA00, s2  }
0xf: {  	s13 =	smax.u32 s13, $0x1;
	s22 =	ssub.s32 $0x9C4, s8;
	s23 =	sadd.s32 s14, s10  }
0x10: {  	s24 =	sadd.s32 s15, s10;
	s25 =	sor.u32 $0x10, s10;
	[dreg:$0xc] =	wrdreg s23  }
0x11: {  	s8 =	smul.u32 $0x50, s18;
	s10 =	sadd.s32 s31, s3;
	[dreg:$0xd] =	wrdreg s24  }
0x12: {  	s18 =	sshll.u32 s18, $0x6;
	s31 =	simm.s32 $0x300;
	[dreg:$0x10] =	wrdreg s10  }
0x13: {  	s16 =	smin.u32 s16, $0x50;
	s26 =	sadd.s32 s14, s25;
	[dreg:$0xb] =	wrdreg s31  }
0x14: {  	s5 =	smin.u32 s22, $0x50;
	s9 =	sadd.s32 s15, s25;
	[dreg:$0xe] =	wrdreg s26  }
0x15: {  	s12 =	sor.u32 $0x1C09, s18;
	s16 =	sshll.u32 s16, $0x4;
	[dreg:$0xf] =	wrdreg s9  }
0x16: {  	s18 =	simm.s32 $0x280;
	s25 =	simm.s32 $0x100;
	[dreg:$0x4] =	wrdreg s16  }
0x17: {  	s6 =	sadd.s32 s8, s6;
	s16 =	simm.s32 $0x200;
	[dreg:$0x9] =	wrdreg s25  }
0x18: {  	s26 =	simm.s32 $0x180;
	s25 =	simm.s32 $0x3;
	s6 =	sshll.u32 s6, $0x4  }
0x19: {  	[dreg:$0xa] =	wrdreg s26;
	s26 =	simm.s32 $0x7;
	s19 =	sor.u32 $0x20, s6  }
0x1a: {  	s22 =	sor.u32 $0x40, s6;
	s20 =	sadd.s32 s19, s14;
	s21 =	sadd.s32 s19, s15  }
0x1b: {  	s23 =	sadd.s32 s22, s14;
	s14 =	sadd.s32 s6, s14;
	[dreg:$0x5] =	wrdreg s20  }
0x1c: {  	s24 =	sadd.s32 s22, s15;
	s15 =	sadd.s32 s6, s15;
	[dreg:$0x6] =	wrdreg s21  }
0x1d: {  	s19 =	simm.s32 $0x9;
	s22 =	simm.s32 $0x4400;
	[dreg:$0x7] =	wrdreg s23  }
0x1e: {  	[dreg:$0x8] =	wrdreg s24;
	s20 =	simm.s32 $0x1;
	s21 =	simm.s32 $0x400  }
0x1f: {  	s23 =	simm.s32 $0x5;
	s24 =	sadd.s32 s0, s2;
	s0 =	simm.s32 $0x0  }
.LBB2_1:
0x20: {  	s2 =	rddreg [dreg:$0xc]  }
0x21: {  	s7 =	rddreg [dreg:$0xd]  }
0x22: {  	[tilespmem:s4], [sflag:$0x1] =	stream.linear.gather [hbm4b:s2+s4], $0x80, $0x38;
	[tilespmem:$0x1C000] =	vst v63  }
0x23: {  	s8 =	rddreg [dreg:$0xe]  }
0x24: {  	[tilespmem:s16], [sflag:$0x1] =	stream.linear.gather [hbm4b:s7+s4], $0x80, $0x38;
	[tilespmem:$0x1C000] =	vst v63  }
0x25: {  	s10 =	rddreg [dreg:$0x10]  }
0x26: {  	[tilespmem:s17], [sflag:$0x2] =	stream.linear.gather [hbm4b:s8+s4], $0x80, $0x38;
	[tilespmem:$0x1C000] =	vst v63  }
0x27: {  	s9 =	rddreg [dreg:$0xf];
	s2 =	sshrl.u32 s10, $0x3  }
0x28: {  	[tilespmem:s18], [sflag:$0x2] =	stream.linear.gather [hbm4b:s9+s4], $0x80, $0x38;
	[tilespmem:$0x1C000] =	vst v63  }
0x29: {  	[spmem:s2], [sflag:s12] =	dma.local [hbm:s11], $0x2780  }
0x2a: {  	_ =	swait.ge [sflag:s19], $0x2780  }
0x2b: {  	[sflag:s19] =	ssyncset.done $0x0  }
0x2c: {  	[sflag:s19] =	ssyncadd.s32 $0xFFFFD880  }
0x2d: {  	s31 =	simm.s32 $0x5;
	s6 =	simm.s32 $0x0;
	[bflag:$0x0] =	sbarrier.arrive $0xFFFF  }
.LBB2_2:
0x2e: {  	_ =	swait.ge [sflag:s20], $0x80  }
0x2f: {  	[sflag:s20] =	ssyncset.done $0x0  }
0x30: {  	[sflag:s20] =	ssyncadd.s32 $0xFFFFFF80  }
0x31: {  	_ =	swait.ge [sflag:s20], $0x80  }
0x32: {  	p0 =	seq.s32 s6, $0x0;
	[sflag:s20] =	ssyncset.done $0x0  }
0x33: {  	s7 =	simm.s32 @!p0 $0x7;
	[sflag:s20] =	ssyncadd.s32 $0xFFFFFF80  }
0x34: {  	s8 =	sadd.s32 $0xFFFFFFFD, s31;
	_ =	swait.ge @!p0 [sflag:s7], $0x4000  }
0x35: {  	p1 =	sge.u32 s8, s5;
	[sflag:s7] =	ssyncset.done @!p0 $0x0  }
0x36: {  	s9 =	simm.s32 @!p1 $0x0;
	[sflag:s7] =	ssyncadd.s32 @!p0 $0xFFFFC000;
	s7 =	rddreg [dreg:$0x5]  }
0x37: {  	[tilespmem:s21], [sflag:$0x5] =	stream.indirect.gather [hbm4b:s1+s17], $0x80, s4, s17, $0xb8;
	[tilespmem:$0x1C000] =	vst v63  }
0x38: {  	s10 =	simm.s32 @!p1 $0x100;
	s8 =	rddreg [dreg:$0x6];
	s7 =	sadd.s32 @!p1 s6, s7  }
0x39: {  	[tilespmem:s10], [sflag:$0x3] =	stream.linear.gather @!p1 [hbm4b:s7+s9], $0x80, $0x38;
	[tilespmem:$0x1C000] =	vst v63  }
0x3a: {  	s7 =	sadd.s32 @!p1 s6, s8;
	s8 =	simm.s32 @!p1 $0x300  }
0x3b: {  	[tilespmem:s8], [sflag:$0x3] =	stream.linear.gather @!p1 [hbm4b:s7+s9], $0x80, $0x38;
	[tilespmem:$0x1C000] =	vst v63  }
0x3c: {  	s7 =	simm.s32 @p0 $0x2  }
0x3d: {  	_ =	swait.ge @p0 [sflag:s7], $0x80  }
0x3e: {  	[sflag:s7] =	ssyncset.done @p0 $0x0  }
0x3f: {  	[sflag:s7] =	ssyncadd.s32 @p0 $0xFFFFFF80  }
0x40: {  	_ =	swait.ge @p0 [sflag:s7], $0x80  }
0x41: {  	[sflag:s7] =	ssyncset.done @p0 $0x0  }
0x42: {  	[sflag:s7] =	ssyncadd.s32 @p0 $0xFFFFFF80;
	s7 =	simm.s32 @!p0 $0x6  }
0x43: {  	_ =	swait.ge @!p0 [sflag:s7], $0x4000  }
0x44: {  	s8 =	simm.s32 @!p0 $0x380;
	[sflag:s7] =	ssyncset.done @!p0 $0x0  }
0x45: {  	s9 =	simm.s32 @!p0 $0x4400;
	[sflag:s7] =	ssyncadd.s32 @!p0 $0xFFFFC000;
	s7 =	simm.s32 @!p0 $0x80  }
0x46: {  	[spmem:s3] =	stream.indirect.scatter.add.f32 @!p0 [tilespmem:s9], [sflag:$0x8], $0x80, s8, s7, $0xb8;
	[tilespmem:$0x1C000] =	vst v63  }
0x47: {  	s7 =	simm.s32 @!p0 $0x2  }
0x48: {  	_ =	swait.ge @!p0 [sflag:s7], $0x80  }
0x49: {  	[sflag:s7] =	ssyncset.done @!p0 $0x0  }
0x4a: {  	[sflag:s7] =	ssyncadd.s32 @!p0 $0xFFFFFF80  }
0x4b: {  	_ =	swait.ge @!p0 [sflag:s7], $0x80  }
0x4c: {  	[sflag:s7] =	ssyncset.done @!p0 $0x0  }
0x4d: {  	[sflag:s7] =	ssyncadd.s32 @!p0 $0xFFFFFF80;
	s7 =	simm.s32 @!p0 $0x8  }
0x4e: {  	_ =	swait.ge @!p0 [sflag:s7], $0x4000  }
0x4f: {  	s8 =	sadd.s32 $0xFFFFFFFE, s31;
	[sflag:s7] =	ssyncset.done @!p0 $0x0  }
0x50: {  	[sflag:s7] =	ssyncadd.s32 @!p0 $0xFFFFC000;
	p0 =	sge.u32 s8, s5  }
0x51: {  	[tilespmem:s22], [sflag:$0x6] =	stream.indirect.gather [hbm4b:s1+s17], $0x80, s17, s17, $0xb8;
	[tilespmem:$0x1C000] =	vst v63  }
0x52: {  	s7 =	sadd.s32 @!p0 s6, s14  }
0x53: {  	s8 =	simm.s32 @!p0 $0x0;
	s9 =	simm.s32 @!p0 $0x180;
	s7 =	sadd.s32 @!p0 $0x30, s7  }
0x54: {  	[tilespmem:s9], [sflag:$0x4] =	stream.linear.gather @!p0 [hbm4b:s7+s8], $0x80, $0x38;
	[tilespmem:$0x1C000] =	vst v63  }
0x55: {  	s7 =	sadd.s32 @!p0 s6, s15  }
0x56: {  	s9 =	simm.s32 @!p0 $0x380;
	s7 =	sadd.s32 @!p0 $0x30, s7  }
0x57: {  	[tilespmem:s9], [sflag:$0x4] =	stream.linear.gather @!p0 [hbm4b:s7+s8], $0x80, $0x38;
	[tilespmem:$0x1C000] =	vst v63  }
0x58: {  	_ =	swait.ge [sflag:s23], $0x4000  }
0x59: {  	[sflag:s23] =	ssyncset.done $0x0  }
0x5a: {  	[sflag:s23] =	ssyncadd.s32 $0xFFFFC000  }
0x5b: {  	[spmem:s3] =	stream.indirect.scatter.add.f32 [tilespmem:s21], [sflag:$0x7], $0x80, s16, s17, $0xb8;
	[tilespmem:$0x1C000] =	vst v63  }
0x5c: {  	_ =	swait.ge [sflag:s25], $0x80  }
0x5d: {  	[sflag:s25] =	ssyncset.done $0x0  }
0x5e: {  	[sflag:s25] =	ssyncadd.s32 $0xFFFFFF80  }
0x5f: {  	_ =	swait.ge [sflag:s25], $0x80  }
0x60: {  	[sflag:s25] =	ssyncset.done $0x0  }
0x61: {  	[sflag:s25] =	ssyncadd.s32 $0xFFFFFF80  }
0x62: {  	_ =	swait.ge [sflag:s26], $0x4000  }
0x63: {  	s10 =	sadd.s32 $0xFFFFFFFF, s31;
	s9 =	rddreg [dreg:$0x9];
	[sflag:s26] =	ssyncset.done $0x0  }
0x64: {  	p0 =	sge.u32 s10, s5;
	s7 =	rddreg [dreg:$0x7];
	[sflag:s26] =	ssyncadd.s32 $0xFFFFC000  }
0x65: {  	[tilespmem:s21], [sflag:$0x5] =	stream.indirect.gather [hbm4b:s1+s17], $0x80, s9, s17, $0xb8;
	[tilespmem:$0x1C000] =	vst v63  }
0x66: {  	s8 =	rddreg [dreg:$0x8];
	s7 =	sadd.s32 @!p0 s6, s7;
	s9 =	simm.s32 @!p0 $0x0  }
0x67: {  	[tilespmem:s9], [sflag:$0x1] =	stream.linear.gather @!p0 [hbm4b:s7+s9], $0x80, $0x38;
	[tilespmem:$0x1C000] =	vst v63  }
0x68: {  	s7 =	sadd.s32 @!p0 s6, s8;
	s8 =	simm.s32 @!p0 $0x200  }
0x69: {  	[tilespmem:s8], [sflag:$0x1] =	stream.linear.gather @!p0 [hbm4b:s7+s9], $0x80, $0x38;
	[tilespmem:$0x1C000] =	vst v63  }
0x6a: {  	_ =	swait.ge [sflag:s28], $0x4000  }
0x6b: {  	[sflag:s28] =	ssyncset.done $0x0  }
0x6c: {  	[sflag:s28] =	ssyncadd.s32 $0xFFFFC000  }
0x6d: {  	[spmem:s3] =	stream.indirect.scatter.add.f32 [tilespmem:s22], [sflag:$0x8], $0x80, s18, s17, $0xb8;
	[tilespmem:$0x1C000] =	vst v63  }
0x6e: {  	_ =	swait.ge [sflag:s29], $0x80  }
0x6f: {  	[sflag:s29] =	ssyncset.done $0x0  }
0x70: {  	[sflag:s29] =	ssyncadd.s32 $0xFFFFFF80  }
0x71: {  	_ =	swait.ge [sflag:s29], $0x80  }
0x72: {  	[sflag:s29] =	ssyncset.done $0x0  }
0x73: {  	[sflag:s29] =	ssyncadd.s32 $0xFFFFFF80  }
0x74: {  	_ =	swait.ge [sflag:s30], $0x4000  }
0x75: {  	p0 =	sge.u32 s31, s5;
	[sflag:s30] =	ssyncset.done $0x0  }
0x76: {  	s7 =	sadd.s32 @!p0 s6, s14;
	s8 =	rddreg [dreg:$0xa];
	[sflag:s30] =	ssyncadd.s32 $0xFFFFC000  }
0x77: {  	[tilespmem:s22], [sflag:$0x6] =	stream.indirect.gather [hbm4b:s1+s17], $0x80, s8, s17, $0xb8;
	[tilespmem:$0x1C000] =	vst v63  }
0x78: {  	s9 =	simm.s32 @!p0 $0x80;
	s7 =	sadd.s32 @!p0 $0x50, s7;
	s8 =	simm.s32 @!p0 $0x0  }
0x79: {  	[tilespmem:s9], [sflag:$0x2] =	stream.linear.gather @!p0 [hbm4b:s7+s8], $0x80, $0x38;
	[tilespmem:$0x1C000] =	vst v63  }
0x7a: {  	s7 =	sadd.s32 @!p0 s6, s15  }
0x7b: {  	s9 =	simm.s32 @!p0 $0x280;
	s7 =	sadd.s32 @!p0 $0x50, s7  }
0x7c: {  	[tilespmem:s9], [sflag:$0x2] =	stream.linear.gather @!p0 [hbm4b:s7+s8], $0x80, $0x38;
	[tilespmem:$0x1C000] =	vst v63  }
0x7d: {  	_ =	swait.ge [sflag:s23], $0x4000  }
0x7e: {  	s6 =	sadd.s32 $0x40, s6;
	s10 =	rddreg [dreg:$0x4]  }
0x7f: {  	p0 =	sne.s32 s10, s6  }
.Ltmp0:
0x80: {  	_ = 	snop;
	(pc) =	sbr.rel @p0 .LBB2_2-.Ltmp0, $4  }
0x81: {  	_ = 	snop  }
0x82: {  	[sflag:s23] =	ssyncset.done $0x0  }
0x83: {  	s31 =	sadd.s32 $0x4, s31;
	s9 =	rddreg [dreg:$0xb];
	[sflag:s23] =	ssyncadd.s32 $0xFFFFC000  }
0x84: {  	[spmem:s3] =	stream.indirect.scatter.add.f32 [tilespmem:s21], [sflag:$0x7], $0x80, s9, s17, $0xb8;
	[tilespmem:$0x1C000] =	vst v63  }
0x85: {  	_ =	swait.ge [sflag:s28], $0x4000  }
0x86: {  	[sflag:s28] =	ssyncset.done $0x0  }
0x87: {  	s6 =	simm.s32 $0x380;
	[sflag:s28] =	ssyncadd.s32 $0xFFFFC000  }
0x88: {  	[spmem:s3] =	stream.indirect.scatter.add.f32 [tilespmem:s22], [sflag:$0x8], $0x80, s6, s17, $0xb8;
	[tilespmem:$0x1C000] =	vst v63  }
0x89: {  	_ =	swait.ge [sflag:s26], $0x4000  }
0x8a: {  	[sflag:s26] =	ssyncset.done $0x0  }
0x8b: {  	[sflag:s26] =	ssyncadd.s32 $0xFFFFC000  }
0x8c: {  	_ =	swait.ge [sflag:s30], $0x4000  }
0x8d: {  	s0 =	sadd.s32 $0x1, s0;
	[sflag:s30] =	ssyncset.done $0x0  }
0x8e: {  	p0 =	sne.s32 s0, s13;
	[sflag:s30] =	ssyncadd.s32 $0xFFFFC000  }
.Ltmp1:
0x8f: {  	[bflag:$0x0] =	sbarrier.arrive $0xFFFF;
	(pc) =	sbr.rel @p0 .LBB2_1-.Ltmp1, $4  }
0x90: {  	[hbm:s24], [sflag:s12] =	dma.local [spmem:s2], $0x2780  }
0x91: {  	_ =	swait.ge [sflag:s19], $0x2780  }
0x92: {  	[sflag:s19] =	ssyncset.done $0x0  }
0x93: {  	[sflag:s19] =	ssyncadd.s32 $0xFFFFD880  }
0x94: {  	_ =	sfence.sel $0x180000  }
0x95: {  	[bflag:$0x0] =	sbarrier.arrive $0xFFFF  }
0x96: {  	_ =	strace $0x9000004D  }
0x97: {  	s0 =	stileid.u32;
	[bflag:$0x2] =	sbarrier.arrive $0xFFFF  }
0x98: {  	p0 =	sne.s32 s0, $0x0;
	s0 =	rddreg [dreg:$0x3]  }
0x99: {  	s0 =	sadd.s32 @!p0 $0x100000, s0  }
0x9a: {  	[sflag:s0] =	ssyncadd.tile.s32 @!p0 $0x1;
	_ =	shalt  }
.Lfunc_end2:
_tile_overlayer_lowered:
.L_overlay_start_2:
0x9b: {  	(tag) =	ssettag $0x2  }
0x9c: {  	s0 =	rddreg [dreg:$0x0];
	s2 =	stileid.u32  }
0x9d: {  	s1 =	rddreg [dreg:$0x1];
	p0 =	sne.s32 s2, $0x0  }
0x9e: {  	s3 =	rddreg [dreg:$0x2];
	[bflag:$0x3] =	sbarrier.arrive $0xFFFF;
	s2 =	simm.s32 @!p0 $0x1C09  }
0x9f: {  	[timem:s3], [sflag:s2] =	dma.local @!p0 [hbm:s0], s1  }
0xa0: {  	s0 =	simm.s32 @!p0 $0x9  }
0xa1: {  	_ =	swait.ge @!p0 [sflag:s0], s1  }
0xa2: {  	s1 =	ssub.s32 @!p0 $0x0, s1;
	[sflag:s0] =	ssyncset.done @!p0 $0x0  }
0xa3: {  	[sflag:s0] =	ssyncadd.s32 @!p0 s1  }
0xa4: {  	[bflag:$0x3] =	sbarrier.arrive $0xFFFF  }
0xa5: {  	_ =	shalt  }

// kernel: kernel.8.cloned.1.call-start
scs
__scs_entry_jumppad:
0x0: {  	(pc) =	sbr.rel $0x88, $3  }
0x1: {  	(tag) =	ssettag $0x0;
	lr =	simm.s32 $0x1  }
0x2: {  	[smem:$0x3F97] =	sst lr;
	_ =	strace $0xD0000000  }
0x3: {  	_ = 	snop  }
0x4: {  	_ = 	snop  }
0x5: {  	_ = 	snop  }
0x6: {  	_ = 	snop  }
0x7: {  	_ = 	snop  }
__scs_overlays_trampoline_lowered:
0x8: {  	[smem:$0x3FA6] =	sst s0  }
0x9: {  	[smem:$0x3FA7] =	sst s1  }
0xa: {  	[smem:$0x3FA8] =	sst s2  }
0xb: {  	[smem:$0x3FA9] =	sst s3  }
0xc: {  	[smem:$0x3FAA] =	sst s4  }
0xd: {  	[smem:$0x3FAB] =	sst s5  }
0xe: {  	[smem:$0x3FAC] =	sst s6  }
0xf: {  	[smem:$0x3FAD] =	sst s7  }
0x10: {  	[smem:$0x3FAE] =	sst s8  }
0x11: {  	[smem:$0x3FAF] =	sst s9;
	s0 =	simm.s32 @!p0 $0x0  }
0x12: {  	s1 =	sld [smem:$0x3F95];
	s0 =	simm.s32 @p0 $0x1  }
0x13: {  	[smem:$0x3FB0] =	sst s0;
	s0 =	simm.s32 @!p1 $0x0  }
0x14: {  	s2 =	sld [smem:$0x3F94];
	s0 =	simm.s32 @p1 $0x1  }
0x15: {  	[smem:$0x3FB1] =	sst s0;
	s0 =	simm.s32 @!p2 $0x0  }
0x16: {  	s3 =	sld [smem:$0x3FDB];
	s0 =	simm.s32 @p2 $0x1  }
0x17: {  	s4 =	simm.s32 $0x1BF5;
	[smem:$0x3FB3] =	sst s0  }
0x18: {  	s0 =	sld [smem:$0x3F96];
	_ =	swait.ge [sflag:s4], $0x0  }
0x19: {  	s7 =	sld [smem:$0x3F97]  }
0x1a: {  	s8 =	sadd.s32 $0xFFFFE003, lr  }
0x1b: {  	s9 =	sadd.s32 $0xFFFFFEF7, lr;
	s5 =	simm.s32 $0xFFFFFFFF;
	p2 =	slt.u32 s8, $0xFFFFF086  }
0x1c: {  	p1 =	slt.u32 s9, $0xF7A;
	s5 =	simm.s32 @!p2 $0x0  }
0x1d: {  	s5 =	simm.s32 @p1 $0x1;
	p0 =	seq.s32 s7, s2  }
0x1e: {  	s7 =	smul.u32 @!p0 $0xF7A, s2;
	p2 =	seq.s32 @!p0 s5, $0x0  }
0x1f: {  	s9 =	smul.u32 $0xF7A, s1;
	s8 =	simm.s32 @!p0 $0x1BF5;
	p2 =	por !p2, p0  }
0x20: {  	[sflag:s8] =	ssyncset.s32 @!p0 $0xFFFFF086;
	s6 =	sadd.s32 @!p0 s3, s7;
	s7 =	simm.s32 @!p0 $0x108  }
0x21: {  	s3 =	sadd.s32 s3, s9;
	s6 =	sadd.s32 @!p0 $0x88, s6;
	s7 =	simm.s32 @p2 $0x1082  }
0x22: {  	[simem:s7], [sflag:s8] =	dma.local @!p0 [hbm:s6], $0xF7A  }
0x23: {  	s9 =	sor.u32 $0xD0000000, s2;
	s6 =	simm.s32 $0x108;
	_ =	swait.ge @!p0 [sflag:s8], $0x0  }
0x24: {  	s3 =	sadd.s32 $0x88, s3;
	s6 =	simm.s32 @!p1 $0x1082;
	[sflag:s4] =	ssyncset.s32 $0xFFFFF086  }
0x25: {  	[simem:s6], [sflag:s4] =	dma.local [hbm:s3], $0xF7A  }
0x26: {  	[smem:$0x3F97] =	sst s1;
	(tag) =	ssettag s2;
	_ =	strace s9  }
0x27: {  	s1 =	sld [smem:$0x3FA7]  }
0x28: {  	s2 =	sld [smem:$0x3FA8]  }
0x29: {  	s4 =	sld [smem:$0x3FAA]  }
0x2a: {  	p0 =	seq.s32 s5, $0x0;
	s5 =	sld [smem:$0x3FAB]  }
0x2b: {  	s6 =	sld [smem:$0x3FAC]  }
0x2c: {  	s7 =	sld [smem:$0x3FAD]  }
0x2d: {  	s3 =	simm.s32 $0x108;
	s8 =	sld [smem:$0x3FAE]  }
0x2e: {  	s3 =	simm.s32 @!p0 $0x1082;
	s9 =	sld [smem:$0x3FAF]  }
0x2f: {  	lr =	sadd.s32 s0, s3;
	s0 =	sld [smem:$0x3FA6]  }
0x30: {  	s3 =	sld [smem:$0x3FA9]  }
0x31: {  	[smem:$0x3FB2] =	sst s10  }
0x32: {  	s10 =	sld [smem:$0x3FB0];
	_ =	sdelay $0x3  }
0x33: {  	p0 =	seq.s32 s10, $0x1;
	s10 =	sld [smem:$0x3FB2];
	_ =	sdelay $0x3  }
0x34: {  	[smem:$0x3FB2] =	sst s10  }
0x35: {  	s10 =	sld [smem:$0x3FB1];
	_ =	sdelay $0x3  }
0x36: {  	p1 =	seq.s32 s10, $0x1;
	s10 =	sld [smem:$0x3FB2];
	_ =	sdelay $0x3  }
0x37: {  	[smem:$0x3FB2] =	sst s10  }
0x38: {  	s10 =	sld [smem:$0x3FB3]  }
0x39: {  	_ = 	snop;
	(pc) =	sbr.ind lr, $3  }
0x3a: {  	_ = 	snop  }
0x3b: {  	_ = 	snop  }
0x3c: {  	p2 =	seq.s32 s10, $0x1;
	s10 =	sld [smem:$0x3FB2]  }
0x3d: {  	_ =	shalt  }
0x3e: {  	_ =	shalt  }
0x3f: {  	_ =	shalt  }
0x40: {  	_ =	shalt  }
0x41: {  	_ =	shalt  }
0x42: {  	_ =	shalt  }
0x43: {  	_ =	shalt  }
0x44: {  	_ =	shalt  }
0x45: {  	_ =	shalt  }
0x46: {  	_ =	shalt  }
0x47: {  	_ =	shalt  }
0x48: {  	_ =	shalt  }
0x49: {  	_ =	shalt  }
0x4a: {  	_ =	shalt  }
0x4b: {  	_ =	shalt  }
0x4c: {  	_ =	shalt  }
0x4d: {  	_ =	shalt  }
0x4e: {  	_ =	shalt  }
0x4f: {  	_ =	shalt  }
0x50: {  	_ =	shalt  }
0x51: {  	_ =	shalt  }
0x52: {  	_ =	shalt  }
0x53: {  	_ =	shalt  }
0x54: {  	_ =	shalt  }
0x55: {  	_ =	shalt  }
0x56: {  	_ =	shalt  }
0x57: {  	_ =	shalt  }
0x58: {  	_ =	shalt  }
0x59: {  	_ =	shalt  }
0x5a: {  	_ =	shalt  }
0x5b: {  	_ =	shalt  }
0x5c: {  	_ =	shalt  }
0x5d: {  	_ =	shalt  }
0x5e: {  	_ =	shalt  }
0x5f: {  	_ =	shalt  }
0x60: {  	_ =	shalt  }
0x61: {  	_ =	shalt  }
0x62: {  	_ =	shalt  }
0x63: {  	_ =	shalt  }
0x64: {  	_ =	shalt  }
0x65: {  	_ =	shalt  }
0x66: {  	_ =	shalt  }
0x67: {  	_ =	shalt  }
0x68: {  	_ =	shalt  }
0x69: {  	_ =	shalt  }
0x6a: {  	_ =	shalt  }
0x6b: {  	_ =	shalt  }
0x6c: {  	_ =	shalt  }
0x6d: {  	_ =	shalt  }
0x6e: {  	_ =	shalt  }
0x6f: {  	_ =	shalt  }
0x70: {  	_ =	shalt  }
0x71: {  	_ =	shalt  }
0x72: {  	_ =	shalt  }
0x73: {  	_ =	shalt  }
0x74: {  	_ =	shalt  }
0x75: {  	_ =	shalt  }
0x76: {  	_ =	shalt  }
0x77: {  	_ =	shalt  }
0x78: {  	_ =	shalt  }
0x79: {  	_ =	shalt  }
0x7a: {  	_ =	shalt  }
0x7b: {  	_ =	shalt  }
0x7c: {  	_ =	shalt  }
0x7d: {  	_ =	shalt  }
0x7e: {  	_ =	shalt  }
0x7f: {  	_ =	shalt  }
0x80: {  	_ =	shalt  }
0x81: {  	_ =	shalt  }
0x82: {  	_ =	shalt  }
0x83: {  	_ =	shalt  }
0x84: {  	_ =	shalt  }
0x85: {  	_ =	shalt  }
0x86: {  	_ =	shalt  }
0x87: {  	_ =	shalt  }
.Lfunc_end0:
.L_simem_size_0:
called_computation_lowered:
.L_overlay_start_0:
0x88: {  	s2 =	sld [smem:$0x3FD9]  }
0x89: {  	s3 =	sld [smem:$0x3FFE];
	_ =	sdelay $0x1  }
0x8a: {  	s1 =	srdreg.scid  }
0x8b: {  	s0 =	sand.u32 $0x1, s1  }
0x8c: {  	s17 =	sshll.u32 s0, $0xA;
	s2 =	sadd.s32 s3, s2  }
0x8d: {  	s2 =	sadd.s32 s2, s17  }
0x8e: {  	[smem:$0x3FBE] =	sst s2  }
0x8f: {  	_ = 	snop  }
0x90: {  	s2 =	sld [smem:$0x3FD0];
	(tm) =	ssettm $0x1  }
0x91: {  	s18 =	sld [smem:$0x3FFB];
	_ =	sdelay $0x3  }
0x92: {  	_ =	strace s18  }
0x93: {  	s3 =	sld [smem:$0x3FFC];
	_ =	sdelay $0x3  }
0x94: {  	_ =	strace s3  }
0x95: {  	s3 =	sld [smem:$0x3FFD];
	_ =	sdelay $0x3  }
0x96: {  	_ =	strace s3  }
0x97: {  	_ =	strace $0x8FFFFFFF  }
0x98: {  	s19 =	sld [smem:$0x3FDB];
	_ =	sdelay $0x1  }
0x99: {  	s4 =	simm.s32 $_scs_section_size  }
0x9a: {  	s5 =	simm.s32 $_size__tile_overlayer_lowered;
	s6 =	simm.s32 $_tile_overlayer_lowered  }
0x9b: {  	s22 =	simm.s32 $0x1BFF;
	s21 =	sshll.u32 s6, $0x1;
	s3 =	sadd.s32 s4, s19  }
0x9c: {  	s7 =	simm.s32 $0x0;
	s20 =	sshll.u32 s5, $0x1;
	s5 =	sadd.s32 s21, s3  }
0x9d: {  	[timem:s7], [sflag:s22] =	dma.local [hbm:s5], s20  }
0x9e: {  	_ =	swait.ge [sflag:s22], s20  }
0x9f: {  	s4 =	ssub.s32 $0x0, s20;
	[sflag:s22] =	ssyncset.done $0x0  }
0xa0: {  	[sflag:s22] =	ssyncadd.s32 s4;
	_ =	sdelay $0x1  }
0xa1: {  	s23 =	simm.s32 $0x1B8B  }
0xa2: {  	_ =	swait.ge [sflag:s23], $0x1  }
0xa3: {  	[sflag:s23] =	ssyncset.done $0x0  }
0xa4: {  	s25 =	simm.s32 $0x1B8E;
	s24 =	sld [smem:$0x3FFE];
	[sflag:s23] =	ssyncadd.s32 $0xFFFFFFFF  }
0xa5: {  	s26 =	simm.s32 $execute0_lowered;
	[smem:$0x3FD2] =	sst s25  }
0xa6: {  	s5 =	sshll.u32 s26, $0x1;
	_ =	strace $0x80000046;
	[dreg:$0x1] =	wrdreg $0xFFFFFFFF  }
0xa7: {  	s28 =	simm.s32 $_size_execute0_lowered;
	s3 =	sadd.s32 s3, s5;
	[dreg:$0x0] =	wrdreg $0x0  }
0xa8: {  	s5 =	sshll.u32 s28, $0x1;
	[dreg:$0x2] =	wrdreg s3  }
0xa9: {  	[dreg:$0x3] =	wrdreg s5  }
0xaa: {  	[dreg:$0x4] =	wrdreg $0xC0  }
0xab: {  	_ =	task [dreg:s7], $0x5FFFF  }
0xac: {  	[dreg:$0x1] =	wrdreg $0xFFFFFFFF  }
0xad: {  	[dreg:$0x0] =	wrdreg $0x60  }
0xae: {  	[dreg:$0x2] =	wrdreg s24  }
0xaf: {  	[dreg:$0x3] =	wrdreg s2  }
0xb0: {  	[dreg:$0x4] =	wrdreg $0x42000  }
0xb1: {  	[dreg:$0x5] =	wrdreg $0x9  }
0xb2: {  	_ =	task.clear_ibuf [dreg:s7], $0x6FFFF;
	_ =	strace $0x90000046  }
0xb3: {  	s29 =	simm.s32 $0x9;
	_ =	strace $0x80000048  }
0xb4: {  	_ =	swait.ge [sflag:s29], $0x1  }
0xb5: {  	[sflag:s29] =	ssyncadd.s32 $0xFFFFFFFF  }
0xb6: {  	_ =	strace $0x90000048  }
0xb7: {  	_ =	sfence  }
0xb8: {  	s30 =	sld [smem:$0x0];
	_ =	sdelay $0x2  }
0xb9: {  	s31 =	sshll.u32 s1, $0xD;
	s1 =	sshrl.u32 s1, $0x2  }
0xba: {  	s3 =	sand.u32 $0x4000, s31;
	s1 =	sadd.s32 s1, s30  }
0xbb: {  	s0 =	sor.u32 s3, s0;
	s1 =	sshll.u32 s1, $0x11  }
0xbc: {  	s0 =	sor.u32 s1, s0  }
0xbd: {  	s0 =	sadd.s32 $0x8F2B, s0  }
0xbe: {  	[sflag:s0] =	ssyncadd.remote.s32 $0x1  }
0xbf: {  	_ =	sfence.sel $0xFFFF  }
0xc0: {  	[dreg:$0x0] =	wrdreg $0xFFFFFFFF;
	(pc) =	sbr.abs _section_cstart, $3  }
0xc1: {  	[dreg:$0x1] =	wrdreg $0xFFFFFFFF  }
0xc2: {  	_ =	task.clear_ibuf [dreg:s7], $0x2FFFF;
	_ =	strace $0x9FFFFFFF  }
0xc3: {  	(tm) =	ssettm $0x7FFFFFFF  }
tec
execute0_lowered:
.L_overlay_start_1:
0x0: {  	(tag) =	ssettag $0x1  }
0x1: {  	s1 =	srdreg.scid;
	s5 =	rddreg [dreg:$0x0]  }
0x2: {  	s0 =	stileid.u32;
	s2 =	rddreg [dreg:$0x1]  }
0x3: {  	s3 =	rddreg [dreg:$0x2];
	s22 =	smul.u32 $0x2780, s0  }
0x4: {  	s4 =	simm.s32 $0x0;
	s17 =	simm.s32 $0x2;
	s11 =	smul.u32 $0xFFFFFFB0, s0  }
0x5: {  	s20 =	simm.s32 $0x100;
	s18 =	simm.s32 $0x3;
	s25 =	smul.u32 $0x50, s0  }
0x6: {  	s19 =	simm.s32 $0x5;
	s6 =	sand.u32 $0x1, s1;
	s28 =	smul.u32 $0x4F000, s0  }
0x7: {  	[smem:$0x7FF] =	sst s4;
	s10 =	sadd.s32 $0x2600, s5;
	s7 =	smul.u32 $0x27800, s6  }
0x8: {  	s31 =	sshll.u32 s0, $0x6;
	s1 =	sshll.u32 s6, $0x4;
	s14 =	smul.u32 $0xFFFFFB00, s6  }
0x9: {  	s13 =	ssub.s32 $0x2, s6;
	s23 =	smul.u32 $0x500, s6;
	s8 =	sor.u32 s0, s1  }
0xa: {  	s1 =	rddreg [dreg:$0x3];
	_ =	strace $0x80000047;
	s12 =	sadd.s32 s22, s5  }
0xb: {  	s21 =	sshrl.u32 s13, $0x1;
	[dreg:$0x7] =	wrdreg s20;
	s9 =	smul.u32 $0x50, s8  }
0xc: {  	s20 =	simm.s32 $0x4;
	s8 =	smul.u32 $0x500, s8;
	s15 =	sadd.s32 s7, s5  }
0xd: {  	s13 =	ssub.s32 s13, s21;
	s26 =	sadd.s32 s14, s11;
	s11 =	sshrl.u32 s28, $0x2  }
0xe: {  	s14 =	sor.u32 $0x1C07, s31;
	s21 =	simm.s32 $0x6;
	s16 =	sadd.s32 s11, s3  }
0xf: {  	s11 =	simm.s32 $0x80;
	s24 =	ssub.s32 $0x9C4, s9;
	s6 =	sadd.s32 s10, s8  }
0x10: {  	s8 =	sadd.s32 $0x9C4, s26;
	s9 =	sadd.s32 s25, s23;
	s23 =	sadd.s32 $0x3DA00, s15  }
0x11: {  	s15 =	sshrl.u32 s16, $0x3;
	s16 =	simm.s32 $0x1;
	s5 =	smin.u32 s24, $0x50  }
0x12: {  	s7 =	sadd.s32 $0x10, s6;
	s8 =	smin.u32 s8, $0x50;
	s9 =	sshll.u32 s9, $0x4  }
0x13: {  	s24 =	simm.s32 $0x180;
	s22 =	sadd.s32 s22, s23;
	s23 =	simm.s32 $0x0  }
0x14: {  	s29 =	sshll.u32 s8, $0x4;
	s8 =	sadd.s32 s9, s10;
	[dreg:$0x8] =	wrdreg s24  }
0x15: {  	s9 =	sadd.s32 $0x16200, s12;
	[dreg:$0x4] =	wrdreg s29;
	s10 =	sadd.s32 $0x20, s8  }
0x16: {  	s12 =	simm.s32 $0x200;
	s30 =	sadd.s32 $0x40, s8;
	[dreg:$0x5] =	wrdreg s10  }
0x17: {  	s10 =	smax.u32 s13, $0x1;
	[dreg:$0x6] =	wrdreg s30;
	s13 =	simm.s32 $0x7  }
.LBB2_1:
0x18: {  	[tilespmem:s4], [sflag:$0x1] =	stream.linear.gather [hbm4b:s6+s4], $0x80, $0x38;
	[tilespmem:$0x17E00] =	vst v63  }
0x19: {  	_ = 	snop  }
0x1a: {  	[tilespmem:s11], [sflag:$0x2] =	stream.linear.gather [hbm4b:s7+s4], $0x80, $0x38;
	[tilespmem:$0x17E00] =	vst v63  }
0x1b: {  	_ = 	snop  }
0x1c: {  	[tilespmem:s12], [sflag:$0x7] =	stream.linear.gather [hbm4b:s2+s4], $0x4000, $0x38;
	[tilespmem:$0x17E00] =	vst v63  }
0x1d: {  	_ =	swait.ge [sflag:s13], $0x4000  }
0x1e: {  	[sflag:s13] =	ssyncset.done $0x0  }
0x1f: {  	[sflag:s13] =	ssyncadd.s32 $0xFFFFC000  }
0x20: {  	[spmem:s15], [sflag:s14] =	dma.local [hbm:s9], $0x2780  }
0x21: {  	_ =	swait.ge [sflag:s13], $0x2780  }
0x22: {  	[sflag:s13] =	ssyncset.done $0x0  }
0x23: {  	[sflag:s13] =	ssyncadd.s32 $0xFFFFD880  }
0x24: {  	s24 =	simm.s32 $0x5;
	s25 =	simm.s32 $0x0;
	[bflag:$0x0] =	sbarrier.arrive $0xFFFF  }
.LBB2_2:
0x25: {  	_ =	swait.ge [sflag:s16], $0x80  }
0x26: {  	p0 =	seq.s32 s25, $0x0;
	[sflag:s16] =	ssyncset.done $0x0  }
0x27: {  	s26 =	simm.s32 @!p0 $0x5;
	[sflag:s16] =	ssyncadd.s32 $0xFFFFFF80  }
0x28: {  	_ =	swait.ge @!p0 [sflag:s26], $0x4000  }
0x29: {  	s28 =	sadd.s32 $0xFFFFFFFD, s24;
	[sflag:s26] =	ssyncset.done @!p0 $0x0  }
0x2a: {  	p1 =	sge.u32 s28, s5;
	[sflag:s26] =	ssyncadd.s32 @!p0 $0xFFFFC000;
	s26 =	rddreg [dreg:$0x5]  }
0x2b: {  	[spmem:s3] =	stream.indirect.scatter.add.f32 [tilespmem:s12], [sflag:$0x5], $0x80, s4, s11, $0xb8;
	[tilespmem:$0x17E00] =	vst v63  }
0x2c: {  	s28 =	simm.s32 @!p1 $0x0;
	s29 =	simm.s32 @!p1 $0x100;
	s26 =	sadd.s32 @!p1 s25, s26  }
0x2d: {  	[tilespmem:s29], [sflag:$0x3] =	stream.linear.gather @!p1 [hbm4b:s26+s28], $0x80, $0x38;
	[tilespmem:$0x17E00] =	vst v63  }
0x2e: {  	_ =	swait.ge [sflag:s17], $0x80  }
0x2f: {  	[sflag:s17] =	ssyncset.done $0x0  }
0x30: {  	s26 =	simm.s32 @!p0 $0x6;
	[sflag:s17] =	ssyncadd.s32 $0xFFFFFF80  }
0x31: {  	_ =	swait.ge @!p0 [sflag:s26], $0x4000  }
0x32: {  	s28 =	sadd.s32 $0xFFFFFFFE, s24;
	[sflag:s26] =	ssyncset.done @!p0 $0x0  }
0x33: {  	[sflag:s26] =	ssyncadd.s32 @!p0 $0xFFFFC000;
	p0 =	sge.u32 s28, s5  }
0x34: {  	[spmem:s3] =	stream.indirect.scatter.add.f32 [tilespmem:s12], [sflag:$0x6], $0x80, s11, s11, $0xb8;
	[tilespmem:$0x17E00] =	vst v63  }
0x35: {  	s26 =	sadd.s32 @!p0 s25, s8  }
0x36: {  	s28 =	simm.s32 @!p0 $0x0;
	s29 =	simm.s32 @!p0 $0x180;
	s26 =	sadd.s32 @!p0 $0x30, s26  }
0x37: {  	[tilespmem:s29], [sflag:$0x4] =	stream.linear.gather @!p0 [hbm4b:s26+s28], $0x80, $0x38;
	[tilespmem:$0x17E00] =	vst v63  }
0x38: {  	_ =	swait.ge [sflag:s18], $0x80  }
0x39: {  	[sflag:s18] =	ssyncset.done $0x0  }
0x3a: {  	[sflag:s18] =	ssyncadd.s32 $0xFFFFFF80  }
0x3b: {  	_ =	swait.ge [sflag:s19], $0x4000  }
0x3c: {  	s30 =	sadd.s32 $0xFFFFFFFF, s24;
	s29 =	rddreg [dreg:$0x7];
	[sflag:s19] =	ssyncset.done $0x0  }
0x3d: {  	p0 =	sge.u32 s30, s5;
	s26 =	rddreg [dreg:$0x6];
	[sflag:s19] =	ssyncadd.s32 $0xFFFFC000  }
0x3e: {  	[spmem:s3] =	stream.indirect.scatter.add.f32 [tilespmem:s12], [sflag:$0x5], $0x80, s29, s11, $0xb8;
	[tilespmem:$0x17E00] =	vst v63  }
0x3f: {  	s28 =	simm.s32 @!p0 $0x0;
	s26 =	sadd.s32 @!p0 s25, s26  }
0x40: {  	[tilespmem:s28], [sflag:$0x1] =	stream.linear.gather @!p0 [hbm4b:s26+s28], $0x80, $0x38;
	[tilespmem:$0x17E00] =	vst v63  }
0x41: {  	_ =	swait.ge [sflag:s20], $0x80  }
0x42: {  	[sflag:s20] =	ssyncset.done $0x0  }
0x43: {  	[sflag:s20] =	ssyncadd.s32 $0xFFFFFF80  }
0x44: {  	p0 =	sge.u32 s24, s5;
	_ =	swait.ge [sflag:s21], $0x4000  }
0x45: {  	s26 =	sadd.s32 @!p0 s25, s8;
	s28 =	simm.s32 @!p0 $0x0;
	[sflag:s21] =	ssyncset.done $0x0  }
0x46: {  	s29 =	simm.s32 @!p0 $0x80;
	s31 =	rddreg [dreg:$0x8];
	[sflag:s21] =	ssyncadd.s32 $0xFFFFC000  }
0x47: {  	[spmem:s3] =	stream.indirect.scatter.add.f32 [tilespmem:s12], [sflag:$0x6], $0x80, s31, s11, $0xb8;
	[tilespmem:$0x17E00] =	vst v63  }
0x48: {  	s25 =	sadd.s32 $0x40, s25;
	s26 =	sadd.s32 @!p0 $0x50, s26;
	s30 =	rddreg [dreg:$0x4]  }
0x49: {  	[tilespmem:s29], [sflag:$0x2] =	stream.linear.gather @!p0 [hbm4b:s26+s28], $0x80, $0x38;
	[tilespmem:$0x17E00] =	vst v63  }
0x4a: {  	p0 =	sne.s32 s30, s25  }
.Ltmp0:
0x4b: {  	_ = 	snop;
	(pc) =	sbr.rel @p0 .LBB2_2-.Ltmp0, $2  }
0x4c: {  	_ =	sdelay $0x2  }
0x4d: {  	s24 =	sadd.s32 $0x4, s24  }
0x4e: {  	_ =	swait.ge [sflag:s19], $0x4000  }
0x4f: {  	[sflag:s19] =	ssyncset.done $0x0  }
0x50: {  	[sflag:s19] =	ssyncadd.s32 $0xFFFFC000  }
0x51: {  	_ =	swait.ge [sflag:s21], $0x4000  }
0x52: {  	s23 =	sadd.s32 $0x1, s23;
	[sflag:s21] =	ssyncset.done $0x0  }
0x53: {  	p0 =	sne.s32 s23, s10;
	[sflag:s21] =	ssyncadd.s32 $0xFFFFC000  }
.Ltmp1:
0x54: {  	[bflag:$0x0] =	sbarrier.arrive $0xFFFF;
	(pc) =	sbr.rel @p0 .LBB2_1-.Ltmp1, $4  }
0x55: {  	[hbm:s22], [sflag:s14] =	dma.local [spmem:s15], $0x2780  }
0x56: {  	_ =	swait.ge [sflag:s13], $0x2780  }
0x57: {  	[sflag:s13] =	ssyncset.done $0x0  }
0x58: {  	[sflag:s13] =	ssyncadd.s32 $0xFFFFD880  }
0x59: {  	_ =	sfence.sel $0x180000  }
0x5a: {  	[bflag:$0x0] =	sbarrier.arrive $0xFFFF  }
0x5b: {  	p0 =	sne.s32 s0, $0x0;
	_ =	strace $0x90000047  }
0x5c: {  	s0 =	sadd.s32 @!p0 $0x100000, s1;
	[bflag:$0x2] =	sbarrier.arrive $0xFFFF  }
0x5d: {  	[sflag:s0] =	ssyncadd.tile.s32 @!p0 $0x1;
	_ =	shalt  }
.Lfunc_end2:
_tile_overlayer_lowered:
.L_overlay_start_2:
0x5e: {  	(tag) =	ssettag $0x2  }
0x5f: {  	s0 =	rddreg [dreg:$0x0];
	s2 =	stileid.u32  }
0x60: {  	s1 =	rddreg [dreg:$0x1];
	p0 =	sne.s32 s2, $0x0  }
0x61: {  	s3 =	rddreg [dreg:$0x2];
	[bflag:$0x3] =	sbarrier.arrive $0xFFFF;
	s2 =	simm.s32 @!p0 $0x1C07  }
0x62: {  	[timem:s3], [sflag:s2] =	dma.local @!p0 [hbm:s0], s1  }
0x63: {  	s0 =	simm.s32 @!p0 $0x7  }
0x64: {  	_ =	swait.ge @!p0 [sflag:s0], s1  }
0x65: {  	s1 =	ssub.s32 @!p0 $0x0, s1;
	[sflag:s0] =	ssyncset.done @!p0 $0x0  }
0x66: {  	[sflag:s0] =	ssyncadd.s32 @!p0 s1  }
0x67: {  	[bflag:$0x3] =	sbarrier.arrive $0xFFFF  }
0x68: {  	_ =	shalt  }

</sc_bundles>
